<compile_context>
chip_gen: v7x
topology: tpu7x:2x2x1
jax: 0.10.2.dev20260603
libtpu: 0.0.44.dev20260713+nightly
codegen_flags: <defaults>
</compile_context>

<pallas_src>
import jax
import jax.numpy as jnp
from jax import lax
from jax.experimental import pallas as pl
from jax.experimental.pallas import tpu as pltpu
from jax.experimental.pallas import tpu_sc as plsc

_N = 10000
_E = 320000
_D = 128
_G = 64
_NPAD = 10240
_NSUB = 16
_NCORE = 2
_NW = _NCORE * _NSUB
_CH = 128
_EPW = 10240
_NCH = _EPW // _CH
_RPT = _NPAD // _NSUB

_F32 = jnp.float32


_SL = 128
_CB = 10496
_MTRASH = 10016
_CHR = 64


def _sc_restricted_body(feat_hbm, srci_hbm, dsti_hbm, slotf_hbm,
                        ones_hbm, zr_hbm, zc_hbm,
                        sum_out, cnt_out,
                        srcf, dstf, needtab, sidx0, sidx1, ones_v,
                        rbuf0, rbuf1, gsem0, gsem1, acc, cntacc, markacc):
    c = lax.axis_index("c")
    s = lax.axis_index("s")
    wid = c * _NSUB + s
    pltpu.sync_copy(slotf_hbm, needtab)
    pltpu.sync_copy(ones_hbm.at[pl.ds(0, _CHR)], ones_v)
    base = s * _RPT
    pltpu.sync_copy(zr_hbm, acc.at[pl.ds(base, _RPT)])
    pltpu.sync_copy(zc_hbm, cntacc.at[pl.ds(base, _RPT)])
    pltpu.sync_copy(zc_hbm.at[pl.ds(0, _RPT)], markacc.at[pl.ds(base, _RPT)])
    plsc.subcore_barrier()

    for p in range(2):
        slab = 2 * s + p
        pltpu.sync_copy(srci_hbm.at[slab], srcf.at[pl.ds(0, _EPW)])
        pltpu.sync_copy(dsti_hbm.at[slab], dstf.at[pl.ds(0, _EPW)])

        def scana(i, fcnt):
            dv = dstf[pl.ds(i * 16, 16)]
            sl = plsc.load_gather(needtab, [dv])
            m = sl >= 0.0
            sv = srcf[pl.ds(i * 16, 16)]
            plsc.store_compressed(srcf.at[pl.ds(fcnt, 16)], sv, mask=m)
            return fcnt + jnp.sum(m.astype(jnp.int32))

        fcnt = lax.fori_loop(0, _EPW // 16, scana, 0)

        if p == 1:
            def appf(i, fcnt):
                sl = needtab[pl.ds(base + i * 16, 16)]
                m = sl >= 0.0
                ids = (jnp.full((16,), base + i * 16, jnp.int32)
                       + lax.iota(jnp.int32, 16))
                plsc.store_compressed(srcf.at[pl.ds(fcnt, 16)], ids, mask=m)
                return fcnt + jnp.sum(m.astype(jnp.int32))

            fcnt = lax.fori_loop(0, _RPT // 16, appf, fcnt)

        off = (fcnt // 16) * 16
        for k in range(_CHR // 16 + 1):
            lanes = (jnp.full((16,), off + k * 16, jnp.int32)
                     + lax.iota(jnp.int32, 16))
            cur = srcf[pl.ds(off + k * 16, 16)]
            srcf[pl.ds(off + k * 16, 16)] = jnp.where(lanes >= fcnt, 0, cur)

        ncha = (fcnt + _CHR - 1) // _CHR

        def chunka(j, carry):
            for k in range(_CHR // 16):
                sidx0[pl.ds(k * 16, 16)] = srcf[pl.ds(j * _CHR + k * 16, 16)]
            pltpu.sync_copy(ones_v.at[pl.ds(0, _CHR)], markacc.at[sidx0],
                            add=True)
            return carry

        lax.fori_loop(0, ncha, chunka, 0)

    plsc.subcore_barrier()
    pltpu.sync_copy(markacc, needtab)
    pltpu.sync_copy(srci_hbm.at[wid], srcf.at[pl.ds(0, _EPW)])
    pltpu.sync_copy(dsti_hbm.at[wid], dstf.at[pl.ds(0, _EPW)])

    def scan(i, fcnt):
        dv = dstf[pl.ds(i * 16, 16)]
        nv = plsc.load_gather(needtab, [dv])
        m = nv > 0.0
        sv = srcf[pl.ds(i * 16, 16)]
        plsc.store_compressed(srcf.at[pl.ds(fcnt, 16)], sv, mask=m)
        plsc.store_compressed(dstf.at[pl.ds(fcnt, 16)], dv, mask=m)
        return fcnt + jnp.sum(m.astype(jnp.int32))

    fcnt = lax.fori_loop(0, _EPW // 16, scan, 0)

    off = (fcnt // 16) * 16
    for k in range(_CHR // 16 + 1):
        lanes = jnp.full((16,), off + k * 16, jnp.int32) + lax.iota(jnp.int32, 16)
        mpad = lanes >= fcnt
        cs = srcf[pl.ds(off + k * 16, 16)]
        srcf[pl.ds(off + k * 16, 16)] = jnp.where(mpad, 0, cs)
        cd = dstf[pl.ds(off + k * 16, 16)]
        dstf[pl.ds(off + k * 16, 16)] = jnp.where(mpad, _N, cd)

    nch = (fcnt + _CHR - 1) // _CHR

    @pl.when(nch > 0)
    def _g0():
        pltpu.async_copy(feat_hbm.at[srcf.at[pl.ds(0, _CHR)]], rbuf0, gsem0)

    @pl.when(nch > 1)
    def _g1():
        pltpu.async_copy(feat_hbm.at[srcf.at[pl.ds(_CHR, _CHR)]], rbuf1, gsem1)

    def chunk2(t, carry):
        j0 = 2 * t
        j1 = j0 + 1
        pltpu.make_async_copy(feat_hbm.at[srcf.at[pl.ds(j0 * _CHR, _CHR)]],
                              rbuf0, gsem0).wait()
        for k in range(_CHR // 16):
            sidx0[pl.ds(k * 16, 16)] = dstf[pl.ds(j0 * _CHR + k * 16, 16)]
        pltpu.sync_copy(rbuf0, acc.at[sidx0], add=True)
        pltpu.sync_copy(ones_v.at[pl.ds(0, _CHR)], cntacc.at[sidx0], add=True)

        @pl.when(j0 + 2 < nch)
        def _p0():
            pltpu.async_copy(feat_hbm.at[srcf.at[pl.ds((j0 + 2) * _CHR, _CHR)]],
                             rbuf0, gsem0)

        @pl.when(j1 < nch)
        def _odd():
            pltpu.make_async_copy(feat_hbm.at[srcf.at[pl.ds(j1 * _CHR, _CHR)]],
                                  rbuf1, gsem1).wait()
            for k in range(_CHR // 16):
                sidx1[pl.ds(k * 16, 16)] = dstf[pl.ds(j1 * _CHR + k * 16, 16)]
            pltpu.sync_copy(rbuf1, acc.at[sidx1], add=True)
            pltpu.sync_copy(ones_v.at[pl.ds(0, _CHR)], cntacc.at[sidx1],
                            add=True)

            @pl.when(j1 + 2 < nch)
            def _p1():
                pltpu.async_copy(
                    feat_hbm.at[srcf.at[pl.ds((j1 + 2) * _CHR, _CHR)]],
                    rbuf1, gsem1)

        return carry

    lax.fori_loop(0, (nch + 1) // 2, chunk2, 0)
    plsc.subcore_barrier()
    pltpu.sync_copy(acc.at[pl.ds(base, _RPT)], sum_out.at[c, pl.ds(base, _RPT)])
    pltpu.sync_copy(cntacc.at[pl.ds(base, _RPT)],
                    cnt_out.at[c, pl.ds(base, _RPT)])


_sc_restricted = pl.kernel(
    _sc_restricted_body,
    out_type=[jax.ShapeDtypeStruct((_NCORE, _NPAD, _D), _F32),
              jax.ShapeDtypeStruct((_NCORE, _NPAD), _F32)],
    mesh=plsc.VectorSubcoreMesh(core_axis_name="c", subcore_axis_name="s"),
    scratch_types=[
        pltpu.VMEM((_CB,), jnp.int32),
        pltpu.VMEM((10368,), jnp.int32),
        pltpu.VMEM((_NPAD,), _F32),
        pltpu.VMEM((_CHR,), jnp.int32),
        pltpu.VMEM((_CHR,), jnp.int32),
        pltpu.VMEM((_CHR,), _F32),
        pltpu.VMEM((_CHR, _D), _F32),
        pltpu.VMEM((_CHR, _D), _F32),
        pltpu.SemaphoreType.DMA,
        pltpu.SemaphoreType.DMA,
        pltpu.VMEM_SHARED((_NPAD, _D), _F32),
        pltpu.VMEM_SHARED((_NPAD,), _F32),
        pltpu.VMEM_SHARED((_NPAD,), _F32),
    ],
    compiler_params=pltpu.CompilerParams(needs_layout_passes=False),
)


def _sc_agg2_body(feat_hbm, srci_hbm, dsti_hbm, slot_hbm,
                  zr_hbm,
                  sum_out,
                  srcf, dstf, fslot, slottab, sidx, rbuf,
                  gsem, acc):
    c = lax.axis_index("c")
    s = lax.axis_index("s")
    wid = c * _NSUB + s
    pltpu.sync_copy(srci_hbm.at[wid], srcf.at[pl.ds(0, _EPW)])
    pltpu.sync_copy(dsti_hbm.at[wid], dstf.at[pl.ds(0, _EPW)])
    pltpu.sync_copy(slot_hbm, slottab)

    @pl.when(s == 0)
    def _zero():
        pltpu.sync_copy(zr_hbm.at[pl.ds(0, _SL)], acc)

    plsc.subcore_barrier()

    def scan(i, fcnt):
        dv = dstf[pl.ds(i * 16, 16)]
        sl = plsc.load_gather(slottab, [dv])
        m = sl >= 0
        sv = srcf[pl.ds(i * 16, 16)]
        plsc.store_compressed(srcf.at[pl.ds(fcnt, 16)], sv, mask=m)
        plsc.store_compressed(fslot.at[pl.ds(fcnt, 16)], sl, mask=m)
        return fcnt + jnp.sum(m.astype(jnp.int32))

    fcnt = lax.fori_loop(0, _EPW // 16, scan, 0)

    off = (fcnt // 16) * 16
    for k in range(_CH // 16 + 1):
        lanes = (jnp.full((16,), off + k * 16, jnp.int32)
                 + lax.iota(jnp.int32, 16))
        mpad = lanes >= fcnt
        cs = srcf[pl.ds(off + k * 16, 16)]
        srcf[pl.ds(off + k * 16, 16)] = jnp.where(mpad, 0, cs)
        cd = fslot[pl.ds(off + k * 16, 16)]
        fslot[pl.ds(off + k * 16, 16)] = jnp.where(mpad, _G, cd)

    nch = (fcnt + _CH - 1) // _CH

    def chunk(j, carry):
        for k in range(_CH // 16):
            sidx[pl.ds(k * 16, 16)] = fslot[pl.ds(j * _CH + k * 16, 16)]
        pltpu.async_copy(feat_hbm.at[srcf.at[pl.ds(j * _CH, _CH)]],
                         rbuf, gsem).wait()
        pltpu.sync_copy(rbuf, acc.at[sidx], add=True)
        return carry

    lax.fori_loop(0, nch, chunk, 0)
    plsc.subcore_barrier()

    @pl.when(s == 0)
    def _write():
        pltpu.sync_copy(acc, sum_out.at[c])


_sc_agg2 = pl.kernel(
    _sc_agg2_body,
    out_type=[jax.ShapeDtypeStruct((_NCORE, _SL, _D), _F32)],
    mesh=plsc.VectorSubcoreMesh(core_axis_name="c", subcore_axis_name="s"),
    scratch_types=[
        pltpu.VMEM((_CB,), jnp.int32),
        pltpu.VMEM((_EPW,), jnp.int32),
        pltpu.VMEM((_CB,), jnp.int32),
        pltpu.VMEM((_NPAD,), jnp.int32),
        pltpu.VMEM((_CH,), jnp.int32),
        pltpu.VMEM((_CH, _D), _F32),
        pltpu.SemaphoreType.DMA,
        pltpu.VMEM_SHARED((_SL, _D), _F32),
    ],
    compiler_params=pltpu.CompilerParams(needs_layout_passes=False),
)


_R = 1024

def _dot(a, b):
    return jnp.dot(a, b, preferred_element_type=_F32,
                   precision=lax.Precision.HIGHEST)


def _tc1_body(s0, s1, c0, c1, x, wl, bb, wr, o):
    cnt = jnp.maximum(c0[...] + c1[...], 1.0)
    mean = (s0[...] + s1[...]) / cnt
    h = _dot(mean, wl[...]) + bb[...] + _dot(x[...], wr[...])
    o[...] = jnp.maximum(h, 0.0)


def _tc1(s0, s1, c0, c1, xpad, wlT, b, wrT):
    bs_r = pl.BlockSpec((_R, _D), lambda i: (i, 0))
    bs_c = pl.BlockSpec((_R, 1), lambda i: (i, 0))
    bs_w = pl.BlockSpec((_D, _D), lambda i: (0, 0))
    bs_b = pl.BlockSpec((1, _D), lambda i: (0, 0))
    return pl.pallas_call(
        _tc1_body,
        grid=(_NPAD // _R,),
        in_specs=[bs_r, bs_r, bs_c, bs_c, bs_r, bs_w, bs_b, bs_w],
        out_specs=bs_r,
        out_shape=jax.ShapeDtypeStruct((_NPAD, _D), _F32),
    )(s0, s1, c0, c1, xpad, wlT, b, wrT)


def _firsts_body(b_ref, f_ref, slot_ref, slotf_ref):
    g = lax.broadcasted_iota(jnp.int32, (1, _G), 1)
    lt = (b_ref[...] < g).astype(jnp.int32)
    f = jnp.minimum(jnp.sum(lt, axis=0, keepdims=True), _N - 1)
    f_ref[...] = f
    rows = lax.broadcasted_iota(jnp.int32, (_NPAD, 1), 0)
    cand = jnp.where(rows == f, g, _G)
    sl = jnp.min(cand, axis=1, keepdims=True)
    sl = jnp.where(sl == _G, -1, sl)
    slot_ref[...] = sl
    slotf_ref[...] = sl.astype(_F32)


def _firsts(batchp):
    return pl.pallas_call(
        _firsts_body,
        grid=(1,),
        in_specs=[pl.BlockSpec((_NPAD, 1), lambda i: (0, 0))],
        out_specs=[pl.BlockSpec((1, _G), lambda i: (0, 0)),
                   pl.BlockSpec((_NPAD, 1), lambda i: (0, 0)),
                   pl.BlockSpec((_NPAD, 1), lambda i: (0, 0))],
        out_shape=[jax.ShapeDtypeStruct((1, _G), jnp.int32),
                   jax.ShapeDtypeStruct((_NPAD, 1), jnp.int32),
                   jax.ShapeDtypeStruct((_NPAD, 1), _F32)],
    )(batchp)


def _tcf_body(f, s0, s1, c0, c1, h, wl, bb, wr, o, acch, accc):
    i = pl.program_id(0)

    @pl.when(i == 0)
    def _init():
        acch[...] = jnp.zeros_like(acch)
        accc[...] = jnp.zeros_like(accc)

    rows = lax.broadcasted_iota(jnp.int32, (_R, 1), 0) + i * _R
    oh = (rows == f[...]).astype(_F32)

    def gat(b):
        return lax.dot_general(oh, b, (((0,), (0,)), ((), ())),
                               preferred_element_type=_F32,
                               precision=lax.Precision.HIGHEST)

    acch[...] += gat(h[...])
    accc[...] += gat(c0[...] + c1[...])

    @pl.when(i == _NPAD // _R - 1)
    def _fin():
        fv = f[...]
        gp = lax.broadcasted_iota(jnp.int32, (_G, _G), 1)
        eqm = jnp.reshape(fv, (_G, 1)) == fv
        dmin = jnp.min(jnp.where(eqm, gp, _G), axis=1, keepdims=True)
        P = (gp == dmin).astype(_F32)
        num_sel = _dot(P, s0[...] + s1[...])
        mean = num_sel / jnp.maximum(accc[...], 1.0)
        o[...] = _dot(mean, wl[...]) + bb[...] + _dot(acch[...], wr[...])


def _tcf(f, s0, s1, c0, c1, h, wlT, b, wrT):
    bs_r = pl.BlockSpec((_R, _D), lambda i: (i, 0))
    bs_rc = pl.BlockSpec((_R, 1), lambda i: (i, 0))
    bs_g = pl.BlockSpec((_G, _D), lambda i: (0, 0))
    bs_w = pl.BlockSpec((_D, _D), lambda i: (0, 0))
    bs_b = pl.BlockSpec((1, _D), lambda i: (0, 0))
    bs_f = pl.BlockSpec((1, _G), lambda i: (0, 0))
    return pl.pallas_call(
        _tcf_body,
        grid=(_NPAD // _R,),
        in_specs=[bs_f, bs_g, bs_g, bs_rc, bs_rc, bs_r, bs_w, bs_b, bs_w],
        out_specs=pl.BlockSpec((_G, _D), lambda i: (0, 0)),
        out_shape=jax.ShapeDtypeStruct((_G, _D), _F32),
        scratch_shapes=[pltpu.VMEM((_G, _D), _F32),
                        pltpu.VMEM((_G, 1), _F32)],
    )(f, s0, s1, c0, c1, h, wlT, b, wrT)


def kernel(x, edge_index, batch, W_l0, b_l0, W_r0, W_l1, b_l1, W_r1):
    src = edge_index[0]
    dst = edge_index[1]
    padlen = _NW * _EPW - _E
    srcp = jnp.concatenate([src, jnp.zeros((padlen,), jnp.int32)]
                           ).reshape(_NW, _NCH, _CH)
    dstp = jnp.concatenate([dst, jnp.full((padlen,), _N, jnp.int32)]
                           ).reshape(_NW, _NCH, _CH)
    ones = jnp.ones((_CH,), _F32)
    zr = jnp.zeros((_RPT, _D), _F32)
    zc = jnp.zeros((_RPT,), _F32)
    xpad = jnp.pad(x, ((0, _NPAD - _N), (0, 0)))
    batchp = jnp.pad(batch, (0, _NPAD - _N),
                     constant_values=_G - 1).reshape(_NPAD, 1)

    srcp2 = srcp.reshape(_NW, _EPW)
    dstp2 = dstp.reshape(_NW, _EPW)
    f, slot, slot32 = _firsts(batchp)
    slotf = slot.reshape(_NPAD)
    sum1, cnt1 = _sc_restricted(xpad, srcp2, dstp2, slot32.reshape(_NPAD),
                                ones, zr, zc)
    c10 = cnt1[0].reshape(_NPAD, 1)
    c11 = cnt1[1].reshape(_NPAD, 1)
    h = _tc1(sum1[0], sum1[1], c10, c11,
             xpad, W_l0.T, b_l0.reshape(1, _D), W_r0.T)
    (sum2,) = _sc_agg2(h, srcp2, dstp2, slotf, zr)
    return _tcf(f, sum2[0, :_G], sum2[1, :_G], c10, c11,
                h, W_l1.T, b_l1.reshape(1, _D), W_r1.T)

# --- scband reference (transcript-rebuilt; emitter-appended) ---
"""Pipeline reference for scband-graph-encoder-15547781611788 (READ-ONLY COPY).

The authoritative reference and input builder live on the scoring server;
editing this copy changes nothing except your own understanding.
"""

import jax, jax.numpy as jnp
import numpy as np

N = 10000
E = 320000
D = 128
G = 64


def setup_inputs(seed: int = 0) -> dict:
    key = jax.random.key(seed)
    ks = jax.random.split(key, 10)
    x = jax.random.normal(ks[0], (N, D), dtype=jnp.float32)
    edge_index = jax.random.randint(ks[1], (2, E), 0, N, dtype=jnp.int32)
    batch = jnp.sort(jax.random.randint(ks[2], (N,), 0, G, dtype=jnp.int32))
    # SAGEConv params: lin_l (bias=True) applied to aggregated neighbors, lin_r (bias=False) applied to root
    W_l0 = jax.random.normal(ks[3], (D, D), dtype=jnp.float32) * 0.05
    b_l0 = jnp.zeros((D,), dtype=jnp.float32)
    W_r0 = jax.random.normal(ks[4], (D, D), dtype=jnp.float32) * 0.05
    W_l1 = jax.random.normal(ks[5], (D, D), dtype=jnp.float32) * 0.05
    b_l1 = jnp.zeros((D,), dtype=jnp.float32)
    W_r1 = jax.random.normal(ks[6], (D, D), dtype=jnp.float32) * 0.05
    return {"x": x, "edge_index": edge_index, "batch": batch,
            "W_l0": W_l0, "b_l0": b_l0, "W_r0": W_r0,
            "W_l1": W_l1, "b_l1": b_l1, "W_r1": W_r1}


def _sage_conv(x, src, dst, W_l, b_l, W_r):
    n = x.shape[0]
    x_j = x[src]
    summed = jax.ops.segment_sum(x_j, dst, num_segments=n)
    cnt = jax.ops.segment_sum(jnp.ones((src.shape[0],), jnp.float32), dst, num_segments=n)
    mean = summed / jnp.clip(cnt, 1.0, None)[:, None]
    return mean @ W_l.T + b_l + x @ W_r.T


def reference(x, edge_index, batch, W_l0, b_l0, W_r0, W_l1, b_l1, W_r1):
    src = edge_index[0]
    dst = edge_index[1]
    h = _sage_conv(x, src, dst, W_l0, b_l0, W_r0)
    h = jax.nn.relu(h)  # dropout p=0.0 -> identity
    h = _sage_conv(h, src, dst, W_l1, b_l1, W_r1)
    # unbatch(x, batch) then take node 0 of each graph == first occurrence of each graph id
    firsts = jnp.searchsorted(batch, jnp.arange(G, dtype=batch.dtype))
    return h[firsts]

if __name__ == "__main__":
    import jax
    _d = setup_inputs()
    print(jax.jit(kernel)(*tuple(_d.values())))

</pallas_src>

<mosaic_0001>
#map = affine_map<(d0, d1) -> (0, 0)>
#map1 = affine_map<(d0, d1) -> (0)>
#map2 = affine_map<(d0, d1) -> (0, 0, 0)>
module attributes {stable_mosaic.version = 14 : i64} {
  func.func @_sc_restricted_body(%arg0: i32, %arg1: i32, %arg2: memref<10240x128xf32, #tpu.memory_space<hbm>>, %arg3: memref<32x10240xi32, #tpu.memory_space<hbm>>, %arg4: memref<32x10240xi32, #tpu.memory_space<hbm>>, %arg5: memref<10240xf32, #tpu.memory_space<hbm>>, %arg6: memref<128xf32, #tpu.memory_space<hbm>>, %arg7: memref<640x128xf32, #tpu.memory_space<hbm>>, %arg8: memref<640xf32, #tpu.memory_space<hbm>>, %arg9: memref<2x10240x128xf32, #tpu.memory_space<hbm>>, %arg10: memref<2x10240xf32, #tpu.memory_space<hbm>>, %arg11: memref<10496xi32, #tpu.memory_space<vmem>>, %arg12: memref<10368xi32, #tpu.memory_space<vmem>>, %arg13: memref<10240xf32, #tpu.memory_space<vmem>>, %arg14: memref<64xi32, #tpu.memory_space<vmem>>, %arg15: memref<64xi32, #tpu.memory_space<vmem>>, %arg16: memref<64xf32, #tpu.memory_space<vmem>>, %arg17: memref<64x128xf32, #tpu.memory_space<vmem>>, %arg18: memref<64x128xf32, #tpu.memory_space<vmem>>, %arg19: memref<!tpu.dma_semaphore, #tpu.memory_space<semaphore_mem>>, %arg20: memref<!tpu.dma_semaphore, #tpu.memory_space<semaphore_mem>>, %arg21: memref<10240x128xf32, #tpu.memory_space<vmem_shared>>, %arg22: memref<10240xf32, #tpu.memory_space<vmem_shared>>, %arg23: memref<10240xf32, #tpu.memory_space<vmem_shared>>) attributes {dimension_semantics = [#tpu.dimension_semantics<core_parallel>, #tpu.dimension_semantics<subcore_parallel>], iteration_bounds = array<i64: 2, 16>, scalar_prefetch = 0 : i64, scratch_operands = 13 : i64, tpu.core_type = #tpu.core_type<sc_vector_subcore>, window_params = [{transform_indices = #map}, {transform_indices = #map}, {transform_indices = #map}, {transform_indices = #map1}, {transform_indices = #map1}, {transform_indices = #map}, {transform_indices = #map1}, {transform_indices = #map2}, {transform_indices = #map}]} {
    %mul3A = arith.constant 16 : i32
    %mul3A_0 = arith.muli %arg0, %mul3A : i32
    %add3A = arith.addi %mul3A_0, %arg1 : i32
    "tpu.region"() ({
      %run_scoped3A = tpu.sem_alloc : memref<!tpu.dma_semaphore, #tpu.memory_space<semaphore_mem>>
      tpu.enqueue_dma source(%arg5 : memref<10240xf32, #tpu.memory_space<hbm>>) target(%arg13 : memref<10240xf32, #tpu.memory_space<vmem>>) target_semaphore(%run_scoped3A : memref<!tpu.dma_semaphore, #tpu.memory_space<semaphore_mem>>)
      tpu.wait_dma2 semaphore(%run_scoped3A : memref<!tpu.dma_semaphore, #tpu.memory_space<semaphore_mem>>) src(%arg5 : memref<10240xf32, #tpu.memory_space<hbm>>) dst(%arg13 : memref<10240xf32, #tpu.memory_space<vmem>>)
      tpu.yield
    }) : () -> ()
    "tpu.region"() ({
      %run_scoped3A = tpu.sem_alloc : memref<!tpu.dma_semaphore, #tpu.memory_space<semaphore_mem>>
      %dma_start3A = arith.constant 0 : i32
      %dma_start3A_575 = tpu.memref_slice %arg6[%dma_start3A] : memref<128xf32, #tpu.memory_space<hbm>> -> memref<64xf32, #tpu.memory_space<hbm>>
      %dma_start3A_576 = arith.constant 0 : i32
      %dma_start3A_577 = tpu.memref_slice %arg6[%dma_start3A_576] : memref<128xf32, #tpu.memory_space<hbm>> -> memref<64xf32, #tpu.memory_space<hbm>>
      tpu.enqueue_dma source(%dma_start3A_577 : memref<64xf32, #tpu.memory_space<hbm>>) target(%arg16 : memref<64xf32, #tpu.memory_space<vmem>>) target_semaphore(%run_scoped3A : memref<!tpu.dma_semaphore, #tpu.memory_space<semaphore_mem>>)
      %dma_wait3A = arith.constant 0 : i32
      %dma_wait3A_578 = tpu.memref_slice %arg6[%dma_wait3A] : memref<128xf32, #tpu.memory_space<hbm>> -> memref<64xf32, #tpu.memory_space<hbm>>
      %dma_wait3A_579 = arith.constant 0 : i32
      %dma_wait3A_580 = tpu.memref_slice %arg6[%dma_wait3A_579] : memref<128xf32, #tpu.memory_space<hbm>> -> memref<64xf32, #tpu.memory_space<hbm>>
      tpu.wait_dma2 semaphore(%run_scoped3A : memref<!tpu.dma_semaphore, #tpu.memory_space<semaphore_mem>>) src(%dma_wait3A_580 : memref<64xf32, #tpu.memory_space<hbm>>) dst(%arg16 : memref<64xf32, #tpu.memory_space<vmem>>)
      tpu.yield
    }) : () -> ()
    %mul3A_1 = arith.constant 640 : i32
    %mul3A_2 = arith.muli %arg1, %mul3A_1 : i32
    "tpu.region"() ({
      %run_scoped3A = tpu.sem_alloc : memref<!tpu.dma_semaphore, #tpu.memory_space<semaphore_mem>>
      %dma_start3A = arith.constant 0 : i32
      %dma_start3A_575 = tpu.memref_slice %arg21[%mul3A_2, %dma_start3A] : memref<10240x128xf32, #tpu.memory_space<vmem_shared>> -> memref<640x128xf32, #tpu.memory_space<vmem_shared>>
      tpu.enqueue_dma source(%arg7 : memref<640x128xf32, #tpu.memory_space<hbm>>) target(%dma_start3A_575 : memref<640x128xf32, #tpu.memory_space<vmem_shared>>) target_semaphore(%run_scoped3A : memref<!tpu.dma_semaphore, #tpu.memory_space<semaphore_mem>>)
      %dma_wait3A = arith.constant 0 : i32
      %dma_wait3A_576 = tpu.memref_slice %arg21[%mul3A_2, %dma_wait3A] : memref<10240x128xf32, #tpu.memory_space<vmem_shared>> -> memref<640x128xf32, #tpu.memory_space<vmem_shared>>
      tpu.wait_dma2 semaphore(%run_scoped3A : memref<!tpu.dma_semaphore, #tpu.memory_space<semaphore_mem>>) src(%arg7 : memref<640x128xf32, #tpu.memory_space<hbm>>) dst(%dma_wait3A_576 : memref<640x128xf32, #tpu.memory_space<vmem_shared>>)
      tpu.yield
    }) : () -> ()
    "tpu.region"() ({
      %run_scoped3A = tpu.sem_alloc : memref<!tpu.dma_semaphore, #tpu.memory_space<semaphore_mem>>
      %dma_start3A = tpu.memref_slice %arg22[%mul3A_2] : memref<10240xf32, #tpu.memory_space<vmem_shared>> -> memref<640xf32, #tpu.memory_space<vmem_shared>>
      tpu.enqueue_dma source(%arg8 : memref<640xf32, #tpu.memory_space<hbm>>) target(%dma_start3A : memref<640xf32, #tpu.memory_space<vmem_shared>>) target_semaphore(%run_scoped3A : memref<!tpu.dma_semaphore, #tpu.memory_space<semaphore_mem>>)
      %dma_wait3A = tpu.memref_slice %arg22[%mul3A_2] : memref<10240xf32, #tpu.memory_space<vmem_shared>> -> memref<640xf32, #tpu.memory_space<vmem_shared>>
      tpu.wait_dma2 semaphore(%run_scoped3A : memref<!tpu.dma_semaphore, #tpu.memory_space<semaphore_mem>>) src(%arg8 : memref<640xf32, #tpu.memory_space<hbm>>) dst(%dma_wait3A : memref<640xf32, #tpu.memory_space<vmem_shared>>)
      tpu.yield
    }) : () -> ()
    "tpu.region"() ({
      %run_scoped3A = tpu.sem_alloc : memref<!tpu.dma_semaphore, #tpu.memory_space<semaphore_mem>>
      %dma_start3A = tpu.memref_slice %arg23[%mul3A_2] : memref<10240xf32, #tpu.memory_space<vmem_shared>> -> memref<640xf32, #tpu.memory_space<vmem_shared>>
      %dma_start3A_575 = arith.constant 0 : i32
      %dma_start3A_576 = tpu.memref_slice %arg8[%dma_start3A_575] : memref<640xf32, #tpu.memory_space<hbm>> -> memref<640xf32, #tpu.memory_space<hbm>>
      tpu.enqueue_dma source(%dma_start3A_576 : memref<640xf32, #tpu.memory_space<hbm>>) target(%dma_start3A : memref<640xf32, #tpu.memory_space<vmem_shared>>) target_semaphore(%run_scoped3A : memref<!tpu.dma_semaphore, #tpu.memory_space<semaphore_mem>>)
      %dma_wait3A = tpu.memref_slice %arg23[%mul3A_2] : memref<10240xf32, #tpu.memory_space<vmem_shared>> -> memref<640xf32, #tpu.memory_space<vmem_shared>>
      %dma_wait3A_577 = arith.constant 0 : i32
      %dma_wait3A_578 = tpu.memref_slice %arg8[%dma_wait3A_577] : memref<640xf32, #tpu.memory_space<hbm>> -> memref<640xf32, #tpu.memory_space<hbm>>
      tpu.wait_dma2 semaphore(%run_scoped3A : memref<!tpu.dma_semaphore, #tpu.memory_space<semaphore_mem>>) src(%dma_wait3A_578 : memref<640xf32, #tpu.memory_space<hbm>>) dst(%dma_wait3A : memref<640xf32, #tpu.memory_space<vmem_shared>>)
      tpu.yield
    }) : () -> ()
    %barrier3A = arith.constant 0 : index
    tpu.barrier barrier_id(%barrier3A)
    %mul3A_3 = arith.constant 2 : i32
    %mul3A_4 = arith.muli %mul3A_3, %arg1 : i32
    %add3A_5 = arith.constant 0 : i32
    %add3A_6 = arith.addi %mul3A_4, %add3A_5 : i32
    "tpu.region"() ({
      %run_scoped3A = tpu.sem_alloc : memref<!tpu.dma_semaphore, #tpu.memory_space<semaphore_mem>>
      %dma_start3A = arith.constant 0 : i32
      %dma_start3A_575 = tpu.memref_slice %arg11[%dma_start3A] : memref<10496xi32, #tpu.memory_space<vmem>> -> memref<10240xi32, #tpu.memory_space<vmem>>
      %dma_start3A_576 = arith.constant 0 : i32
      %dma_start3A_577 = tpu.memref_slice %arg3[%add3A_6, %dma_start3A_576] : memref<32x10240xi32, #tpu.memory_space<hbm>> -> memref<1x10240xi32, #tpu.memory_space<hbm>>
      %dma_start3A_578 = tpu.memref_squeeze %dma_start3A_577 : memref<1x10240xi32, #tpu.memory_space<hbm>> -> memref<10240xi32, #tpu.memory_space<hbm>>
      %dma_start3A_579 = arith.constant 0 : i32
      %dma_start3A_580 = tpu.memref_slice %arg11[%dma_start3A_579] : memref<10496xi32, #tpu.memory_space<vmem>> -> memref<10240xi32, #tpu.memory_space<vmem>>
      %dma_start3A_581 = arith.constant 0 : i32
      %dma_start3A_582 = tpu.memref_slice %arg3[%add3A_6, %dma_start3A_581] : memref<32x10240xi32, #tpu.memory_space<hbm>> -> memref<1x10240xi32, #tpu.memory_space<hbm>>
      %dma_start3A_583 = tpu.memref_squeeze %dma_start3A_582 : memref<1x10240xi32, #tpu.memory_space<hbm>> -> memref<10240xi32, #tpu.memory_space<hbm>>
      tpu.enqueue_dma source(%dma_start3A_583 : memref<10240xi32, #tpu.memory_space<hbm>>) target(%dma_start3A_580 : memref<10240xi32, #tpu.memory_space<vmem>>) target_semaphore(%run_scoped3A : memref<!tpu.dma_semaphore, #tpu.memory_space<semaphore_mem>>)
      %dma_wait3A = arith.constant 0 : i32
      %dma_wait3A_584 = tpu.memref_slice %arg11[%dma_wait3A] : memref<10496xi32, #tpu.memory_space<vmem>> -> memref<10240xi32, #tpu.memory_space<vmem>>
      %dma_wait3A_585 = arith.constant 0 : i32
      %dma_wait3A_586 = tpu.memref_slice %arg3[%add3A_6, %dma_wait3A_585] : memref<32x10240xi32, #tpu.memory_space<hbm>> -> memref<1x10240xi32, #tpu.memory_space<hbm>>
      %dma_wait3A_587 = tpu.memref_squeeze %dma_wait3A_586 : memref<1x10240xi32, #tpu.memory_space<hbm>> -> memref<10240xi32, #tpu.memory_space<hbm>>
      %dma_wait3A_588 = arith.constant 0 : i32
      %dma_wait3A_589 = tpu.memref_slice %arg11[%dma_wait3A_588] : memref<10496xi32, #tpu.memory_space<vmem>> -> memref<10240xi32, #tpu.memory_space<vmem>>
      %dma_wait3A_590 = arith.constant 0 : i32
      %dma_wait3A_591 = tpu.memref_slice %arg3[%add3A_6, %dma_wait3A_590] : memref<32x10240xi32, #tpu.memory_space<hbm>> -> memref<1x10240xi32, #tpu.memory_space<hbm>>
      %dma_wait3A_592 = tpu.memref_squeeze %dma_wait3A_591 : memref<1x10240xi32, #tpu.memory_space<hbm>> -> memref<10240xi32, #tpu.memory_space<hbm>>
      tpu.wait_dma2 semaphore(%run_scoped3A : memref<!tpu.dma_semaphore, #tpu.memory_space<semaphore_mem>>) src(%dma_wait3A_592 : memref<10240xi32, #tpu.memory_space<hbm>>) dst(%dma_wait3A_589 : memref<10240xi32, #tpu.memory_space<vmem>>)
      tpu.yield
    }) : () -> ()
    "tpu.region"() ({
      %run_scoped3A = tpu.sem_alloc : memref<!tpu.dma_semaphore, #tpu.memory_space<semaphore_mem>>
      %dma_start3A = arith.constant 0 : i32
      %dma_start3A_575 = tpu.memref_slice %arg12[%dma_start3A] : memref<10368xi32, #tpu.memory_space<vmem>> -> memref<10240xi32, #tpu.memory_space<vmem>>
      %dma_start3A_576 = arith.constant 0 : i32
      %dma_start3A_577 = tpu.memref_slice %arg4[%add3A_6, %dma_start3A_576] : memref<32x10240xi32, #tpu.memory_space<hbm>> -> memref<1x10240xi32, #tpu.memory_space<hbm>>
      %dma_start3A_578 = tpu.memref_squeeze %dma_start3A_577 : memref<1x10240xi32, #tpu.memory_space<hbm>> -> memref<10240xi32, #tpu.memory_space<hbm>>
      %dma_start3A_579 = arith.constant 0 : i32
      %dma_start3A_580 = tpu.memref_slice %arg12[%dma_start3A_579] : memref<10368xi32, #tpu.memory_space<vmem>> -> memref<10240xi32, #tpu.memory_space<vmem>>
      %dma_start3A_581 = arith.constant 0 : i32
      %dma_start3A_582 = tpu.memref_slice %arg4[%add3A_6, %dma_start3A_581] : memref<32x10240xi32, #tpu.memory_space<hbm>> -> memref<1x10240xi32, #tpu.memory_space<hbm>>
      %dma_start3A_583 = tpu.memref_squeeze %dma_start3A_582 : memref<1x10240xi32, #tpu.memory_space<hbm>> -> memref<10240xi32, #tpu.memory_space<hbm>>
      tpu.enqueue_dma source(%dma_start3A_583 : memref<10240xi32, #tpu.memory_space<hbm>>) target(%dma_start3A_580 : memref<10240xi32, #tpu.memory_space<vmem>>) target_semaphore(%run_scoped3A : memref<!tpu.dma_semaphore, #tpu.memory_space<semaphore_mem>>)
      %dma_wait3A = arith.constant 0 : i32
      %dma_wait3A_584 = tpu.memref_slice %arg12[%dma_wait3A] : memref<10368xi32, #tpu.memory_space<vmem>> -> memref<10240xi32, #tpu.memory_space<vmem>>
      %dma_wait3A_585 = arith.constant 0 : i32
      %dma_wait3A_586 = tpu.memref_slice %arg4[%add3A_6, %dma_wait3A_585] : memref<32x10240xi32, #tpu.memory_space<hbm>> -> memref<1x10240xi32, #tpu.memory_space<hbm>>
      %dma_wait3A_587 = tpu.memref_squeeze %dma_wait3A_586 : memref<1x10240xi32, #tpu.memory_space<hbm>> -> memref<10240xi32, #tpu.memory_space<hbm>>
      %dma_wait3A_588 = arith.constant 0 : i32
      %dma_wait3A_589 = tpu.memref_slice %arg12[%dma_wait3A_588] : memref<10368xi32, #tpu.memory_space<vmem>> -> memref<10240xi32, #tpu.memory_space<vmem>>
      %dma_wait3A_590 = arith.constant 0 : i32
      %dma_wait3A_591 = tpu.memref_slice %arg4[%add3A_6, %dma_wait3A_590] : memref<32x10240xi32, #tpu.memory_space<hbm>> -> memref<1x10240xi32, #tpu.memory_space<hbm>>
      %dma_wait3A_592 = tpu.memref_squeeze %dma_wait3A_591 : memref<1x10240xi32, #tpu.memory_space<hbm>> -> memref<10240xi32, #tpu.memory_space<hbm>>
      tpu.wait_dma2 semaphore(%run_scoped3A : memref<!tpu.dma_semaphore, #tpu.memory_space<semaphore_mem>>) src(%dma_wait3A_592 : memref<10240xi32, #tpu.memory_space<hbm>>) dst(%dma_wait3A_589 : memref<10240xi32, #tpu.memory_space<vmem>>)
      tpu.yield
    }) : () -> ()
    %scan3A = arith.constant 0 : i32
    %scan3A_7 = arith.constant 0 : i32
    %scan3A_8 = arith.constant 640 : i32
    %scan3A_9 = arith.addi %scan3A_7, %scan3A_8 : i32
    %scan3A_10 = arith.constant 1 : i32
    %scan3A_11 = scf.for %scan3A_575 = %scan3A_7 to %scan3A_9 step %scan3A_10 iter_args(%scan3A_576 = %scan3A) -> (i32)  : i32 {
      %mul3A_577 = arith.constant 16 : i32
      %mul3A_578 = arith.muli %scan3A_575, %mul3A_577 : i32
      %get3A_579 = arith.index_cast %mul3A_578 : i32 to index
      %get3A_580 = tpu.vector_load %arg12[%get3A_579] {strides = array<i32>} : memref<10368xi32, #tpu.memory_space<vmem>>, vector<16xi32>,
      %gather3A = tpu.vector_load_idx %arg13[%get3A_580] : memref<10240xf32, #tpu.memory_space<vmem>>[vector<16xi32>], vector<16xf32>,
      %ge3A_581 = arith.constant 0.000000e+00 : f32
      %ge3A_582 = vector.broadcast %ge3A_581 : f32 to vector<16xf32>
      %ge3A_583 = arith.cmpf oge, %gather3A, %ge3A_582 : vector<16xf32>
      %mul3A_584 = arith.constant 16 : i32
      %mul3A_585 = arith.muli %scan3A_575, %mul3A_584 : i32
      %get3A_586 = arith.index_cast %mul3A_585 : i32 to index
      %get3A_587 = tpu.vector_load %arg11[%get3A_586] {strides = array<i32>} : memref<10496xi32, #tpu.memory_space<vmem>>, vector<16xi32>,
      %swap3A_588 = arith.index_cast %scan3A_576 : i32 to index
      %swap3A_589 = tpu.vector_load %arg11[%swap3A_588] masked %ge3A_583 {strides = array<i32>} : memref<10496xi32, #tpu.memory_space<vmem>>, vector<16xi32>, vector<16xi1>
      tpu.vector_store %arg11[%swap3A_588], %get3A_587 masked %ge3A_583 {strides = array<i32>} : memref<10496xi32, #tpu.memory_space<vmem>>, vector<16xi32>, vector<16xi1>
      %convert_element_type3A_590 = arith.extui %ge3A_583 : vector<16xi1> to vector<16xi32>
      %reduce_sum3A = arith.constant true
      %reduce_sum3A_591 = vector.broadcast %reduce_sum3A : i1 to vector<16xi1>
      %reduce_sum3A_592 = tpu.scan <sum>, %convert_element_type3A_590 masked %reduce_sum3A_591 : vector<16xi32>, vector<16xi1> -> vector<16xi32>
      %reduce_sum3A_593 = vector.extract %reduce_sum3A_592[15] : i32 from vector<16xi32>
      %add3A_594 = arith.addi %scan3A_576, %reduce_sum3A_593 : i32
      scf.yield %add3A_594 : i32
    }
    %scan3A_12 = arith.constant 640 : i32
    %jit3A = arith.constant 16 : i32
    %div3A = arith.divsi %scan3A_11, %jit3A : i32
    %sign3A = arith.constant 0 : i32
    %sign3A_13 = arith.cmpi sgt, %scan3A_11, %sign3A : i32
    %sign3A_14 = arith.extui %sign3A_13 : i1 to i32
    %sign3A_15 = arith.constant 0 : i32
    %sign3A_16 = arith.cmpi slt, %scan3A_11, %sign3A_15 : i32
    %sign3A_17 = arith.extui %sign3A_16 : i1 to i32
    %sign3A_18 = arith.subi %sign3A_14, %sign3A_17 : i32
    %sign3A_19 = arith.constant 0 : i32
    %sign3A_20 = arith.cmpi sgt, %jit3A, %sign3A_19 : i32
    %sign3A_21 = arith.extui %sign3A_20 : i1 to i32
    %sign3A_22 = arith.constant 0 : i32
    %sign3A_23 = arith.cmpi slt, %jit3A, %sign3A_22 : i32
    %sign3A_24 = arith.extui %sign3A_23 : i1 to i32
    %sign3A_25 = arith.subi %sign3A_21, %sign3A_24 : i32
    %ne3A = arith.cmpi ne, %sign3A_18, %sign3A_25 : i32
    %rem3A = arith.remsi %scan3A_11, %jit3A : i32
    %ne3A_26 = arith.constant 0 : i32
    %ne3A_27 = arith.cmpi ne, %rem3A, %ne3A_26 : i32
    %and3A = arith.andi %ne3A, %ne3A_27 : i1
    %sub3A = arith.constant 1 : i32
    %sub3A_28 = arith.subi %div3A, %sub3A : i32
    %select_n3A = arith.select %and3A, %sub3A_28, %div3A : i32
    %mul3A_29 = arith.constant 16 : i32
    %mul3A_30 = arith.muli %select_n3A, %mul3A_29 : i32
    %add3A_31 = arith.constant 0 : i32
    %add3A_32 = arith.addi %mul3A_30, %add3A_31 : i32
    %broadcast_in_dim3A = vector.broadcast %add3A_32 : i32 to vector<16xi32>
    %iota3A = tpu.iota {dimensions = array<i32: 0>} : vector<16xi32>
    %add3A_33 = arith.addi %broadcast_in_dim3A, %iota3A : vector<16xi32>
    %add3A_34 = arith.constant 0 : i32
    %add3A_35 = arith.addi %mul3A_30, %add3A_34 : i32
    %get3A = arith.index_cast %add3A_35 : i32 to index
    %get3A_36 = tpu.vector_load %arg11[%get3A] {strides = array<i32>} : memref<10496xi32, #tpu.memory_space<vmem>>, vector<16xi32>,
    %ge3A = vector.broadcast %scan3A_11 : i32 to vector<16xi32>
    %ge3A_37 = arith.cmpi sge, %add3A_33, %ge3A : vector<16xi32>
    %jit3A_38 = arith.constant 0 : i32
    %broadcast_in_dim3A_39 = vector.broadcast %jit3A_38 : i32 to vector<16xi32>
    %select_n3A_40 = arith.select %ge3A_37, %broadcast_in_dim3A_39, %get3A_36 : vector<16xi1>, vector<16xi32>
    %add3A_41 = arith.constant 0 : i32
    %add3A_42 = arith.addi %mul3A_30, %add3A_41 : i32
    %swap3A = arith.index_cast %add3A_42 : i32 to index
    %swap3A_43 = tpu.vector_load %arg11[%swap3A] {strides = array<i32>} : memref<10496xi32, #tpu.memory_space<vmem>>, vector<16xi32>,
    tpu.vector_store %arg11[%swap3A], %select_n3A_40 {strides = array<i32>} : memref<10496xi32, #tpu.memory_space<vmem>>, vector<16xi32>,
    %add3A_44 = arith.constant 16 : i32
    %add3A_45 = arith.addi %mul3A_30, %add3A_44 : i32
    %broadcast_in_dim3A_46 = vector.broadcast %add3A_45 : i32 to vector<16xi32>
    %iota3A_47 = tpu.iota {dimensions = array<i32: 0>} : vector<16xi32>
    %add3A_48 = arith.addi %broadcast_in_dim3A_46, %iota3A_47 : vector<16xi32>
    %add3A_49 = arith.constant 16 : i32
    %add3A_50 = arith.addi %mul3A_30, %add3A_49 : i32
    %get3A_51 = arith.index_cast %add3A_50 : i32 to index
    %get3A_52 = tpu.vector_load %arg11[%get3A_51] {strides = array<i32>} : memref<10496xi32, #tpu.memory_space<vmem>>, vector<16xi32>,
    %ge3A_53 = vector.broadcast %scan3A_11 : i32 to vector<16xi32>
    %ge3A_54 = arith.cmpi sge, %add3A_48, %ge3A_53 : vector<16xi32>
    %jit3A_55 = arith.constant 0 : i32
    %broadcast_in_dim3A_56 = vector.broadcast %jit3A_55 : i32 to vector<16xi32>
    %select_n3A_57 = arith.select %ge3A_54, %broadcast_in_dim3A_56, %get3A_52 : vector<16xi1>, vector<16xi32>
    %add3A_58 = arith.constant 16 : i32
    %add3A_59 = arith.addi %mul3A_30, %add3A_58 : i32
    %swap3A_60 = arith.index_cast %add3A_59 : i32 to index
    %swap3A_61 = tpu.vector_load %arg11[%swap3A_60] {strides = array<i32>} : memref<10496xi32, #tpu.memory_space<vmem>>, vector<16xi32>,
    tpu.vector_store %arg11[%swap3A_60], %select_n3A_57 {strides = array<i32>} : memref<10496xi32, #tpu.memory_space<vmem>>, vector<16xi32>,
    %add3A_62 = arith.constant 32 : i32
    %add3A_63 = arith.addi %mul3A_30, %add3A_62 : i32
    %broadcast_in_dim3A_64 = vector.broadcast %add3A_63 : i32 to vector<16xi32>
    %iota3A_65 = tpu.iota {dimensions = array<i32: 0>} : vector<16xi32>
    %add3A_66 = arith.addi %broadcast_in_dim3A_64, %iota3A_65 : vector<16xi32>
    %add3A_67 = arith.constant 32 : i32
    %add3A_68 = arith.addi %mul3A_30, %add3A_67 : i32
    %get3A_69 = arith.index_cast %add3A_68 : i32 to index
    %get3A_70 = tpu.vector_load %arg11[%get3A_69] {strides = array<i32>} : memref<10496xi32, #tpu.memory_space<vmem>>, vector<16xi32>,
    %ge3A_71 = vector.broadcast %scan3A_11 : i32 to vector<16xi32>
    %ge3A_72 = arith.cmpi sge, %add3A_66, %ge3A_71 : vector<16xi32>
    %jit3A_73 = arith.constant 0 : i32
    %broadcast_in_dim3A_74 = vector.broadcast %jit3A_73 : i32 to vector<16xi32>
    %select_n3A_75 = arith.select %ge3A_72, %broadcast_in_dim3A_74, %get3A_70 : vector<16xi1>, vector<16xi32>
    %add3A_76 = arith.constant 32 : i32
    %add3A_77 = arith.addi %mul3A_30, %add3A_76 : i32
    %swap3A_78 = arith.index_cast %add3A_77 : i32 to index
    %swap3A_79 = tpu.vector_load %arg11[%swap3A_78] {strides = array<i32>} : memref<10496xi32, #tpu.memory_space<vmem>>, vector<16xi32>,
    tpu.vector_store %arg11[%swap3A_78], %select_n3A_75 {strides = array<i32>} : memref<10496xi32, #tpu.memory_space<vmem>>, vector<16xi32>,
    %add3A_80 = arith.constant 48 : i32
    %add3A_81 = arith.addi %mul3A_30, %add3A_80 : i32
    %broadcast_in_dim3A_82 = vector.broadcast %add3A_81 : i32 to vector<16xi32>
    %iota3A_83 = tpu.iota {dimensions = array<i32: 0>} : vector<16xi32>
    %add3A_84 = arith.addi %broadcast_in_dim3A_82, %iota3A_83 : vector<16xi32>
    %add3A_85 = arith.constant 48 : i32
    %add3A_86 = arith.addi %mul3A_30, %add3A_85 : i32
    %get3A_87 = arith.index_cast %add3A_86 : i32 to index
    %get3A_88 = tpu.vector_load %arg11[%get3A_87] {strides = array<i32>} : memref<10496xi32, #tpu.memory_space<vmem>>, vector<16xi32>,
    %ge3A_89 = vector.broadcast %scan3A_11 : i32 to vector<16xi32>
    %ge3A_90 = arith.cmpi sge, %add3A_84, %ge3A_89 : vector<16xi32>
    %jit3A_91 = arith.constant 0 : i32
    %broadcast_in_dim3A_92 = vector.broadcast %jit3A_91 : i32 to vector<16xi32>
    %select_n3A_93 = arith.select %ge3A_90, %broadcast_in_dim3A_92, %get3A_88 : vector<16xi1>, vector<16xi32>
    %add3A_94 = arith.constant 48 : i32
    %add3A_95 = arith.addi %mul3A_30, %add3A_94 : i32
    %swap3A_96 = arith.index_cast %add3A_95 : i32 to index
    %swap3A_97 = tpu.vector_load %arg11[%swap3A_96] {strides = array<i32>} : memref<10496xi32, #tpu.memory_space<vmem>>, vector<16xi32>,
    tpu.vector_store %arg11[%swap3A_96], %select_n3A_93 {strides = array<i32>} : memref<10496xi32, #tpu.memory_space<vmem>>, vector<16xi32>,
    %add3A_98 = arith.constant 64 : i32
    %add3A_99 = arith.addi %mul3A_30, %add3A_98 : i32
    %broadcast_in_dim3A_100 = vector.broadcast %add3A_99 : i32 to vector<16xi32>
    %iota3A_101 = tpu.iota {dimensions = array<i32: 0>} : vector<16xi32>
    %add3A_102 = arith.addi %broadcast_in_dim3A_100, %iota3A_101 : vector<16xi32>
    %add3A_103 = arith.constant 64 : i32
    %add3A_104 = arith.addi %mul3A_30, %add3A_103 : i32
    %get3A_105 = arith.index_cast %add3A_104 : i32 to index
    %get3A_106 = tpu.vector_load %arg11[%get3A_105] {strides = array<i32>} : memref<10496xi32, #tpu.memory_space<vmem>>, vector<16xi32>,
    %ge3A_107 = vector.broadcast %scan3A_11 : i32 to vector<16xi32>
    %ge3A_108 = arith.cmpi sge, %add3A_102, %ge3A_107 : vector<16xi32>
    %jit3A_109 = arith.constant 0 : i32
    %broadcast_in_dim3A_110 = vector.broadcast %jit3A_109 : i32 to vector<16xi32>
    %select_n3A_111 = arith.select %ge3A_108, %broadcast_in_dim3A_110, %get3A_106 : vector<16xi1>, vector<16xi32>
    %add3A_112 = arith.constant 64 : i32
    %add3A_113 = arith.addi %mul3A_30, %add3A_112 : i32
    %swap3A_114 = arith.index_cast %add3A_113 : i32 to index
    %swap3A_115 = tpu.vector_load %arg11[%swap3A_114] {strides = array<i32>} : memref<10496xi32, #tpu.memory_space<vmem>>, vector<16xi32>,
    tpu.vector_store %arg11[%swap3A_114], %select_n3A_111 {strides = array<i32>} : memref<10496xi32, #tpu.memory_space<vmem>>, vector<16xi32>,
    %add3A_116 = arith.constant 64 : i32
    %add3A_117 = arith.addi %scan3A_11, %add3A_116 : i32
    %sub3A_118 = arith.constant 1 : i32
    %sub3A_119 = arith.subi %add3A_117, %sub3A_118 : i32
    %jit3A_120 = arith.constant 64 : i32
    %div3A_121 = arith.divsi %sub3A_119, %jit3A_120 : i32
    %sign3A_122 = arith.constant 0 : i32
    %sign3A_123 = arith.cmpi sgt, %sub3A_119, %sign3A_122 : i32
    %sign3A_124 = arith.extui %sign3A_123 : i1 to i32
    %sign3A_125 = arith.constant 0 : i32
    %sign3A_126 = arith.cmpi slt, %sub3A_119, %sign3A_125 : i32
    %sign3A_127 = arith.extui %sign3A_126 : i1 to i32
    %sign3A_128 = arith.subi %sign3A_124, %sign3A_127 : i32
    %sign3A_129 = arith.constant 0 : i32
    %sign3A_130 = arith.cmpi sgt, %jit3A_120, %sign3A_129 : i32
    %sign3A_131 = arith.extui %sign3A_130 : i1 to i32
    %sign3A_132 = arith.constant 0 : i32
    %sign3A_133 = arith.cmpi slt, %jit3A_120, %sign3A_132 : i32
    %sign3A_134 = arith.extui %sign3A_133 : i1 to i32
    %sign3A_135 = arith.subi %sign3A_131, %sign3A_134 : i32
    %ne3A_136 = arith.cmpi ne, %sign3A_128, %sign3A_135 : i32
    %rem3A_137 = arith.remsi %sub3A_119, %jit3A_120 : i32
    %ne3A_138 = arith.constant 0 : i32
    %ne3A_139 = arith.cmpi ne, %rem3A_137, %ne3A_138 : i32
    %and3A_140 = arith.andi %ne3A_136, %ne3A_139 : i1
    %sub3A_141 = arith.constant 1 : i32
    %sub3A_142 = arith.subi %div3A_121, %sub3A_141 : i32
    %select_n3A_143 = arith.select %and3A_140, %sub3A_142, %div3A_121 : i32
    %while3A = arith.constant 0 : i32
    %while3A_144 = arith.constant 0 : i32
    %while3A_145 = arith.subi %select_n3A_143, %while3A_144 : i32
    %while3A_146 = arith.addi %while3A_144, %while3A_145 : i32
    %while3A_147 = arith.constant 1 : i32
    %while3A_148 = arith.divsi %while3A_145, %while3A_147 : i32
    %while3A_149 = arith.muli %while3A_148, %while3A_147 : i32
    %while3A_150 = arith.addi %while3A_144, %while3A_149 : i32
    %while3A_151 = arith.constant 1 : i32
    scf.for %while3A_575 = %while3A_144 to %while3A_150 step %while3A_151  : i32 {
      %mul3A_576 = arith.constant 64 : i32
      %mul3A_577 = arith.muli %while3A_575, %mul3A_576 : i32
      %add3A_578 = arith.constant 0 : i32
      %add3A_579 = arith.addi %mul3A_577, %add3A_578 : i32
      %get3A_580 = arith.index_cast %add3A_579 : i32 to index
      %get3A_581 = tpu.vector_load %arg11[%get3A_580] {strides = array<i32>} : memref<10496xi32, #tpu.memory_space<vmem>>, vector<16xi32>,
      %swap3A_582 = arith.constant 0 : index
      %swap3A_583 = tpu.vector_load %arg14[%swap3A_582] {strides = array<i32>} : memref<64xi32, #tpu.memory_space<vmem>>, vector<16xi32>,
      tpu.vector_store %arg14[%swap3A_582], %get3A_581 {strides = array<i32>} : memref<64xi32, #tpu.memory_space<vmem>>, vector<16xi32>,
      %mul3A_584 = arith.constant 64 : i32
      %mul3A_585 = arith.muli %while3A_575, %mul3A_584 : i32
      %add3A_586 = arith.constant 16 : i32
      %add3A_587 = arith.addi %mul3A_585, %add3A_586 : i32
      %get3A_588 = arith.index_cast %add3A_587 : i32 to index
      %get3A_589 = tpu.vector_load %arg11[%get3A_588] {strides = array<i32>} : memref<10496xi32, #tpu.memory_space<vmem>>, vector<16xi32>,
      %swap3A_590 = arith.constant 16 : index
      %swap3A_591 = tpu.vector_load %arg14[%swap3A_590] {strides = array<i32>} : memref<64xi32, #tpu.memory_space<vmem>>, vector<16xi32>,
      tpu.vector_store %arg14[%swap3A_590], %get3A_589 {strides = array<i32>} : memref<64xi32, #tpu.memory_space<vmem>>, vector<16xi32>,
      %mul3A_592 = arith.constant 64 : i32
      %mul3A_593 = arith.muli %while3A_575, %mul3A_592 : i32
      %add3A_594 = arith.constant 32 : i32
      %add3A_595 = arith.addi %mul3A_593, %add3A_594 : i32
      %get3A_596 = arith.index_cast %add3A_595 : i32 to index
      %get3A_597 = tpu.vector_load %arg11[%get3A_596] {strides = array<i32>} : memref<10496xi32, #tpu.memory_space<vmem>>, vector<16xi32>,
      %swap3A_598 = arith.constant 32 : index
      %swap3A_599 = tpu.vector_load %arg14[%swap3A_598] {strides = array<i32>} : memref<64xi32, #tpu.memory_space<vmem>>, vector<16xi32>,
      tpu.vector_store %arg14[%swap3A_598], %get3A_597 {strides = array<i32>} : memref<64xi32, #tpu.memory_space<vmem>>, vector<16xi32>,
      %mul3A_600 = arith.constant 64 : i32
      %mul3A_601 = arith.muli %while3A_575, %mul3A_600 : i32
      %add3A_602 = arith.constant 48 : i32
      %add3A_603 = arith.addi %mul3A_601, %add3A_602 : i32
      %get3A_604 = arith.index_cast %add3A_603 : i32 to index
      %get3A_605 = tpu.vector_load %arg11[%get3A_604] {strides = array<i32>} : memref<10496xi32, #tpu.memory_space<vmem>>, vector<16xi32>,
      %swap3A_606 = arith.constant 48 : index
      %swap3A_607 = tpu.vector_load %arg14[%swap3A_606] {strides = array<i32>} : memref<64xi32, #tpu.memory_space<vmem>>, vector<16xi32>,
      tpu.vector_store %arg14[%swap3A_606], %get3A_605 {strides = array<i32>} : memref<64xi32, #tpu.memory_space<vmem>>, vector<16xi32>,
      "tpu.region"() ({
        %run_scoped3A = tpu.sem_alloc : memref<!tpu.dma_semaphore, #tpu.memory_space<semaphore_mem>>
        %dma_start3A = arith.constant 0 : i32
        %dma_start3A_608 = tpu.memref_slice %arg16[%dma_start3A] : memref<64xf32, #tpu.memory_space<vmem>> -> memref<64xf32, #tpu.memory_space<vmem>>
        %dma_start3A_609 = arith.constant 0 : i32
        %dma_start3A_610 = tpu.memref_slice %arg23[%dma_start3A_609] : memref<10240xf32, #tpu.memory_space<vmem_shared>> -> memref<10240xf32, #tpu.memory_space<vmem_shared>>
        tpu.enqueue_indirect_dma source(%dma_start3A_608 : memref<64xf32, #tpu.memory_space<vmem>>) target(%dma_start3A_610 : memref<10240xf32, #tpu.memory_space<vmem_shared>>) offsets(%arg14 : memref<64xi32, #tpu.memory_space<vmem>>) semaphore(%run_scoped3A : memref<!tpu.dma_semaphore, #tpu.memory_space<semaphore_mem>>) {add = true}
        %dma_wait3A = arith.constant 0 : i32
        %dma_wait3A_611 = tpu.memref_slice %arg16[%dma_wait3A] : memref<64xf32, #tpu.memory_space<vmem>> -> memref<64xf32, #tpu.memory_space<vmem>>
        %dma_wait3A_612 = arith.constant 0 : i32
        %dma_wait3A_613 = tpu.memref_slice %arg23[%dma_wait3A_612] : memref<10240xf32, #tpu.memory_space<vmem_shared>> -> memref<10240xf32, #tpu.memory_space<vmem_shared>>
        tpu.wait_indirect_dma semaphore(%run_scoped3A : memref<!tpu.dma_semaphore, #tpu.memory_space<semaphore_mem>>) src(%dma_wait3A_611 : memref<64xf32, #tpu.memory_space<vmem>>) dst(%dma_wait3A_613 : memref<10240xf32, #tpu.memory_space<vmem_shared>>)
        tpu.yield
      }) : () -> ()
    }
    %while3A_152 = arith.constant 1 : i32
    scf.for %while3A_575 = %while3A_150 to %while3A_146 step %while3A_152  : i32 {
      %mul3A_576 = arith.constant 64 : i32
      %mul3A_577 = arith.muli %while3A_575, %mul3A_576 : i32
      %add3A_578 = arith.constant 0 : i32
      %add3A_579 = arith.addi %mul3A_577, %add3A_578 : i32
      %get3A_580 = arith.index_cast %add3A_579 : i32 to index
      %get3A_581 = tpu.vector_load %arg11[%get3A_580] {strides = array<i32>} : memref<10496xi32, #tpu.memory_space<vmem>>, vector<16xi32>,
      %swap3A_582 = arith.constant 0 : index
      %swap3A_583 = tpu.vector_load %arg14[%swap3A_582] {strides = array<i32>} : memref<64xi32, #tpu.memory_space<vmem>>, vector<16xi32>,
      tpu.vector_store %arg14[%swap3A_582], %get3A_581 {strides = array<i32>} : memref<64xi32, #tpu.memory_space<vmem>>, vector<16xi32>,
      %mul3A_584 = arith.constant 64 : i32
      %mul3A_585 = arith.muli %while3A_575, %mul3A_584 : i32
      %add3A_586 = arith.constant 16 : i32
      %add3A_587 = arith.addi %mul3A_585, %add3A_586 : i32
      %get3A_588 = arith.index_cast %add3A_587 : i32 to index
      %get3A_589 = tpu.vector_load %arg11[%get3A_588] {strides = array<i32>} : memref<10496xi32, #tpu.memory_space<vmem>>, vector<16xi32>,
      %swap3A_590 = arith.constant 16 : index
      %swap3A_591 = tpu.vector_load %arg14[%swap3A_590] {strides = array<i32>} : memref<64xi32, #tpu.memory_space<vmem>>, vector<16xi32>,
      tpu.vector_store %arg14[%swap3A_590], %get3A_589 {strides = array<i32>} : memref<64xi32, #tpu.memory_space<vmem>>, vector<16xi32>,
      %mul3A_592 = arith.constant 64 : i32
      %mul3A_593 = arith.muli %while3A_575, %mul3A_592 : i32
      %add3A_594 = arith.constant 32 : i32
      %add3A_595 = arith.addi %mul3A_593, %add3A_594 : i32
      %get3A_596 = arith.index_cast %add3A_595 : i32 to index
      %get3A_597 = tpu.vector_load %arg11[%get3A_596] {strides = array<i32>} : memref<10496xi32, #tpu.memory_space<vmem>>, vector<16xi32>,
      %swap3A_598 = arith.constant 32 : index
      %swap3A_599 = tpu.vector_load %arg14[%swap3A_598] {strides = array<i32>} : memref<64xi32, #tpu.memory_space<vmem>>, vector<16xi32>,
      tpu.vector_store %arg14[%swap3A_598], %get3A_597 {strides = array<i32>} : memref<64xi32, #tpu.memory_space<vmem>>, vector<16xi32>,
      %mul3A_600 = arith.constant 64 : i32
      %mul3A_601 = arith.muli %while3A_575, %mul3A_600 : i32
      %add3A_602 = arith.constant 48 : i32
      %add3A_603 = arith.addi %mul3A_601, %add3A_602 : i32
      %get3A_604 = arith.index_cast %add3A_603 : i32 to index
      %get3A_605 = tpu.vector_load %arg11[%get3A_604] {strides = array<i32>} : memref<10496xi32, #tpu.memory_space<vmem>>, vector<16xi32>,
      %swap3A_606 = arith.constant 48 : index
      %swap3A_607 = tpu.vector_load %arg14[%swap3A_606] {strides = array<i32>} : memref<64xi32, #tpu.memory_space<vmem>>, vector<16xi32>,
      tpu.vector_store %arg14[%swap3A_606], %get3A_605 {strides = array<i32>} : memref<64xi32, #tpu.memory_space<vmem>>, vector<16xi32>,
      "tpu.region"() ({
        %run_scoped3A = tpu.sem_alloc : memref<!tpu.dma_semaphore, #tpu.memory_space<semaphore_mem>>
        %dma_start3A = arith.constant 0 : i32
        %dma_start3A_608 = tpu.memref_slice %arg16[%dma_start3A] : memref<64xf32, #tpu.memory_space<vmem>> -> memref<64xf32, #tpu.memory_space<vmem>>
        %dma_start3A_609 = arith.constant 0 : i32
        %dma_start3A_610 = tpu.memref_slice %arg23[%dma_start3A_609] : memref<10240xf32, #tpu.memory_space<vmem_shared>> -> memref<10240xf32, #tpu.memory_space<vmem_shared>>
        tpu.enqueue_indirect_dma source(%dma_start3A_608 : memref<64xf32, #tpu.memory_space<vmem>>) target(%dma_start3A_610 : memref<10240xf32, #tpu.memory_space<vmem_shared>>) offsets(%arg14 : memref<64xi32, #tpu.memory_space<vmem>>) semaphore(%run_scoped3A : memref<!tpu.dma_semaphore, #tpu.memory_space<semaphore_mem>>) {add = true}
        %dma_wait3A = arith.constant 0 : i32
        %dma_wait3A_611 = tpu.memref_slice %arg16[%dma_wait3A] : memref<64xf32, #tpu.memory_space<vmem>> -> memref<64xf32, #tpu.memory_space<vmem>>
        %dma_wait3A_612 = arith.constant 0 : i32
        %dma_wait3A_613 = tpu.memref_slice %arg23[%dma_wait3A_612] : memref<10240xf32, #tpu.memory_space<vmem_shared>> -> memref<10240xf32, #tpu.memory_space<vmem_shared>>
        tpu.wait_indirect_dma semaphore(%run_scoped3A : memref<!tpu.dma_semaphore, #tpu.memory_space<semaphore_mem>>) src(%dma_wait3A_611 : memref<64xf32, #tpu.memory_space<vmem>>) dst(%dma_wait3A_613 : memref<10240xf32, #tpu.memory_space<vmem_shared>>)
        tpu.yield
      }) : () -> ()
    }
    %mul3A_153 = arith.constant 2 : i32
    %mul3A_154 = arith.muli %mul3A_153, %arg1 : i32
    %add3A_155 = arith.constant 1 : i32
    %add3A_156 = arith.addi %mul3A_154, %add3A_155 : i32
    "tpu.region"() ({
      %run_scoped3A = tpu.sem_alloc : memref<!tpu.dma_semaphore, #tpu.memory_space<semaphore_mem>>
      %dma_start3A = arith.constant 0 : i32
      %dma_start3A_575 = tpu.memref_slice %arg11[%dma_start3A] : memref<10496xi32, #tpu.memory_space<vmem>> -> memref<10240xi32, #tpu.memory_space<vmem>>
      %dma_start3A_576 = arith.constant 0 : i32
      %dma_start3A_577 = tpu.memref_slice %arg3[%add3A_156, %dma_start3A_576] : memref<32x10240xi32, #tpu.memory_space<hbm>> -> memref<1x10240xi32, #tpu.memory_space<hbm>>
      %dma_start3A_578 = tpu.memref_squeeze %dma_start3A_577 : memref<1x10240xi32, #tpu.memory_space<hbm>> -> memref<10240xi32, #tpu.memory_space<hbm>>
      %dma_start3A_579 = arith.constant 0 : i32
      %dma_start3A_580 = tpu.memref_slice %arg11[%dma_start3A_579] : memref<10496xi32, #tpu.memory_space<vmem>> -> memref<10240xi32, #tpu.memory_space<vmem>>
      %dma_start3A_581 = arith.constant 0 : i32
      %dma_start3A_582 = tpu.memref_slice %arg3[%add3A_156, %dma_start3A_581] : memref<32x10240xi32, #tpu.memory_space<hbm>> -> memref<1x10240xi32, #tpu.memory_space<hbm>>
      %dma_start3A_583 = tpu.memref_squeeze %dma_start3A_582 : memref<1x10240xi32, #tpu.memory_space<hbm>> -> memref<10240xi32, #tpu.memory_space<hbm>>
      tpu.enqueue_dma source(%dma_start3A_583 : memref<10240xi32, #tpu.memory_space<hbm>>) target(%dma_start3A_580 : memref<10240xi32, #tpu.memory_space<vmem>>) target_semaphore(%run_scoped3A : memref<!tpu.dma_semaphore, #tpu.memory_space<semaphore_mem>>)
      %dma_wait3A = arith.constant 0 : i32
      %dma_wait3A_584 = tpu.memref_slice %arg11[%dma_wait3A] : memref<10496xi32, #tpu.memory_space<vmem>> -> memref<10240xi32, #tpu.memory_space<vmem>>
      %dma_wait3A_585 = arith.constant 0 : i32
      %dma_wait3A_586 = tpu.memref_slice %arg3[%add3A_156, %dma_wait3A_585] : memref<32x10240xi32, #tpu.memory_space<hbm>> -> memref<1x10240xi32, #tpu.memory_space<hbm>>
      %dma_wait3A_587 = tpu.memref_squeeze %dma_wait3A_586 : memref<1x10240xi32, #tpu.memory_space<hbm>> -> memref<10240xi32, #tpu.memory_space<hbm>>
      %dma_wait3A_588 = arith.constant 0 : i32
      %dma_wait3A_589 = tpu.memref_slice %arg11[%dma_wait3A_588] : memref<10496xi32, #tpu.memory_space<vmem>> -> memref<10240xi32, #tpu.memory_space<vmem>>
      %dma_wait3A_590 = arith.constant 0 : i32
      %dma_wait3A_591 = tpu.memref_slice %arg3[%add3A_156, %dma_wait3A_590] : memref<32x10240xi32, #tpu.memory_space<hbm>> -> memref<1x10240xi32, #tpu.memory_space<hbm>>
      %dma_wait3A_592 = tpu.memref_squeeze %dma_wait3A_591 : memref<1x10240xi32, #tpu.memory_space<hbm>> -> memref<10240xi32, #tpu.memory_space<hbm>>
      tpu.wait_dma2 semaphore(%run_scoped3A : memref<!tpu.dma_semaphore, #tpu.memory_space<semaphore_mem>>) src(%dma_wait3A_592 : memref<10240xi32, #tpu.memory_space<hbm>>) dst(%dma_wait3A_589 : memref<10240xi32, #tpu.memory_space<vmem>>)
      tpu.yield
    }) : () -> ()
    "tpu.region"() ({
      %run_scoped3A = tpu.sem_alloc : memref<!tpu.dma_semaphore, #tpu.memory_space<semaphore_mem>>
      %dma_start3A = arith.constant 0 : i32
      %dma_start3A_575 = tpu.memref_slice %arg12[%dma_start3A] : memref<10368xi32, #tpu.memory_space<vmem>> -> memref<10240xi32, #tpu.memory_space<vmem>>
      %dma_start3A_576 = arith.constant 0 : i32
      %dma_start3A_577 = tpu.memref_slice %arg4[%add3A_156, %dma_start3A_576] : memref<32x10240xi32, #tpu.memory_space<hbm>> -> memref<1x10240xi32, #tpu.memory_space<hbm>>
      %dma_start3A_578 = tpu.memref_squeeze %dma_start3A_577 : memref<1x10240xi32, #tpu.memory_space<hbm>> -> memref<10240xi32, #tpu.memory_space<hbm>>
      %dma_start3A_579 = arith.constant 0 : i32
      %dma_start3A_580 = tpu.memref_slice %arg12[%dma_start3A_579] : memref<10368xi32, #tpu.memory_space<vmem>> -> memref<10240xi32, #tpu.memory_space<vmem>>
      %dma_start3A_581 = arith.constant 0 : i32
      %dma_start3A_582 = tpu.memref_slice %arg4[%add3A_156, %dma_start3A_581] : memref<32x10240xi32, #tpu.memory_space<hbm>> -> memref<1x10240xi32, #tpu.memory_space<hbm>>
      %dma_start3A_583 = tpu.memref_squeeze %dma_start3A_582 : memref<1x10240xi32, #tpu.memory_space<hbm>> -> memref<10240xi32, #tpu.memory_space<hbm>>
      tpu.enqueue_dma source(%dma_start3A_583 : memref<10240xi32, #tpu.memory_space<hbm>>) target(%dma_start3A_580 : memref<10240xi32, #tpu.memory_space<vmem>>) target_semaphore(%run_scoped3A : memref<!tpu.dma_semaphore, #tpu.memory_space<semaphore_mem>>)
      %dma_wait3A = arith.constant 0 : i32
      %dma_wait3A_584 = tpu.memref_slice %arg12[%dma_wait3A] : memref<10368xi32, #tpu.memory_space<vmem>> -> memref<10240xi32, #tpu.memory_space<vmem>>
      %dma_wait3A_585 = arith.constant 0 : i32
      %dma_wait3A_586 = tpu.memref_slice %arg4[%add3A_156, %dma_wait3A_585] : memref<32x10240xi32, #tpu.memory_space<hbm>> -> memref<1x10240xi32, #tpu.memory_space<hbm>>
      %dma_wait3A_587 = tpu.memref_squeeze %dma_wait3A_586 : memref<1x10240xi32, #tpu.memory_space<hbm>> -> memref<10240xi32, #tpu.memory_space<hbm>>
      %dma_wait3A_588 = arith.constant 0 : i32
      %dma_wait3A_589 = tpu.memref_slice %arg12[%dma_wait3A_588] : memref<10368xi32, #tpu.memory_space<vmem>> -> memref<10240xi32, #tpu.memory_space<vmem>>
      %dma_wait3A_590 = arith.constant 0 : i32
      %dma_wait3A_591 = tpu.memref_slice %arg4[%add3A_156, %dma_wait3A_590] : memref<32x10240xi32, #tpu.memory_space<hbm>> -> memref<1x10240xi32, #tpu.memory_space<hbm>>
      %dma_wait3A_592 = tpu.memref_squeeze %dma_wait3A_591 : memref<1x10240xi32, #tpu.memory_space<hbm>> -> memref<10240xi32, #tpu.memory_space<hbm>>
      tpu.wait_dma2 semaphore(%run_scoped3A : memref<!tpu.dma_semaphore, #tpu.memory_space<semaphore_mem>>) src(%dma_wait3A_592 : memref<10240xi32, #tpu.memory_space<hbm>>) dst(%dma_wait3A_589 : memref<10240xi32, #tpu.memory_space<vmem>>)
      tpu.yield
    }) : () -> ()
    %scan3A_157 = arith.constant 0 : i32
    %scan3A_158 = arith.constant 0 : i32
    %scan3A_159 = arith.constant 640 : i32
    %scan3A_160 = arith.addi %scan3A_158, %scan3A_159 : i32
    %scan3A_161 = arith.constant 1 : i32
    %scan3A_162 = scf.for %scan3A_575 = %scan3A_158 to %scan3A_160 step %scan3A_161 iter_args(%scan3A_576 = %scan3A_157) -> (i32)  : i32 {
      %mul3A_577 = arith.constant 16 : i32
      %mul3A_578 = arith.muli %scan3A_575, %mul3A_577 : i32
      %get3A_579 = arith.index_cast %mul3A_578 : i32 to index
      %get3A_580 = tpu.vector_load %arg12[%get3A_579] {strides = array<i32>} : memref<10368xi32, #tpu.memory_space<vmem>>, vector<16xi32>,
      %gather3A = tpu.vector_load_idx %arg13[%get3A_580] : memref<10240xf32, #tpu.memory_space<vmem>>[vector<16xi32>], vector<16xf32>,
      %ge3A_581 = arith.constant 0.000000e+00 : f32
      %ge3A_582 = vector.broadcast %ge3A_581 : f32 to vector<16xf32>
      %ge3A_583 = arith.cmpf oge, %gather3A, %ge3A_582 : vector<16xf32>
      %mul3A_584 = arith.constant 16 : i32
      %mul3A_585 = arith.muli %scan3A_575, %mul3A_584 : i32
      %get3A_586 = arith.index_cast %mul3A_585 : i32 to index
      %get3A_587 = tpu.vector_load %arg11[%get3A_586] {strides = array<i32>} : memref<10496xi32, #tpu.memory_space<vmem>>, vector<16xi32>,
      %swap3A_588 = arith.index_cast %scan3A_576 : i32 to index
      %swap3A_589 = tpu.vector_load %arg11[%swap3A_588] masked %ge3A_583 {strides = array<i32>} : memref<10496xi32, #tpu.memory_space<vmem>>, vector<16xi32>, vector<16xi1>
      tpu.vector_store %arg11[%swap3A_588], %get3A_587 masked %ge3A_583 {strides = array<i32>} : memref<10496xi32, #tpu.memory_space<vmem>>, vector<16xi32>, vector<16xi1>
      %convert_element_type3A_590 = arith.extui %ge3A_583 : vector<16xi1> to vector<16xi32>
      %reduce_sum3A = arith.constant true
      %reduce_sum3A_591 = vector.broadcast %reduce_sum3A : i1 to vector<16xi1>
      %reduce_sum3A_592 = tpu.scan <sum>, %convert_element_type3A_590 masked %reduce_sum3A_591 : vector<16xi32>, vector<16xi1> -> vector<16xi32>
      %reduce_sum3A_593 = vector.extract %reduce_sum3A_592[15] : i32 from vector<16xi32>
      %add3A_594 = arith.addi %scan3A_576, %reduce_sum3A_593 : i32
      scf.yield %add3A_594 : i32
    }
    %scan3A_163 = arith.constant 640 : i32
    %scan3A_164 = arith.constant 0 : i32
    %scan3A_165 = arith.constant 40 : i32
    %scan3A_166 = arith.addi %scan3A_164, %scan3A_165 : i32
    %scan3A_167 = arith.constant 1 : i32
    %scan3A_168 = scf.for %scan3A_575 = %scan3A_164 to %scan3A_166 step %scan3A_167 iter_args(%scan3A_576 = %scan3A_162) -> (i32)  : i32 {
      %mul3A_577 = arith.constant 16 : i32
      %mul3A_578 = arith.muli %scan3A_575, %mul3A_577 : i32
      %add3A_579 = arith.addi %mul3A_2, %mul3A_578 : i32
      %get3A_580 = arith.index_cast %add3A_579 : i32 to index
      %get3A_581 = tpu.vector_load %arg13[%get3A_580] {strides = array<i32>} : memref<10240xf32, #tpu.memory_space<vmem>>, vector<16xf32>,
      %ge3A_582 = arith.constant 0.000000e+00 : f32
      %ge3A_583 = vector.broadcast %ge3A_582 : f32 to vector<16xf32>
      %ge3A_584 = arith.cmpf oge, %get3A_581, %ge3A_583 : vector<16xf32>
      %mul3A_585 = arith.constant 16 : i32
      %mul3A_586 = arith.muli %scan3A_575, %mul3A_585 : i32
      %add3A_587 = arith.addi %mul3A_2, %mul3A_586 : i32
      %broadcast_in_dim3A_588 = vector.broadcast %add3A_587 : i32 to vector<16xi32>
      %iota3A_589 = tpu.iota {dimensions = array<i32: 0>} : vector<16xi32>
      %add3A_590 = arith.addi %broadcast_in_dim3A_588, %iota3A_589 : vector<16xi32>
      %swap3A_591 = arith.index_cast %scan3A_576 : i32 to index
      %swap3A_592 = tpu.vector_load %arg11[%swap3A_591] masked %ge3A_584 {strides = array<i32>} : memref<10496xi32, #tpu.memory_space<vmem>>, vector<16xi32>, vector<16xi1>
      tpu.vector_store %arg11[%swap3A_591], %add3A_590 masked %ge3A_584 {strides = array<i32>} : memref<10496xi32, #tpu.memory_space<vmem>>, vector<16xi32>, vector<16xi1>
      %convert_element_type3A_593 = arith.extui %ge3A_584 : vector<16xi1> to vector<16xi32>
      %reduce_sum3A = arith.constant true
      %reduce_sum3A_594 = vector.broadcast %reduce_sum3A : i1 to vector<16xi1>
      %reduce_sum3A_595 = tpu.scan <sum>, %convert_element_type3A_593 masked %reduce_sum3A_594 : vector<16xi32>, vector<16xi1> -> vector<16xi32>
      %reduce_sum3A_596 = vector.extract %reduce_sum3A_595[15] : i32 from vector<16xi32>
      %add3A_597 = arith.addi %scan3A_576, %reduce_sum3A_596 : i32
      scf.yield %add3A_597 : i32
    }
    %scan3A_169 = arith.constant 40 : i32
    %jit3A_170 = arith.constant 16 : i32
    %div3A_171 = arith.divsi %scan3A_168, %jit3A_170 : i32
    %sign3A_172 = arith.constant 0 : i32
    %sign3A_173 = arith.cmpi sgt, %scan3A_168, %sign3A_172 : i32
    %sign3A_174 = arith.extui %sign3A_173 : i1 to i32
    %sign3A_175 = arith.constant 0 : i32
    %sign3A_176 = arith.cmpi slt, %scan3A_168, %sign3A_175 : i32
    %sign3A_177 = arith.extui %sign3A_176 : i1 to i32
    %sign3A_178 = arith.subi %sign3A_174, %sign3A_177 : i32
    %sign3A_179 = arith.constant 0 : i32
    %sign3A_180 = arith.cmpi sgt, %jit3A_170, %sign3A_179 : i32
    %sign3A_181 = arith.extui %sign3A_180 : i1 to i32
    %sign3A_182 = arith.constant 0 : i32
    %sign3A_183 = arith.cmpi slt, %jit3A_170, %sign3A_182 : i32
    %sign3A_184 = arith.extui %sign3A_183 : i1 to i32
    %sign3A_185 = arith.subi %sign3A_181, %sign3A_184 : i32
    %ne3A_186 = arith.cmpi ne, %sign3A_178, %sign3A_185 : i32
    %rem3A_187 = arith.remsi %scan3A_168, %jit3A_170 : i32
    %ne3A_188 = arith.constant 0 : i32
    %ne3A_189 = arith.cmpi ne, %rem3A_187, %ne3A_188 : i32
    %and3A_190 = arith.andi %ne3A_186, %ne3A_189 : i1
    %sub3A_191 = arith.constant 1 : i32
    %sub3A_192 = arith.subi %div3A_171, %sub3A_191 : i32
    %select_n3A_193 = arith.select %and3A_190, %sub3A_192, %div3A_171 : i32
    %mul3A_194 = arith.constant 16 : i32
    %mul3A_195 = arith.muli %select_n3A_193, %mul3A_194 : i32
    %add3A_196 = arith.constant 0 : i32
    %add3A_197 = arith.addi %mul3A_195, %add3A_196 : i32
    %broadcast_in_dim3A_198 = vector.broadcast %add3A_197 : i32 to vector<16xi32>
    %iota3A_199 = tpu.iota {dimensions = array<i32: 0>} : vector<16xi32>
    %add3A_200 = arith.addi %broadcast_in_dim3A_198, %iota3A_199 : vector<16xi32>
    %add3A_201 = arith.constant 0 : i32
    %add3A_202 = arith.addi %mul3A_195, %add3A_201 : i32
    %get3A_203 = arith.index_cast %add3A_202 : i32 to index
    %get3A_204 = tpu.vector_load %arg11[%get3A_203] {strides = array<i32>} : memref<10496xi32, #tpu.memory_space<vmem>>, vector<16xi32>,
    %ge3A_205 = vector.broadcast %scan3A_168 : i32 to vector<16xi32>
    %ge3A_206 = arith.cmpi sge, %add3A_200, %ge3A_205 : vector<16xi32>
    %jit3A_207 = arith.constant 0 : i32
    %broadcast_in_dim3A_208 = vector.broadcast %jit3A_207 : i32 to vector<16xi32>
    %select_n3A_209 = arith.select %ge3A_206, %broadcast_in_dim3A_208, %get3A_204 : vector<16xi1>, vector<16xi32>
    %add3A_210 = arith.constant 0 : i32
    %add3A_211 = arith.addi %mul3A_195, %add3A_210 : i32
    %swap3A_212 = arith.index_cast %add3A_211 : i32 to index
    %swap3A_213 = tpu.vector_load %arg11[%swap3A_212] {strides = array<i32>} : memref<10496xi32, #tpu.memory_space<vmem>>, vector<16xi32>,
    tpu.vector_store %arg11[%swap3A_212], %select_n3A_209 {strides = array<i32>} : memref<10496xi32, #tpu.memory_space<vmem>>, vector<16xi32>,
    %add3A_214 = arith.constant 16 : i32
    %add3A_215 = arith.addi %mul3A_195, %add3A_214 : i32
    %broadcast_in_dim3A_216 = vector.broadcast %add3A_215 : i32 to vector<16xi32>
    %iota3A_217 = tpu.iota {dimensions = array<i32: 0>} : vector<16xi32>
    %add3A_218 = arith.addi %broadcast_in_dim3A_216, %iota3A_217 : vector<16xi32>
    %add3A_219 = arith.constant 16 : i32
    %add3A_220 = arith.addi %mul3A_195, %add3A_219 : i32
    %get3A_221 = arith.index_cast %add3A_220 : i32 to index
    %get3A_222 = tpu.vector_load %arg11[%get3A_221] {strides = array<i32>} : memref<10496xi32, #tpu.memory_space<vmem>>, vector<16xi32>,
    %ge3A_223 = vector.broadcast %scan3A_168 : i32 to vector<16xi32>
    %ge3A_224 = arith.cmpi sge, %add3A_218, %ge3A_223 : vector<16xi32>
    %jit3A_225 = arith.constant 0 : i32
    %broadcast_in_dim3A_226 = vector.broadcast %jit3A_225 : i32 to vector<16xi32>
    %select_n3A_227 = arith.select %ge3A_224, %broadcast_in_dim3A_226, %get3A_222 : vector<16xi1>, vector<16xi32>
    %add3A_228 = arith.constant 16 : i32
    %add3A_229 = arith.addi %mul3A_195, %add3A_228 : i32
    %swap3A_230 = arith.index_cast %add3A_229 : i32 to index
    %swap3A_231 = tpu.vector_load %arg11[%swap3A_230] {strides = array<i32>} : memref<10496xi32, #tpu.memory_space<vmem>>, vector<16xi32>,
    tpu.vector_store %arg11[%swap3A_230], %select_n3A_227 {strides = array<i32>} : memref<10496xi32, #tpu.memory_space<vmem>>, vector<16xi32>,
    %add3A_232 = arith.constant 32 : i32
    %add3A_233 = arith.addi %mul3A_195, %add3A_232 : i32
    %broadcast_in_dim3A_234 = vector.broadcast %add3A_233 : i32 to vector<16xi32>
    %iota3A_235 = tpu.iota {dimensions = array<i32: 0>} : vector<16xi32>
    %add3A_236 = arith.addi %broadcast_in_dim3A_234, %iota3A_235 : vector<16xi32>
    %add3A_237 = arith.constant 32 : i32
    %add3A_238 = arith.addi %mul3A_195, %add3A_237 : i32
    %get3A_239 = arith.index_cast %add3A_238 : i32 to index
    %get3A_240 = tpu.vector_load %arg11[%get3A_239] {strides = array<i32>} : memref<10496xi32, #tpu.memory_space<vmem>>, vector<16xi32>,
    %ge3A_241 = vector.broadcast %scan3A_168 : i32 to vector<16xi32>
    %ge3A_242 = arith.cmpi sge, %add3A_236, %ge3A_241 : vector<16xi32>
    %jit3A_243 = arith.constant 0 : i32
    %broadcast_in_dim3A_244 = vector.broadcast %jit3A_243 : i32 to vector<16xi32>
    %select_n3A_245 = arith.select %ge3A_242, %broadcast_in_dim3A_244, %get3A_240 : vector<16xi1>, vector<16xi32>
    %add3A_246 = arith.constant 32 : i32
    %add3A_247 = arith.addi %mul3A_195, %add3A_246 : i32
    %swap3A_248 = arith.index_cast %add3A_247 : i32 to index
    %swap3A_249 = tpu.vector_load %arg11[%swap3A_248] {strides = array<i32>} : memref<10496xi32, #tpu.memory_space<vmem>>, vector<16xi32>,
    tpu.vector_store %arg11[%swap3A_248], %select_n3A_245 {strides = array<i32>} : memref<10496xi32, #tpu.memory_space<vmem>>, vector<16xi32>,
    %add3A_250 = arith.constant 48 : i32
    %add3A_251 = arith.addi %mul3A_195, %add3A_250 : i32
    %broadcast_in_dim3A_252 = vector.broadcast %add3A_251 : i32 to vector<16xi32>
    %iota3A_253 = tpu.iota {dimensions = array<i32: 0>} : vector<16xi32>
    %add3A_254 = arith.addi %broadcast_in_dim3A_252, %iota3A_253 : vector<16xi32>
    %add3A_255 = arith.constant 48 : i32
    %add3A_256 = arith.addi %mul3A_195, %add3A_255 : i32
    %get3A_257 = arith.index_cast %add3A_256 : i32 to index
    %get3A_258 = tpu.vector_load %arg11[%get3A_257] {strides = array<i32>} : memref<10496xi32, #tpu.memory_space<vmem>>, vector<16xi32>,
    %ge3A_259 = vector.broadcast %scan3A_168 : i32 to vector<16xi32>
    %ge3A_260 = arith.cmpi sge, %add3A_254, %ge3A_259 : vector<16xi32>
    %jit3A_261 = arith.constant 0 : i32
    %broadcast_in_dim3A_262 = vector.broadcast %jit3A_261 : i32 to vector<16xi32>
    %select_n3A_263 = arith.select %ge3A_260, %broadcast_in_dim3A_262, %get3A_258 : vector<16xi1>, vector<16xi32>
    %add3A_264 = arith.constant 48 : i32
    %add3A_265 = arith.addi %mul3A_195, %add3A_264 : i32
    %swap3A_266 = arith.index_cast %add3A_265 : i32 to index
    %swap3A_267 = tpu.vector_load %arg11[%swap3A_266] {strides = array<i32>} : memref<10496xi32, #tpu.memory_space<vmem>>, vector<16xi32>,
    tpu.vector_store %arg11[%swap3A_266], %select_n3A_263 {strides = array<i32>} : memref<10496xi32, #tpu.memory_space<vmem>>, vector<16xi32>,
    %add3A_268 = arith.constant 64 : i32
    %add3A_269 = arith.addi %mul3A_195, %add3A_268 : i32
    %broadcast_in_dim3A_270 = vector.broadcast %add3A_269 : i32 to vector<16xi32>
    %iota3A_271 = tpu.iota {dimensions = array<i32: 0>} : vector<16xi32>
    %add3A_272 = arith.addi %broadcast_in_dim3A_270, %iota3A_271 : vector<16xi32>
    %add3A_273 = arith.constant 64 : i32
    %add3A_274 = arith.addi %mul3A_195, %add3A_273 : i32
    %get3A_275 = arith.index_cast %add3A_274 : i32 to index
    %get3A_276 = tpu.vector_load %arg11[%get3A_275] {strides = array<i32>} : memref<10496xi32, #tpu.memory_space<vmem>>, vector<16xi32>,
    %ge3A_277 = vector.broadcast %scan3A_168 : i32 to vector<16xi32>
    %ge3A_278 = arith.cmpi sge, %add3A_272, %ge3A_277 : vector<16xi32>
    %jit3A_279 = arith.constant 0 : i32
    %broadcast_in_dim3A_280 = vector.broadcast %jit3A_279 : i32 to vector<16xi32>
    %select_n3A_281 = arith.select %ge3A_278, %broadcast_in_dim3A_280, %get3A_276 : vector<16xi1>, vector<16xi32>
    %add3A_282 = arith.constant 64 : i32
    %add3A_283 = arith.addi %mul3A_195, %add3A_282 : i32
    %swap3A_284 = arith.index_cast %add3A_283 : i32 to index
    %swap3A_285 = tpu.vector_load %arg11[%swap3A_284] {strides = array<i32>} : memref<10496xi32, #tpu.memory_space<vmem>>, vector<16xi32>,
    tpu.vector_store %arg11[%swap3A_284], %select_n3A_281 {strides = array<i32>} : memref<10496xi32, #tpu.memory_space<vmem>>, vector<16xi32>,
    %add3A_286 = arith.constant 64 : i32
    %add3A_287 = arith.addi %scan3A_168, %add3A_286 : i32
    %sub3A_288 = arith.constant 1 : i32
    %sub3A_289 = arith.subi %add3A_287, %sub3A_288 : i32
    %jit3A_290 = arith.constant 64 : i32
    %div3A_291 = arith.divsi %sub3A_289, %jit3A_290 : i32
    %sign3A_292 = arith.constant 0 : i32
    %sign3A_293 = arith.cmpi sgt, %sub3A_289, %sign3A_292 : i32
    %sign3A_294 = arith.extui %sign3A_293 : i1 to i32
    %sign3A_295 = arith.constant 0 : i32
    %sign3A_296 = arith.cmpi slt, %sub3A_289, %sign3A_295 : i32
    %sign3A_297 = arith.extui %sign3A_296 : i1 to i32
    %sign3A_298 = arith.subi %sign3A_294, %sign3A_297 : i32
    %sign3A_299 = arith.constant 0 : i32
    %sign3A_300 = arith.cmpi sgt, %jit3A_290, %sign3A_299 : i32
    %sign3A_301 = arith.extui %sign3A_300 : i1 to i32
    %sign3A_302 = arith.constant 0 : i32
    %sign3A_303 = arith.cmpi slt, %jit3A_290, %sign3A_302 : i32
    %sign3A_304 = arith.extui %sign3A_303 : i1 to i32
    %sign3A_305 = arith.subi %sign3A_301, %sign3A_304 : i32
    %ne3A_306 = arith.cmpi ne, %sign3A_298, %sign3A_305 : i32
    %rem3A_307 = arith.remsi %sub3A_289, %jit3A_290 : i32
    %ne3A_308 = arith.constant 0 : i32
    %ne3A_309 = arith.cmpi ne, %rem3A_307, %ne3A_308 : i32
    %and3A_310 = arith.andi %ne3A_306, %ne3A_309 : i1
    %sub3A_311 = arith.constant 1 : i32
    %sub3A_312 = arith.subi %div3A_291, %sub3A_311 : i32
    %select_n3A_313 = arith.select %and3A_310, %sub3A_312, %div3A_291 : i32
    %while3A_314 = arith.constant 0 : i32
    %while3A_315 = arith.constant 0 : i32
    %while3A_316 = arith.subi %select_n3A_313, %while3A_315 : i32
    %while3A_317 = arith.addi %while3A_315, %while3A_316 : i32
    %while3A_318 = arith.constant 1 : i32
    %while3A_319 = arith.divsi %while3A_316, %while3A_318 : i32
    %while3A_320 = arith.muli %while3A_319, %while3A_318 : i32
    %while3A_321 = arith.addi %while3A_315, %while3A_320 : i32
    %while3A_322 = arith.constant 1 : i32
    scf.for %while3A_575 = %while3A_315 to %while3A_321 step %while3A_322  : i32 {
      %mul3A_576 = arith.constant 64 : i32
      %mul3A_577 = arith.muli %while3A_575, %mul3A_576 : i32
      %add3A_578 = arith.constant 0 : i32
      %add3A_579 = arith.addi %mul3A_577, %add3A_578 : i32
      %get3A_580 = arith.index_cast %add3A_579 : i32 to index
      %get3A_581 = tpu.vector_load %arg11[%get3A_580] {strides = array<i32>} : memref<10496xi32, #tpu.memory_space<vmem>>, vector<16xi32>,
      %swap3A_582 = arith.constant 0 : index
      %swap3A_583 = tpu.vector_load %arg14[%swap3A_582] {strides = array<i32>} : memref<64xi32, #tpu.memory_space<vmem>>, vector<16xi32>,
      tpu.vector_store %arg14[%swap3A_582], %get3A_581 {strides = array<i32>} : memref<64xi32, #tpu.memory_space<vmem>>, vector<16xi32>,
      %mul3A_584 = arith.constant 64 : i32
      %mul3A_585 = arith.muli %while3A_575, %mul3A_584 : i32
      %add3A_586 = arith.constant 16 : i32
      %add3A_587 = arith.addi %mul3A_585, %add3A_586 : i32
      %get3A_588 = arith.index_cast %add3A_587 : i32 to index
      %get3A_589 = tpu.vector_load %arg11[%get3A_588] {strides = array<i32>} : memref<10496xi32, #tpu.memory_space<vmem>>, vector<16xi32>,
      %swap3A_590 = arith.constant 16 : index
      %swap3A_591 = tpu.vector_load %arg14[%swap3A_590] {strides = array<i32>} : memref<64xi32, #tpu.memory_space<vmem>>, vector<16xi32>,
      tpu.vector_store %arg14[%swap3A_590], %get3A_589 {strides = array<i32>} : memref<64xi32, #tpu.memory_space<vmem>>, vector<16xi32>,
      %mul3A_592 = arith.constant 64 : i32
      %mul3A_593 = arith.muli %while3A_575, %mul3A_592 : i32
      %add3A_594 = arith.constant 32 : i32
      %add3A_595 = arith.addi %mul3A_593, %add3A_594 : i32
      %get3A_596 = arith.index_cast %add3A_595 : i32 to index
      %get3A_597 = tpu.vector_load %arg11[%get3A_596] {strides = array<i32>} : memref<10496xi32, #tpu.memory_space<vmem>>, vector<16xi32>,
      %swap3A_598 = arith.constant 32 : index
      %swap3A_599 = tpu.vector_load %arg14[%swap3A_598] {strides = array<i32>} : memref<64xi32, #tpu.memory_space<vmem>>, vector<16xi32>,
      tpu.vector_store %arg14[%swap3A_598], %get3A_597 {strides = array<i32>} : memref<64xi32, #tpu.memory_space<vmem>>, vector<16xi32>,
      %mul3A_600 = arith.constant 64 : i32
      %mul3A_601 = arith.muli %while3A_575, %mul3A_600 : i32
      %add3A_602 = arith.constant 48 : i32
      %add3A_603 = arith.addi %mul3A_601, %add3A_602 : i32
      %get3A_604 = arith.index_cast %add3A_603 : i32 to index
      %get3A_605 = tpu.vector_load %arg11[%get3A_604] {strides = array<i32>} : memref<10496xi32, #tpu.memory_space<vmem>>, vector<16xi32>,
      %swap3A_606 = arith.constant 48 : index
      %swap3A_607 = tpu.vector_load %arg14[%swap3A_606] {strides = array<i32>} : memref<64xi32, #tpu.memory_space<vmem>>, vector<16xi32>,
      tpu.vector_store %arg14[%swap3A_606], %get3A_605 {strides = array<i32>} : memref<64xi32, #tpu.memory_space<vmem>>, vector<16xi32>,
      "tpu.region"() ({
        %run_scoped3A = tpu.sem_alloc : memref<!tpu.dma_semaphore, #tpu.memory_space<semaphore_mem>>
        %dma_start3A = arith.constant 0 : i32
        %dma_start3A_608 = tpu.memref_slice %arg16[%dma_start3A] : memref<64xf32, #tpu.memory_space<vmem>> -> memref<64xf32, #tpu.memory_space<vmem>>
        %dma_start3A_609 = arith.constant 0 : i32
        %dma_start3A_610 = tpu.memref_slice %arg23[%dma_start3A_609] : memref<10240xf32, #tpu.memory_space<vmem_shared>> -> memref<10240xf32, #tpu.memory_space<vmem_shared>>
        tpu.enqueue_indirect_dma source(%dma_start3A_608 : memref<64xf32, #tpu.memory_space<vmem>>) target(%dma_start3A_610 : memref<10240xf32, #tpu.memory_space<vmem_shared>>) offsets(%arg14 : memref<64xi32, #tpu.memory_space<vmem>>) semaphore(%run_scoped3A : memref<!tpu.dma_semaphore, #tpu.memory_space<semaphore_mem>>) {add = true}
        %dma_wait3A = arith.constant 0 : i32
        %dma_wait3A_611 = tpu.memref_slice %arg16[%dma_wait3A] : memref<64xf32, #tpu.memory_space<vmem>> -> memref<64xf32, #tpu.memory_space<vmem>>
        %dma_wait3A_612 = arith.constant 0 : i32
        %dma_wait3A_613 = tpu.memref_slice %arg23[%dma_wait3A_612] : memref<10240xf32, #tpu.memory_space<vmem_shared>> -> memref<10240xf32, #tpu.memory_space<vmem_shared>>
        tpu.wait_indirect_dma semaphore(%run_scoped3A : memref<!tpu.dma_semaphore, #tpu.memory_space<semaphore_mem>>) src(%dma_wait3A_611 : memref<64xf32, #tpu.memory_space<vmem>>) dst(%dma_wait3A_613 : memref<10240xf32, #tpu.memory_space<vmem_shared>>)
        tpu.yield
      }) : () -> ()
    }
    %while3A_323 = arith.constant 1 : i32
    scf.for %while3A_575 = %while3A_321 to %while3A_317 step %while3A_323  : i32 {
      %mul3A_576 = arith.constant 64 : i32
      %mul3A_577 = arith.muli %while3A_575, %mul3A_576 : i32
      %add3A_578 = arith.constant 0 : i32
      %add3A_579 = arith.addi %mul3A_577, %add3A_578 : i32
      %get3A_580 = arith.index_cast %add3A_579 : i32 to index
      %get3A_581 = tpu.vector_load %arg11[%get3A_580] {strides = array<i32>} : memref<10496xi32, #tpu.memory_space<vmem>>, vector<16xi32>,
      %swap3A_582 = arith.constant 0 : index
      %swap3A_583 = tpu.vector_load %arg14[%swap3A_582] {strides = array<i32>} : memref<64xi32, #tpu.memory_space<vmem>>, vector<16xi32>,
      tpu.vector_store %arg14[%swap3A_582], %get3A_581 {strides = array<i32>} : memref<64xi32, #tpu.memory_space<vmem>>, vector<16xi32>,
      %mul3A_584 = arith.constant 64 : i32
      %mul3A_585 = arith.muli %while3A_575, %mul3A_584 : i32
      %add3A_586 = arith.constant 16 : i32
      %add3A_587 = arith.addi %mul3A_585, %add3A_586 : i32
      %get3A_588 = arith.index_cast %add3A_587 : i32 to index
      %get3A_589 = tpu.vector_load %arg11[%get3A_588] {strides = array<i32>} : memref<10496xi32, #tpu.memory_space<vmem>>, vector<16xi32>,
      %swap3A_590 = arith.constant 16 : index
      %swap3A_591 = tpu.vector_load %arg14[%swap3A_590] {strides = array<i32>} : memref<64xi32, #tpu.memory_space<vmem>>, vector<16xi32>,
      tpu.vector_store %arg14[%swap3A_590], %get3A_589 {strides = array<i32>} : memref<64xi32, #tpu.memory_space<vmem>>, vector<16xi32>,
      %mul3A_592 = arith.constant 64 : i32
      %mul3A_593 = arith.muli %while3A_575, %mul3A_592 : i32
      %add3A_594 = arith.constant 32 : i32
      %add3A_595 = arith.addi %mul3A_593, %add3A_594 : i32
      %get3A_596 = arith.index_cast %add3A_595 : i32 to index
      %get3A_597 = tpu.vector_load %arg11[%get3A_596] {strides = array<i32>} : memref<10496xi32, #tpu.memory_space<vmem>>, vector<16xi32>,
      %swap3A_598 = arith.constant 32 : index
      %swap3A_599 = tpu.vector_load %arg14[%swap3A_598] {strides = array<i32>} : memref<64xi32, #tpu.memory_space<vmem>>, vector<16xi32>,
      tpu.vector_store %arg14[%swap3A_598], %get3A_597 {strides = array<i32>} : memref<64xi32, #tpu.memory_space<vmem>>, vector<16xi32>,
      %mul3A_600 = arith.constant 64 : i32
      %mul3A_601 = arith.muli %while3A_575, %mul3A_600 : i32
      %add3A_602 = arith.constant 48 : i32
      %add3A_603 = arith.addi %mul3A_601, %add3A_602 : i32
      %get3A_604 = arith.index_cast %add3A_603 : i32 to index
      %get3A_605 = tpu.vector_load %arg11[%get3A_604] {strides = array<i32>} : memref<10496xi32, #tpu.memory_space<vmem>>, vector<16xi32>,
      %swap3A_606 = arith.constant 48 : index
      %swap3A_607 = tpu.vector_load %arg14[%swap3A_606] {strides = array<i32>} : memref<64xi32, #tpu.memory_space<vmem>>, vector<16xi32>,
      tpu.vector_store %arg14[%swap3A_606], %get3A_605 {strides = array<i32>} : memref<64xi32, #tpu.memory_space<vmem>>, vector<16xi32>,
      "tpu.region"() ({
        %run_scoped3A = tpu.sem_alloc : memref<!tpu.dma_semaphore, #tpu.memory_space<semaphore_mem>>
        %dma_start3A = arith.constant 0 : i32
        %dma_start3A_608 = tpu.memref_slice %arg16[%dma_start3A] : memref<64xf32, #tpu.memory_space<vmem>> -> memref<64xf32, #tpu.memory_space<vmem>>
        %dma_start3A_609 = arith.constant 0 : i32
        %dma_start3A_610 = tpu.memref_slice %arg23[%dma_start3A_609] : memref<10240xf32, #tpu.memory_space<vmem_shared>> -> memref<10240xf32, #tpu.memory_space<vmem_shared>>
        tpu.enqueue_indirect_dma source(%dma_start3A_608 : memref<64xf32, #tpu.memory_space<vmem>>) target(%dma_start3A_610 : memref<10240xf32, #tpu.memory_space<vmem_shared>>) offsets(%arg14 : memref<64xi32, #tpu.memory_space<vmem>>) semaphore(%run_scoped3A : memref<!tpu.dma_semaphore, #tpu.memory_space<semaphore_mem>>) {add = true}
        %dma_wait3A = arith.constant 0 : i32
        %dma_wait3A_611 = tpu.memref_slice %arg16[%dma_wait3A] : memref<64xf32, #tpu.memory_space<vmem>> -> memref<64xf32, #tpu.memory_space<vmem>>
        %dma_wait3A_612 = arith.constant 0 : i32
        %dma_wait3A_613 = tpu.memref_slice %arg23[%dma_wait3A_612] : memref<10240xf32, #tpu.memory_space<vmem_shared>> -> memref<10240xf32, #tpu.memory_space<vmem_shared>>
        tpu.wait_indirect_dma semaphore(%run_scoped3A : memref<!tpu.dma_semaphore, #tpu.memory_space<semaphore_mem>>) src(%dma_wait3A_611 : memref<64xf32, #tpu.memory_space<vmem>>) dst(%dma_wait3A_613 : memref<10240xf32, #tpu.memory_space<vmem_shared>>)
        tpu.yield
      }) : () -> ()
    }
    %barrier3A_324 = arith.constant 0 : index
    tpu.barrier barrier_id(%barrier3A_324)
    "tpu.region"() ({
      %run_scoped3A = tpu.sem_alloc : memref<!tpu.dma_semaphore, #tpu.memory_space<semaphore_mem>>
      tpu.enqueue_dma source(%arg23 : memref<10240xf32, #tpu.memory_space<vmem_shared>>) target(%arg13 : memref<10240xf32, #tpu.memory_space<vmem>>) target_semaphore(%run_scoped3A : memref<!tpu.dma_semaphore, #tpu.memory_space<semaphore_mem>>)
      tpu.wait_dma2 semaphore(%run_scoped3A : memref<!tpu.dma_semaphore, #tpu.memory_space<semaphore_mem>>) src(%arg23 : memref<10240xf32, #tpu.memory_space<vmem_shared>>) dst(%arg13 : memref<10240xf32, #tpu.memory_space<vmem>>)
      tpu.yield
    }) : () -> ()
    "tpu.region"() ({
      %run_scoped3A = tpu.sem_alloc : memref<!tpu.dma_semaphore, #tpu.memory_space<semaphore_mem>>
      %dma_start3A = arith.constant 0 : i32
      %dma_start3A_575 = tpu.memref_slice %arg11[%dma_start3A] : memref<10496xi32, #tpu.memory_space<vmem>> -> memref<10240xi32, #tpu.memory_space<vmem>>
      %dma_start3A_576 = arith.constant 0 : i32
      %dma_start3A_577 = tpu.memref_slice %arg3[%add3A, %dma_start3A_576] : memref<32x10240xi32, #tpu.memory_space<hbm>> -> memref<1x10240xi32, #tpu.memory_space<hbm>>
      %dma_start3A_578 = tpu.memref_squeeze %dma_start3A_577 : memref<1x10240xi32, #tpu.memory_space<hbm>> -> memref<10240xi32, #tpu.memory_space<hbm>>
      %dma_start3A_579 = arith.constant 0 : i32
      %dma_start3A_580 = tpu.memref_slice %arg11[%dma_start3A_579] : memref<10496xi32, #tpu.memory_space<vmem>> -> memref<10240xi32, #tpu.memory_space<vmem>>
      %dma_start3A_581 = arith.constant 0 : i32
      %dma_start3A_582 = tpu.memref_slice %arg3[%add3A, %dma_start3A_581] : memref<32x10240xi32, #tpu.memory_space<hbm>> -> memref<1x10240xi32, #tpu.memory_space<hbm>>
      %dma_start3A_583 = tpu.memref_squeeze %dma_start3A_582 : memref<1x10240xi32, #tpu.memory_space<hbm>> -> memref<10240xi32, #tpu.memory_space<hbm>>
      tpu.enqueue_dma source(%dma_start3A_583 : memref<10240xi32, #tpu.memory_space<hbm>>) target(%dma_start3A_580 : memref<10240xi32, #tpu.memory_space<vmem>>) target_semaphore(%run_scoped3A : memref<!tpu.dma_semaphore, #tpu.memory_space<semaphore_mem>>)
      %dma_wait3A = arith.constant 0 : i32
      %dma_wait3A_584 = tpu.memref_slice %arg11[%dma_wait3A] : memref<10496xi32, #tpu.memory_space<vmem>> -> memref<10240xi32, #tpu.memory_space<vmem>>
      %dma_wait3A_585 = arith.constant 0 : i32
      %dma_wait3A_586 = tpu.memref_slice %arg3[%add3A, %dma_wait3A_585] : memref<32x10240xi32, #tpu.memory_space<hbm>> -> memref<1x10240xi32, #tpu.memory_space<hbm>>
      %dma_wait3A_587 = tpu.memref_squeeze %dma_wait3A_586 : memref<1x10240xi32, #tpu.memory_space<hbm>> -> memref<10240xi32, #tpu.memory_space<hbm>>
      %dma_wait3A_588 = arith.constant 0 : i32
      %dma_wait3A_589 = tpu.memref_slice %arg11[%dma_wait3A_588] : memref<10496xi32, #tpu.memory_space<vmem>> -> memref<10240xi32, #tpu.memory_space<vmem>>
      %dma_wait3A_590 = arith.constant 0 : i32
      %dma_wait3A_591 = tpu.memref_slice %arg3[%add3A, %dma_wait3A_590] : memref<32x10240xi32, #tpu.memory_space<hbm>> -> memref<1x10240xi32, #tpu.memory_space<hbm>>
      %dma_wait3A_592 = tpu.memref_squeeze %dma_wait3A_591 : memref<1x10240xi32, #tpu.memory_space<hbm>> -> memref<10240xi32, #tpu.memory_space<hbm>>
      tpu.wait_dma2 semaphore(%run_scoped3A : memref<!tpu.dma_semaphore, #tpu.memory_space<semaphore_mem>>) src(%dma_wait3A_592 : memref<10240xi32, #tpu.memory_space<hbm>>) dst(%dma_wait3A_589 : memref<10240xi32, #tpu.memory_space<vmem>>)
      tpu.yield
    }) : () -> ()
    "tpu.region"() ({
      %run_scoped3A = tpu.sem_alloc : memref<!tpu.dma_semaphore, #tpu.memory_space<semaphore_mem>>
      %dma_start3A = arith.constant 0 : i32
      %dma_start3A_575 = tpu.memref_slice %arg12[%dma_start3A] : memref<10368xi32, #tpu.memory_space<vmem>> -> memref<10240xi32, #tpu.memory_space<vmem>>
      %dma_start3A_576 = arith.constant 0 : i32
      %dma_start3A_577 = tpu.memref_slice %arg4[%add3A, %dma_start3A_576] : memref<32x10240xi32, #tpu.memory_space<hbm>> -> memref<1x10240xi32, #tpu.memory_space<hbm>>
      %dma_start3A_578 = tpu.memref_squeeze %dma_start3A_577 : memref<1x10240xi32, #tpu.memory_space<hbm>> -> memref<10240xi32, #tpu.memory_space<hbm>>
      %dma_start3A_579 = arith.constant 0 : i32
      %dma_start3A_580 = tpu.memref_slice %arg12[%dma_start3A_579] : memref<10368xi32, #tpu.memory_space<vmem>> -> memref<10240xi32, #tpu.memory_space<vmem>>
      %dma_start3A_581 = arith.constant 0 : i32
      %dma_start3A_582 = tpu.memref_slice %arg4[%add3A, %dma_start3A_581] : memref<32x10240xi32, #tpu.memory_space<hbm>> -> memref<1x10240xi32, #tpu.memory_space<hbm>>
      %dma_start3A_583 = tpu.memref_squeeze %dma_start3A_582 : memref<1x10240xi32, #tpu.memory_space<hbm>> -> memref<10240xi32, #tpu.memory_space<hbm>>
      tpu.enqueue_dma source(%dma_start3A_583 : memref<10240xi32, #tpu.memory_space<hbm>>) target(%dma_start3A_580 : memref<10240xi32, #tpu.memory_space<vmem>>) target_semaphore(%run_scoped3A : memref<!tpu.dma_semaphore, #tpu.memory_space<semaphore_mem>>)
      %dma_wait3A = arith.constant 0 : i32
      %dma_wait3A_584 = tpu.memref_slice %arg12[%dma_wait3A] : memref<10368xi32, #tpu.memory_space<vmem>> -> memref<10240xi32, #tpu.memory_space<vmem>>
      %dma_wait3A_585 = arith.constant 0 : i32
      %dma_wait3A_586 = tpu.memref_slice %arg4[%add3A, %dma_wait3A_585] : memref<32x10240xi32, #tpu.memory_space<hbm>> -> memref<1x10240xi32, #tpu.memory_space<hbm>>
      %dma_wait3A_587 = tpu.memref_squeeze %dma_wait3A_586 : memref<1x10240xi32, #tpu.memory_space<hbm>> -> memref<10240xi32, #tpu.memory_space<hbm>>
      %dma_wait3A_588 = arith.constant 0 : i32
      %dma_wait3A_589 = tpu.memref_slice %arg12[%dma_wait3A_588] : memref<10368xi32, #tpu.memory_space<vmem>> -> memref<10240xi32, #tpu.memory_space<vmem>>
      %dma_wait3A_590 = arith.constant 0 : i32
      %dma_wait3A_591 = tpu.memref_slice %arg4[%add3A, %dma_wait3A_590] : memref<32x10240xi32, #tpu.memory_space<hbm>> -> memref<1x10240xi32, #tpu.memory_space<hbm>>
      %dma_wait3A_592 = tpu.memref_squeeze %dma_wait3A_591 : memref<1x10240xi32, #tpu.memory_space<hbm>> -> memref<10240xi32, #tpu.memory_space<hbm>>
      tpu.wait_dma2 semaphore(%run_scoped3A : memref<!tpu.dma_semaphore, #tpu.memory_space<semaphore_mem>>) src(%dma_wait3A_592 : memref<10240xi32, #tpu.memory_space<hbm>>) dst(%dma_wait3A_589 : memref<10240xi32, #tpu.memory_space<vmem>>)
      tpu.yield
    }) : () -> ()
    %scan3A_325 = arith.constant 0 : i32
    %scan3A_326 = arith.constant 0 : i32
    %scan3A_327 = arith.constant 640 : i32
    %scan3A_328 = arith.addi %scan3A_326, %scan3A_327 : i32
    %scan3A_329 = arith.constant 1 : i32
    %scan3A_330 = scf.for %scan3A_575 = %scan3A_326 to %scan3A_328 step %scan3A_329 iter_args(%scan3A_576 = %scan3A_325) -> (i32)  : i32 {
      %mul3A_577 = arith.constant 16 : i32
      %mul3A_578 = arith.muli %scan3A_575, %mul3A_577 : i32
      %get3A_579 = arith.index_cast %mul3A_578 : i32 to index
      %get3A_580 = tpu.vector_load %arg12[%get3A_579] {strides = array<i32>} : memref<10368xi32, #tpu.memory_space<vmem>>, vector<16xi32>,
      %gather3A = tpu.vector_load_idx %arg13[%get3A_580] : memref<10240xf32, #tpu.memory_space<vmem>>[vector<16xi32>], vector<16xf32>,
      %gt3A_581 = arith.constant 0.000000e+00 : f32
      %gt3A_582 = vector.broadcast %gt3A_581 : f32 to vector<16xf32>
      %gt3A_583 = arith.cmpf ogt, %gather3A, %gt3A_582 : vector<16xf32>
      %mul3A_584 = arith.constant 16 : i32
      %mul3A_585 = arith.muli %scan3A_575, %mul3A_584 : i32
      %get3A_586 = arith.index_cast %mul3A_585 : i32 to index
      %get3A_587 = tpu.vector_load %arg11[%get3A_586] {strides = array<i32>} : memref<10496xi32, #tpu.memory_space<vmem>>, vector<16xi32>,
      %swap3A_588 = arith.index_cast %scan3A_576 : i32 to index
      %swap3A_589 = tpu.vector_load %arg11[%swap3A_588] masked %gt3A_583 {strides = array<i32>} : memref<10496xi32, #tpu.memory_space<vmem>>, vector<16xi32>, vector<16xi1>
      tpu.vector_store %arg11[%swap3A_588], %get3A_587 masked %gt3A_583 {strides = array<i32>} : memref<10496xi32, #tpu.memory_space<vmem>>, vector<16xi32>, vector<16xi1>
      %swap3A_590 = arith.index_cast %scan3A_576 : i32 to index
      %swap3A_591 = tpu.vector_load %arg12[%swap3A_590] masked %gt3A_583 {strides = array<i32>} : memref<10368xi32, #tpu.memory_space<vmem>>, vector<16xi32>, vector<16xi1>
      tpu.vector_store %arg12[%swap3A_590], %get3A_580 masked %gt3A_583 {strides = array<i32>} : memref<10368xi32, #tpu.memory_space<vmem>>, vector<16xi32>, vector<16xi1>
      %convert_element_type3A_592 = arith.extui %gt3A_583 : vector<16xi1> to vector<16xi32>
      %reduce_sum3A = arith.constant true
      %reduce_sum3A_593 = vector.broadcast %reduce_sum3A : i1 to vector<16xi1>
      %reduce_sum3A_594 = tpu.scan <sum>, %convert_element_type3A_592 masked %reduce_sum3A_593 : vector<16xi32>, vector<16xi1> -> vector<16xi32>
      %reduce_sum3A_595 = vector.extract %reduce_sum3A_594[15] : i32 from vector<16xi32>
      %add3A_596 = arith.addi %scan3A_576, %reduce_sum3A_595 : i32
      scf.yield %add3A_596 : i32
    }
    %scan3A_331 = arith.constant 640 : i32
    %jit3A_332 = arith.constant 16 : i32
    %div3A_333 = arith.divsi %scan3A_330, %jit3A_332 : i32
    %sign3A_334 = arith.constant 0 : i32
    %sign3A_335 = arith.cmpi sgt, %scan3A_330, %sign3A_334 : i32
    %sign3A_336 = arith.extui %sign3A_335 : i1 to i32
    %sign3A_337 = arith.constant 0 : i32
    %sign3A_338 = arith.cmpi slt, %scan3A_330, %sign3A_337 : i32
    %sign3A_339 = arith.extui %sign3A_338 : i1 to i32
    %sign3A_340 = arith.subi %sign3A_336, %sign3A_339 : i32
    %sign3A_341 = arith.constant 0 : i32
    %sign3A_342 = arith.cmpi sgt, %jit3A_332, %sign3A_341 : i32
    %sign3A_343 = arith.extui %sign3A_342 : i1 to i32
    %sign3A_344 = arith.constant 0 : i32
    %sign3A_345 = arith.cmpi slt, %jit3A_332, %sign3A_344 : i32
    %sign3A_346 = arith.extui %sign3A_345 : i1 to i32
    %sign3A_347 = arith.subi %sign3A_343, %sign3A_346 : i32
    %ne3A_348 = arith.cmpi ne, %sign3A_340, %sign3A_347 : i32
    %rem3A_349 = arith.remsi %scan3A_330, %jit3A_332 : i32
    %ne3A_350 = arith.constant 0 : i32
    %ne3A_351 = arith.cmpi ne, %rem3A_349, %ne3A_350 : i32
    %and3A_352 = arith.andi %ne3A_348, %ne3A_351 : i1
    %sub3A_353 = arith.constant 1 : i32
    %sub3A_354 = arith.subi %div3A_333, %sub3A_353 : i32
    %select_n3A_355 = arith.select %and3A_352, %sub3A_354, %div3A_333 : i32
    %mul3A_356 = arith.constant 16 : i32
    %mul3A_357 = arith.muli %select_n3A_355, %mul3A_356 : i32
    %add3A_358 = arith.constant 0 : i32
    %add3A_359 = arith.addi %mul3A_357, %add3A_358 : i32
    %broadcast_in_dim3A_360 = vector.broadcast %add3A_359 : i32 to vector<16xi32>
    %iota3A_361 = tpu.iota {dimensions = array<i32: 0>} : vector<16xi32>
    %add3A_362 = arith.addi %broadcast_in_dim3A_360, %iota3A_361 : vector<16xi32>
    %ge3A_363 = vector.broadcast %scan3A_330 : i32 to vector<16xi32>
    %ge3A_364 = arith.cmpi sge, %add3A_362, %ge3A_363 : vector<16xi32>
    %add3A_365 = arith.constant 0 : i32
    %add3A_366 = arith.addi %mul3A_357, %add3A_365 : i32
    %get3A_367 = arith.index_cast %add3A_366 : i32 to index
    %get3A_368 = tpu.vector_load %arg11[%get3A_367] {strides = array<i32>} : memref<10496xi32, #tpu.memory_space<vmem>>, vector<16xi32>,
    %jit3A_369 = arith.constant 0 : i32
    %broadcast_in_dim3A_370 = vector.broadcast %jit3A_369 : i32 to vector<16xi32>
    %select_n3A_371 = arith.select %ge3A_364, %broadcast_in_dim3A_370, %get3A_368 : vector<16xi1>, vector<16xi32>
    %add3A_372 = arith.constant 0 : i32
    %add3A_373 = arith.addi %mul3A_357, %add3A_372 : i32
    %swap3A_374 = arith.index_cast %add3A_373 : i32 to index
    %swap3A_375 = tpu.vector_load %arg11[%swap3A_374] {strides = array<i32>} : memref<10496xi32, #tpu.memory_space<vmem>>, vector<16xi32>,
    tpu.vector_store %arg11[%swap3A_374], %select_n3A_371 {strides = array<i32>} : memref<10496xi32, #tpu.memory_space<vmem>>, vector<16xi32>,
    %add3A_376 = arith.constant 0 : i32
    %add3A_377 = arith.addi %mul3A_357, %add3A_376 : i32
    %get3A_378 = arith.index_cast %add3A_377 : i32 to index
    %get3A_379 = tpu.vector_load %arg12[%get3A_378] {strides = array<i32>} : memref<10368xi32, #tpu.memory_space<vmem>>, vector<16xi32>,
    %jit3A_380 = arith.constant 10000 : i32
    %broadcast_in_dim3A_381 = vector.broadcast %jit3A_380 : i32 to vector<16xi32>
    %select_n3A_382 = arith.select %ge3A_364, %broadcast_in_dim3A_381, %get3A_379 : vector<16xi1>, vector<16xi32>
    %add3A_383 = arith.constant 0 : i32
    %add3A_384 = arith.addi %mul3A_357, %add3A_383 : i32
    %swap3A_385 = arith.index_cast %add3A_384 : i32 to index
    %swap3A_386 = tpu.vector_load %arg12[%swap3A_385] {strides = array<i32>} : memref<10368xi32, #tpu.memory_space<vmem>>, vector<16xi32>,
    tpu.vector_store %arg12[%swap3A_385], %select_n3A_382 {strides = array<i32>} : memref<10368xi32, #tpu.memory_space<vmem>>, vector<16xi32>,
    %add3A_387 = arith.constant 16 : i32
    %add3A_388 = arith.addi %mul3A_357, %add3A_387 : i32
    %broadcast_in_dim3A_389 = vector.broadcast %add3A_388 : i32 to vector<16xi32>
    %iota3A_390 = tpu.iota {dimensions = array<i32: 0>} : vector<16xi32>
    %add3A_391 = arith.addi %broadcast_in_dim3A_389, %iota3A_390 : vector<16xi32>
    %ge3A_392 = vector.broadcast %scan3A_330 : i32 to vector<16xi32>
    %ge3A_393 = arith.cmpi sge, %add3A_391, %ge3A_392 : vector<16xi32>
    %add3A_394 = arith.constant 16 : i32
    %add3A_395 = arith.addi %mul3A_357, %add3A_394 : i32
    %get3A_396 = arith.index_cast %add3A_395 : i32 to index
    %get3A_397 = tpu.vector_load %arg11[%get3A_396] {strides = array<i32>} : memref<10496xi32, #tpu.memory_space<vmem>>, vector<16xi32>,
    %jit3A_398 = arith.constant 0 : i32
    %broadcast_in_dim3A_399 = vector.broadcast %jit3A_398 : i32 to vector<16xi32>
    %select_n3A_400 = arith.select %ge3A_393, %broadcast_in_dim3A_399, %get3A_397 : vector<16xi1>, vector<16xi32>
    %add3A_401 = arith.constant 16 : i32
    %add3A_402 = arith.addi %mul3A_357, %add3A_401 : i32
    %swap3A_403 = arith.index_cast %add3A_402 : i32 to index
    %swap3A_404 = tpu.vector_load %arg11[%swap3A_403] {strides = array<i32>} : memref<10496xi32, #tpu.memory_space<vmem>>, vector<16xi32>,
    tpu.vector_store %arg11[%swap3A_403], %select_n3A_400 {strides = array<i32>} : memref<10496xi32, #tpu.memory_space<vmem>>, vector<16xi32>,
    %add3A_405 = arith.constant 16 : i32
    %add3A_406 = arith.addi %mul3A_357, %add3A_405 : i32
    %get3A_407 = arith.index_cast %add3A_406 : i32 to index
    %get3A_408 = tpu.vector_load %arg12[%get3A_407] {strides = array<i32>} : memref<10368xi32, #tpu.memory_space<vmem>>, vector<16xi32>,
    %jit3A_409 = arith.constant 10000 : i32
    %broadcast_in_dim3A_410 = vector.broadcast %jit3A_409 : i32 to vector<16xi32>
    %select_n3A_411 = arith.select %ge3A_393, %broadcast_in_dim3A_410, %get3A_408 : vector<16xi1>, vector<16xi32>
    %add3A_412 = arith.constant 16 : i32
    %add3A_413 = arith.addi %mul3A_357, %add3A_412 : i32
    %swap3A_414 = arith.index_cast %add3A_413 : i32 to index
    %swap3A_415 = tpu.vector_load %arg12[%swap3A_414] {strides = array<i32>} : memref<10368xi32, #tpu.memory_space<vmem>>, vector<16xi32>,
    tpu.vector_store %arg12[%swap3A_414], %select_n3A_411 {strides = array<i32>} : memref<10368xi32, #tpu.memory_space<vmem>>, vector<16xi32>,
    %add3A_416 = arith.constant 32 : i32
    %add3A_417 = arith.addi %mul3A_357, %add3A_416 : i32
    %broadcast_in_dim3A_418 = vector.broadcast %add3A_417 : i32 to vector<16xi32>
    %iota3A_419 = tpu.iota {dimensions = array<i32: 0>} : vector<16xi32>
    %add3A_420 = arith.addi %broadcast_in_dim3A_418, %iota3A_419 : vector<16xi32>
    %ge3A_421 = vector.broadcast %scan3A_330 : i32 to vector<16xi32>
    %ge3A_422 = arith.cmpi sge, %add3A_420, %ge3A_421 : vector<16xi32>
    %add3A_423 = arith.constant 32 : i32
    %add3A_424 = arith.addi %mul3A_357, %add3A_423 : i32
    %get3A_425 = arith.index_cast %add3A_424 : i32 to index
    %get3A_426 = tpu.vector_load %arg11[%get3A_425] {strides = array<i32>} : memref<10496xi32, #tpu.memory_space<vmem>>, vector<16xi32>,
    %jit3A_427 = arith.constant 0 : i32
    %broadcast_in_dim3A_428 = vector.broadcast %jit3A_427 : i32 to vector<16xi32>
    %select_n3A_429 = arith.select %ge3A_422, %broadcast_in_dim3A_428, %get3A_426 : vector<16xi1>, vector<16xi32>
    %add3A_430 = arith.constant 32 : i32
    %add3A_431 = arith.addi %mul3A_357, %add3A_430 : i32
    %swap3A_432 = arith.index_cast %add3A_431 : i32 to index
    %swap3A_433 = tpu.vector_load %arg11[%swap3A_432] {strides = array<i32>} : memref<10496xi32, #tpu.memory_space<vmem>>, vector<16xi32>,
    tpu.vector_store %arg11[%swap3A_432], %select_n3A_429 {strides = array<i32>} : memref<10496xi32, #tpu.memory_space<vmem>>, vector<16xi32>,
    %add3A_434 = arith.constant 32 : i32
    %add3A_435 = arith.addi %mul3A_357, %add3A_434 : i32
    %get3A_436 = arith.index_cast %add3A_435 : i32 to index
    %get3A_437 = tpu.vector_load %arg12[%get3A_436] {strides = array<i32>} : memref<10368xi32, #tpu.memory_space<vmem>>, vector<16xi32>,
    %jit3A_438 = arith.constant 10000 : i32
    %broadcast_in_dim3A_439 = vector.broadcast %jit3A_438 : i32 to vector<16xi32>
    %select_n3A_440 = arith.select %ge3A_422, %broadcast_in_dim3A_439, %get3A_437 : vector<16xi1>, vector<16xi32>
    %add3A_441 = arith.constant 32 : i32
    %add3A_442 = arith.addi %mul3A_357, %add3A_441 : i32
    %swap3A_443 = arith.index_cast %add3A_442 : i32 to index
    %swap3A_444 = tpu.vector_load %arg12[%swap3A_443] {strides = array<i32>} : memref<10368xi32, #tpu.memory_space<vmem>>, vector<16xi32>,
    tpu.vector_store %arg12[%swap3A_443], %select_n3A_440 {strides = array<i32>} : memref<10368xi32, #tpu.memory_space<vmem>>, vector<16xi32>,
    %add3A_445 = arith.constant 48 : i32
    %add3A_446 = arith.addi %mul3A_357, %add3A_445 : i32
    %broadcast_in_dim3A_447 = vector.broadcast %add3A_446 : i32 to vector<16xi32>
    %iota3A_448 = tpu.iota {dimensions = array<i32: 0>} : vector<16xi32>
    %add3A_449 = arith.addi %broadcast_in_dim3A_447, %iota3A_448 : vector<16xi32>
    %ge3A_450 = vector.broadcast %scan3A_330 : i32 to vector<16xi32>
    %ge3A_451 = arith.cmpi sge, %add3A_449, %ge3A_450 : vector<16xi32>
    %add3A_452 = arith.constant 48 : i32
    %add3A_453 = arith.addi %mul3A_357, %add3A_452 : i32
    %get3A_454 = arith.index_cast %add3A_453 : i32 to index
    %get3A_455 = tpu.vector_load %arg11[%get3A_454] {strides = array<i32>} : memref<10496xi32, #tpu.memory_space<vmem>>, vector<16xi32>,
    %jit3A_456 = arith.constant 0 : i32
    %broadcast_in_dim3A_457 = vector.broadcast %jit3A_456 : i32 to vector<16xi32>
    %select_n3A_458 = arith.select %ge3A_451, %broadcast_in_dim3A_457, %get3A_455 : vector<16xi1>, vector<16xi32>
    %add3A_459 = arith.constant 48 : i32
    %add3A_460 = arith.addi %mul3A_357, %add3A_459 : i32
    %swap3A_461 = arith.index_cast %add3A_460 : i32 to index
    %swap3A_462 = tpu.vector_load %arg11[%swap3A_461] {strides = array<i32>} : memref<10496xi32, #tpu.memory_space<vmem>>, vector<16xi32>,
    tpu.vector_store %arg11[%swap3A_461], %select_n3A_458 {strides = array<i32>} : memref<10496xi32, #tpu.memory_space<vmem>>, vector<16xi32>,
    %add3A_463 = arith.constant 48 : i32
    %add3A_464 = arith.addi %mul3A_357, %add3A_463 : i32
    %get3A_465 = arith.index_cast %add3A_464 : i32 to index
    %get3A_466 = tpu.vector_load %arg12[%get3A_465] {strides = array<i32>} : memref<10368xi32, #tpu.memory_space<vmem>>, vector<16xi32>,
    %jit3A_467 = arith.constant 10000 : i32
    %broadcast_in_dim3A_468 = vector.broadcast %jit3A_467 : i32 to vector<16xi32>
    %select_n3A_469 = arith.select %ge3A_451, %broadcast_in_dim3A_468, %get3A_466 : vector<16xi1>, vector<16xi32>
    %add3A_470 = arith.constant 48 : i32
    %add3A_471 = arith.addi %mul3A_357, %add3A_470 : i32
    %swap3A_472 = arith.index_cast %add3A_471 : i32 to index
    %swap3A_473 = tpu.vector_load %arg12[%swap3A_472] {strides = array<i32>} : memref<10368xi32, #tpu.memory_space<vmem>>, vector<16xi32>,
    tpu.vector_store %arg12[%swap3A_472], %select_n3A_469 {strides = array<i32>} : memref<10368xi32, #tpu.memory_space<vmem>>, vector<16xi32>,
    %add3A_474 = arith.constant 64 : i32
    %add3A_475 = arith.addi %mul3A_357, %add3A_474 : i32
    %broadcast_in_dim3A_476 = vector.broadcast %add3A_475 : i32 to vector<16xi32>
    %iota3A_477 = tpu.iota {dimensions = array<i32: 0>} : vector<16xi32>
    %add3A_478 = arith.addi %broadcast_in_dim3A_476, %iota3A_477 : vector<16xi32>
    %ge3A_479 = vector.broadcast %scan3A_330 : i32 to vector<16xi32>
    %ge3A_480 = arith.cmpi sge, %add3A_478, %ge3A_479 : vector<16xi32>
    %add3A_481 = arith.constant 64 : i32
    %add3A_482 = arith.addi %mul3A_357, %add3A_481 : i32
    %get3A_483 = arith.index_cast %add3A_482 : i32 to index
    %get3A_484 = tpu.vector_load %arg11[%get3A_483] {strides = array<i32>} : memref<10496xi32, #tpu.memory_space<vmem>>, vector<16xi32>,
    %jit3A_485 = arith.constant 0 : i32
    %broadcast_in_dim3A_486 = vector.broadcast %jit3A_485 : i32 to vector<16xi32>
    %select_n3A_487 = arith.select %ge3A_480, %broadcast_in_dim3A_486, %get3A_484 : vector<16xi1>, vector<16xi32>
    %add3A_488 = arith.constant 64 : i32
    %add3A_489 = arith.addi %mul3A_357, %add3A_488 : i32
    %swap3A_490 = arith.index_cast %add3A_489 : i32 to index
    %swap3A_491 = tpu.vector_load %arg11[%swap3A_490] {strides = array<i32>} : memref<10496xi32, #tpu.memory_space<vmem>>, vector<16xi32>,
    tpu.vector_store %arg11[%swap3A_490], %select_n3A_487 {strides = array<i32>} : memref<10496xi32, #tpu.memory_space<vmem>>, vector<16xi32>,
    %add3A_492 = arith.constant 64 : i32
    %add3A_493 = arith.addi %mul3A_357, %add3A_492 : i32
    %get3A_494 = arith.index_cast %add3A_493 : i32 to index
    %get3A_495 = tpu.vector_load %arg12[%get3A_494] {strides = array<i32>} : memref<10368xi32, #tpu.memory_space<vmem>>, vector<16xi32>,
    %jit3A_496 = arith.constant 10000 : i32
    %broadcast_in_dim3A_497 = vector.broadcast %jit3A_496 : i32 to vector<16xi32>
    %select_n3A_498 = arith.select %ge3A_480, %broadcast_in_dim3A_497, %get3A_495 : vector<16xi1>, vector<16xi32>
    %add3A_499 = arith.constant 64 : i32
    %add3A_500 = arith.addi %mul3A_357, %add3A_499 : i32
    %swap3A_501 = arith.index_cast %add3A_500 : i32 to index
    %swap3A_502 = tpu.vector_load %arg12[%swap3A_501] {strides = array<i32>} : memref<10368xi32, #tpu.memory_space<vmem>>, vector<16xi32>,
    tpu.vector_store %arg12[%swap3A_501], %select_n3A_498 {strides = array<i32>} : memref<10368xi32, #tpu.memory_space<vmem>>, vector<16xi32>,
    %add3A_503 = arith.constant 64 : i32
    %add3A_504 = arith.addi %scan3A_330, %add3A_503 : i32
    %sub3A_505 = arith.constant 1 : i32
    %sub3A_506 = arith.subi %add3A_504, %sub3A_505 : i32
    %jit3A_507 = arith.constant 64 : i32
    %div3A_508 = arith.divsi %sub3A_506, %jit3A_507 : i32
    %sign3A_509 = arith.constant 0 : i32
    %sign3A_510 = arith.cmpi sgt, %sub3A_506, %sign3A_509 : i32
    %sign3A_511 = arith.extui %sign3A_510 : i1 to i32
    %sign3A_512 = arith.constant 0 : i32
    %sign3A_513 = arith.cmpi slt, %sub3A_506, %sign3A_512 : i32
    %sign3A_514 = arith.extui %sign3A_513 : i1 to i32
    %sign3A_515 = arith.subi %sign3A_511, %sign3A_514 : i32
    %sign3A_516 = arith.constant 0 : i32
    %sign3A_517 = arith.cmpi sgt, %jit3A_507, %sign3A_516 : i32
    %sign3A_518 = arith.extui %sign3A_517 : i1 to i32
    %sign3A_519 = arith.constant 0 : i32
    %sign3A_520 = arith.cmpi slt, %jit3A_507, %sign3A_519 : i32
    %sign3A_521 = arith.extui %sign3A_520 : i1 to i32
    %sign3A_522 = arith.subi %sign3A_518, %sign3A_521 : i32
    %ne3A_523 = arith.cmpi ne, %sign3A_515, %sign3A_522 : i32
    %rem3A_524 = arith.remsi %sub3A_506, %jit3A_507 : i32
    %ne3A_525 = arith.constant 0 : i32
    %ne3A_526 = arith.cmpi ne, %rem3A_524, %ne3A_525 : i32
    %and3A_527 = arith.andi %ne3A_523, %ne3A_526 : i1
    %sub3A_528 = arith.constant 1 : i32
    %sub3A_529 = arith.subi %div3A_508, %sub3A_528 : i32
    %select_n3A_530 = arith.select %and3A_527, %sub3A_529, %div3A_508 : i32
    %gt3A = arith.constant 0 : i32
    %gt3A_531 = arith.cmpi sgt, %select_n3A_530, %gt3A : i32
    %convert_element_type3A = arith.extui %gt3A_531 : i1 to i32
    %cond3A = arith.constant 0 : i32
    %cond3A_532 = arith.cmpi ne, %convert_element_type3A, %cond3A : i32
    scf.if %cond3A_532 {
      %dma_start3A = arith.constant 0 : i32
      %dma_start3A_575 = tpu.memref_slice %arg11[%dma_start3A] : memref<10496xi32, #tpu.memory_space<vmem>> -> memref<64xi32, #tpu.memory_space<vmem>>
      %dma_start3A_576 = arith.constant 0 : i32
      %dma_start3A_577 = arith.constant 0 : i32
      %dma_start3A_578 = tpu.memref_slice %arg2[%dma_start3A_576, %dma_start3A_577] : memref<10240x128xf32, #tpu.memory_space<hbm>> -> memref<10240x128xf32, #tpu.memory_space<hbm>>
      tpu.enqueue_indirect_dma source(%dma_start3A_578 : memref<10240x128xf32, #tpu.memory_space<hbm>>) target(%arg17 : memref<64x128xf32, #tpu.memory_space<vmem>>) offsets(%dma_start3A_575 : memref<64xi32, #tpu.memory_space<vmem>>) semaphore(%arg19 : memref<!tpu.dma_semaphore, #tpu.memory_space<semaphore_mem>>)
    } else {
    }
    %gt3A_533 = arith.constant 1 : i32
    %gt3A_534 = arith.cmpi sgt, %select_n3A_530, %gt3A_533 : i32
    %convert_element_type3A_535 = arith.extui %gt3A_534 : i1 to i32
    %cond3A_536 = arith.constant 0 : i32
    %cond3A_537 = arith.cmpi ne, %convert_element_type3A_535, %cond3A_536 : i32
    scf.if %cond3A_537 {
      %dma_start3A = arith.constant 64 : i32
      %dma_start3A_575 = tpu.memref_slice %arg11[%dma_start3A] : memref<10496xi32, #tpu.memory_space<vmem>> -> memref<64xi32, #tpu.memory_space<vmem>>
      %dma_start3A_576 = arith.constant 0 : i32
      %dma_start3A_577 = arith.constant 0 : i32
      %dma_start3A_578 = tpu.memref_slice %arg2[%dma_start3A_576, %dma_start3A_577] : memref<10240x128xf32, #tpu.memory_space<hbm>> -> memref<10240x128xf32, #tpu.memory_space<hbm>>
      tpu.enqueue_indirect_dma source(%dma_start3A_578 : memref<10240x128xf32, #tpu.memory_space<hbm>>) target(%arg18 : memref<64x128xf32, #tpu.memory_space<vmem>>) offsets(%dma_start3A_575 : memref<64xi32, #tpu.memory_space<vmem>>) semaphore(%arg20 : memref<!tpu.dma_semaphore, #tpu.memory_space<semaphore_mem>>)
    } else {
    }
    %add3A_538 = arith.constant 1 : i32
    %add3A_539 = arith.addi %select_n3A_530, %add3A_538 : i32
    %jit3A_540 = arith.constant 2 : i32
    %div3A_541 = arith.divsi %add3A_539, %jit3A_540 : i32
    %sign3A_542 = arith.constant 0 : i32
    %sign3A_543 = arith.cmpi sgt, %add3A_539, %sign3A_542 : i32
    %sign3A_544 = arith.extui %sign3A_543 : i1 to i32
    %sign3A_545 = arith.constant 0 : i32
    %sign3A_546 = arith.cmpi slt, %add3A_539, %sign3A_545 : i32
    %sign3A_547 = arith.extui %sign3A_546 : i1 to i32
    %sign3A_548 = arith.subi %sign3A_544, %sign3A_547 : i32
    %sign3A_549 = arith.constant 0 : i32
    %sign3A_550 = arith.cmpi sgt, %jit3A_540, %sign3A_549 : i32
    %sign3A_551 = arith.extui %sign3A_550 : i1 to i32
    %sign3A_552 = arith.constant 0 : i32
    %sign3A_553 = arith.cmpi slt, %jit3A_540, %sign3A_552 : i32
    %sign3A_554 = arith.extui %sign3A_553 : i1 to i32
    %sign3A_555 = arith.subi %sign3A_551, %sign3A_554 : i32
    %ne3A_556 = arith.cmpi ne, %sign3A_548, %sign3A_555 : i32
    %rem3A_557 = arith.remsi %add3A_539, %jit3A_540 : i32
    %ne3A_558 = arith.constant 0 : i32
    %ne3A_559 = arith.cmpi ne, %rem3A_557, %ne3A_558 : i32
    %and3A_560 = arith.andi %ne3A_556, %ne3A_559 : i1
    %sub3A_561 = arith.constant 1 : i32
    %sub3A_562 = arith.subi %div3A_541, %sub3A_561 : i32
    %select_n3A_563 = arith.select %and3A_560, %sub3A_562, %div3A_541 : i32
    %while3A_564 = arith.constant 0 : i32
    %while3A_565 = arith.constant 0 : i32
    %while3A_566 = arith.subi %select_n3A_563, %while3A_565 : i32
    %while3A_567 = arith.addi %while3A_565, %while3A_566 : i32
    %while3A_568 = arith.constant 1 : i32
    %while3A_569 = arith.divsi %while3A_566, %while3A_568 : i32
    %while3A_570 = arith.muli %while3A_569, %while3A_568 : i32
    %while3A_571 = arith.addi %while3A_565, %while3A_570 : i32
    %while3A_572 = arith.constant 1 : i32
    scf.for %while3A_575 = %while3A_565 to %while3A_571 step %while3A_572  : i32 {
      %mul3A_576 = arith.constant 2 : i32
      %mul3A_577 = arith.muli %mul3A_576, %while3A_575 : i32
      %add3A_578 = arith.constant 1 : i32
      %add3A_579 = arith.addi %mul3A_577, %add3A_578 : i32
      %mul3A_580 = arith.constant 64 : i32
      %mul3A_581 = arith.muli %mul3A_577, %mul3A_580 : i32
      %dma_wait3A = tpu.memref_slice %arg11[%mul3A_581] : memref<10496xi32, #tpu.memory_space<vmem>> -> memref<64xi32, #tpu.memory_space<vmem>>
      %dma_wait3A_582 = arith.constant 0 : i32
      %dma_wait3A_583 = arith.constant 0 : i32
      %dma_wait3A_584 = tpu.memref_slice %arg2[%dma_wait3A_582, %dma_wait3A_583] : memref<10240x128xf32, #tpu.memory_space<hbm>> -> memref<10240x128xf32, #tpu.memory_space<hbm>>
      tpu.wait_indirect_dma semaphore(%arg19 : memref<!tpu.dma_semaphore, #tpu.memory_space<semaphore_mem>>) src(%dma_wait3A_584 : memref<10240x128xf32, #tpu.memory_space<hbm>>) dst(%arg17 : memref<64x128xf32, #tpu.memory_space<vmem>>)
      %mul3A_585 = arith.constant 64 : i32
      %mul3A_586 = arith.muli %mul3A_577, %mul3A_585 : i32
      %add3A_587 = arith.constant 0 : i32
      %add3A_588 = arith.addi %mul3A_586, %add3A_587 : i32
      %get3A_589 = arith.index_cast %add3A_588 : i32 to index
      %get3A_590 = tpu.vector_load %arg12[%get3A_589] {strides = array<i32>} : memref<10368xi32, #tpu.memory_space<vmem>>, vector<16xi32>,
      %swap3A_591 = arith.constant 0 : index
      %swap3A_592 = tpu.vector_load %arg14[%swap3A_591] {strides = array<i32>} : memref<64xi32, #tpu.memory_space<vmem>>, vector<16xi32>,
      tpu.vector_store %arg14[%swap3A_591], %get3A_590 {strides = array<i32>} : memref<64xi32, #tpu.memory_space<vmem>>, vector<16xi32>,
      %mul3A_593 = arith.constant 64 : i32
      %mul3A_594 = arith.muli %mul3A_577, %mul3A_593 : i32
      %add3A_595 = arith.constant 16 : i32
      %add3A_596 = arith.addi %mul3A_594, %add3A_595 : i32
      %get3A_597 = arith.index_cast %add3A_596 : i32 to index
      %get3A_598 = tpu.vector_load %arg12[%get3A_597] {strides = array<i32>} : memref<10368xi32, #tpu.memory_space<vmem>>, vector<16xi32>,
      %swap3A_599 = arith.constant 16 : index
      %swap3A_600 = tpu.vector_load %arg14[%swap3A_599] {strides = array<i32>} : memref<64xi32, #tpu.memory_space<vmem>>, vector<16xi32>,
      tpu.vector_store %arg14[%swap3A_599], %get3A_598 {strides = array<i32>} : memref<64xi32, #tpu.memory_space<vmem>>, vector<16xi32>,
      %mul3A_601 = arith.constant 64 : i32
      %mul3A_602 = arith.muli %mul3A_577, %mul3A_601 : i32
      %add3A_603 = arith.constant 32 : i32
      %add3A_604 = arith.addi %mul3A_602, %add3A_603 : i32
      %get3A_605 = arith.index_cast %add3A_604 : i32 to index
      %get3A_606 = tpu.vector_load %arg12[%get3A_605] {strides = array<i32>} : memref<10368xi32, #tpu.memory_space<vmem>>, vector<16xi32>,
      %swap3A_607 = arith.constant 32 : index
      %swap3A_608 = tpu.vector_load %arg14[%swap3A_607] {strides = array<i32>} : memref<64xi32, #tpu.memory_space<vmem>>, vector<16xi32>,
      tpu.vector_store %arg14[%swap3A_607], %get3A_606 {strides = array<i32>} : memref<64xi32, #tpu.memory_space<vmem>>, vector<16xi32>,
      %mul3A_609 = arith.constant 64 : i32
      %mul3A_610 = arith.muli %mul3A_577, %mul3A_609 : i32
      %add3A_611 = arith.constant 48 : i32
      %add3A_612 = arith.addi %mul3A_610, %add3A_611 : i32
      %get3A_613 = arith.index_cast %add3A_612 : i32 to index
      %get3A_614 = tpu.vector_load %arg12[%get3A_613] {strides = array<i32>} : memref<10368xi32, #tpu.memory_space<vmem>>, vector<16xi32>,
      %swap3A_615 = arith.constant 48 : index
      %swap3A_616 = tpu.vector_load %arg14[%swap3A_615] {strides = array<i32>} : memref<64xi32, #tpu.memory_space<vmem>>, vector<16xi32>,
      tpu.vector_store %arg14[%swap3A_615], %get3A_614 {strides = array<i32>} : memref<64xi32, #tpu.memory_space<vmem>>, vector<16xi32>,
      "tpu.region"() ({
        %run_scoped3A = tpu.sem_alloc : memref<!tpu.dma_semaphore, #tpu.memory_space<semaphore_mem>>
        %dma_start3A = arith.constant 0 : i32
        %dma_start3A_626 = arith.constant 0 : i32
        %dma_start3A_627 = tpu.memref_slice %arg21[%dma_start3A, %dma_start3A_626] : memref<10240x128xf32, #tpu.memory_space<vmem_shared>> -> memref<10240x128xf32, #tpu.memory_space<vmem_shared>>
        tpu.enqueue_indirect_dma source(%arg17 : memref<64x128xf32, #tpu.memory_space<vmem>>) target(%dma_start3A_627 : memref<10240x128xf32, #tpu.memory_space<vmem_shared>>) offsets(%arg14 : memref<64xi32, #tpu.memory_space<vmem>>) semaphore(%run_scoped3A : memref<!tpu.dma_semaphore, #tpu.memory_space<semaphore_mem>>) {add = true}
        %dma_wait3A_628 = arith.constant 0 : i32
        %dma_wait3A_629 = arith.constant 0 : i32
        %dma_wait3A_630 = tpu.memref_slice %arg21[%dma_wait3A_628, %dma_wait3A_629] : memref<10240x128xf32, #tpu.memory_space<vmem_shared>> -> memref<10240x128xf32, #tpu.memory_space<vmem_shared>>
        tpu.wait_indirect_dma semaphore(%run_scoped3A : memref<!tpu.dma_semaphore, #tpu.memory_space<semaphore_mem>>) src(%arg17 : memref<64x128xf32, #tpu.memory_space<vmem>>) dst(%dma_wait3A_630 : memref<10240x128xf32, #tpu.memory_space<vmem_shared>>)
        tpu.yield
      }) : () -> ()
      "tpu.region"() ({
        %run_scoped3A = tpu.sem_alloc : memref<!tpu.dma_semaphore, #tpu.memory_space<semaphore_mem>>
        %dma_start3A = arith.constant 0 : i32
        %dma_start3A_626 = tpu.memref_slice %arg16[%dma_start3A] : memref<64xf32, #tpu.memory_space<vmem>> -> memref<64xf32, #tpu.memory_space<vmem>>
        %dma_start3A_627 = arith.constant 0 : i32
        %dma_start3A_628 = tpu.memref_slice %arg22[%dma_start3A_627] : memref<10240xf32, #tpu.memory_space<vmem_shared>> -> memref<10240xf32, #tpu.memory_space<vmem_shared>>
        tpu.enqueue_indirect_dma source(%dma_start3A_626 : memref<64xf32, #tpu.memory_space<vmem>>) target(%dma_start3A_628 : memref<10240xf32, #tpu.memory_space<vmem_shared>>) offsets(%arg14 : memref<64xi32, #tpu.memory_space<vmem>>) semaphore(%run_scoped3A : memref<!tpu.dma_semaphore, #tpu.memory_space<semaphore_mem>>) {add = true}
        %dma_wait3A_629 = arith.constant 0 : i32
        %dma_wait3A_630 = tpu.memref_slice %arg16[%dma_wait3A_629] : memref<64xf32, #tpu.memory_space<vmem>> -> memref<64xf32, #tpu.memory_space<vmem>>
        %dma_wait3A_631 = arith.constant 0 : i32
        %dma_wait3A_632 = tpu.memref_slice %arg22[%dma_wait3A_631] : memref<10240xf32, #tpu.memory_space<vmem_shared>> -> memref<10240xf32, #tpu.memory_space<vmem_shared>>
        tpu.wait_indirect_dma semaphore(%run_scoped3A : memref<!tpu.dma_semaphore, #tpu.memory_space<semaphore_mem>>) src(%dma_wait3A_630 : memref<64xf32, #tpu.memory_space<vmem>>) dst(%dma_wait3A_632 : memref<10240xf32, #tpu.memory_space<vmem_shared>>)
        tpu.yield
      }) : () -> ()
      %add3A_617 = arith.constant 2 : i32
      %add3A_618 = arith.addi %mul3A_577, %add3A_617 : i32
      %lt3A = arith.cmpi slt, %add3A_618, %select_n3A_530 : i32
      %convert_element_type3A_619 = arith.extui %lt3A : i1 to i32
      %cond3A_620 = arith.constant 0 : i32
      %cond3A_621 = arith.cmpi ne, %convert_element_type3A_619, %cond3A_620 : i32
      scf.if %cond3A_621 {
        %add3A_626 = arith.constant 2 : i32
        %add3A_627 = arith.addi %mul3A_577, %add3A_626 : i32
        %mul3A_628 = arith.constant 64 : i32
        %mul3A_629 = arith.muli %add3A_627, %mul3A_628 : i32
        %dma_start3A = tpu.memref_slice %arg11[%mul3A_629] : memref<10496xi32, #tpu.memory_space<vmem>> -> memref<64xi32, #tpu.memory_space<vmem>>
        %dma_start3A_630 = arith.constant 0 : i32
        %dma_start3A_631 = arith.constant 0 : i32
        %dma_start3A_632 = tpu.memref_slice %arg2[%dma_start3A_630, %dma_start3A_631] : memref<10240x128xf32, #tpu.memory_space<hbm>> -> memref<10240x128xf32, #tpu.memory_space<hbm>>
        tpu.enqueue_indirect_dma source(%dma_start3A_632 : memref<10240x128xf32, #tpu.memory_space<hbm>>) target(%arg17 : memref<64x128xf32, #tpu.memory_space<vmem>>) offsets(%dma_start3A : memref<64xi32, #tpu.memory_space<vmem>>) semaphore(%arg19 : memref<!tpu.dma_semaphore, #tpu.memory_space<semaphore_mem>>)
      } else {
      }
      %lt3A_622 = arith.cmpi slt, %add3A_579, %select_n3A_530 : i32
      %convert_element_type3A_623 = arith.extui %lt3A_622 : i1 to i32
      %cond3A_624 = arith.constant 0 : i32
      %cond3A_625 = arith.cmpi ne, %convert_element_type3A_623, %cond3A_624 : i32
      scf.if %cond3A_625 {
        %mul3A_626 = arith.constant 64 : i32
        %mul3A_627 = arith.muli %add3A_579, %mul3A_626 : i32
        %dma_wait3A_628 = tpu.memref_slice %arg11[%mul3A_627] : memref<10496xi32, #tpu.memory_space<vmem>> -> memref<64xi32, #tpu.memory_space<vmem>>
        %dma_wait3A_629 = arith.constant 0 : i32
        %dma_wait3A_630 = arith.constant 0 : i32
        %dma_wait3A_631 = tpu.memref_slice %arg2[%dma_wait3A_629, %dma_wait3A_630] : memref<10240x128xf32, #tpu.memory_space<hbm>> -> memref<10240x128xf32, #tpu.memory_space<hbm>>
        tpu.wait_indirect_dma semaphore(%arg20 : memref<!tpu.dma_semaphore, #tpu.memory_space<semaphore_mem>>) src(%dma_wait3A_631 : memref<10240x128xf32, #tpu.memory_space<hbm>>) dst(%arg18 : memref<64x128xf32, #tpu.memory_space<vmem>>)
        %mul3A_632 = arith.constant 64 : i32
        %mul3A_633 = arith.muli %add3A_579, %mul3A_632 : i32
        %add3A_634 = arith.constant 0 : i32
        %add3A_635 = arith.addi %mul3A_633, %add3A_634 : i32
        %get3A_636 = arith.index_cast %add3A_635 : i32 to index
        %get3A_637 = tpu.vector_load %arg12[%get3A_636] {strides = array<i32>} : memref<10368xi32, #tpu.memory_space<vmem>>, vector<16xi32>,
        %swap3A_638 = arith.constant 0 : index
        %swap3A_639 = tpu.vector_load %arg15[%swap3A_638] {strides = array<i32>} : memref<64xi32, #tpu.memory_space<vmem>>, vector<16xi32>,
        tpu.vector_store %arg15[%swap3A_638], %get3A_637 {strides = array<i32>} : memref<64xi32, #tpu.memory_space<vmem>>, vector<16xi32>,
        %mul3A_640 = arith.constant 64 : i32
        %mul3A_641 = arith.muli %add3A_579, %mul3A_640 : i32
        %add3A_642 = arith.constant 16 : i32
        %add3A_643 = arith.addi %mul3A_641, %add3A_642 : i32
        %get3A_644 = arith.index_cast %add3A_643 : i32 to index
        %get3A_645 = tpu.vector_load %arg12[%get3A_644] {strides = array<i32>} : memref<10368xi32, #tpu.memory_space<vmem>>, vector<16xi32>,
        %swap3A_646 = arith.constant 16 : index
        %swap3A_647 = tpu.vector_load %arg15[%swap3A_646] {strides = array<i32>} : memref<64xi32, #tpu.memory_space<vmem>>, vector<16xi32>,
        tpu.vector_store %arg15[%swap3A_646], %get3A_645 {strides = array<i32>} : memref<64xi32, #tpu.memory_space<vmem>>, vector<16xi32>,
        %mul3A_648 = arith.constant 64 : i32
        %mul3A_649 = arith.muli %add3A_579, %mul3A_648 : i32
        %add3A_650 = arith.constant 32 : i32
        %add3A_651 = arith.addi %mul3A_649, %add3A_650 : i32
        %get3A_652 = arith.index_cast %add3A_651 : i32 to index
        %get3A_653 = tpu.vector_load %arg12[%get3A_652] {strides = array<i32>} : memref<10368xi32, #tpu.memory_space<vmem>>, vector<16xi32>,
        %swap3A_654 = arith.constant 32 : index
        %swap3A_655 = tpu.vector_load %arg15[%swap3A_654] {strides = array<i32>} : memref<64xi32, #tpu.memory_space<vmem>>, vector<16xi32>,
        tpu.vector_store %arg15[%swap3A_654], %get3A_653 {strides = array<i32>} : memref<64xi32, #tpu.memory_space<vmem>>, vector<16xi32>,
        %mul3A_656 = arith.constant 64 : i32
        %mul3A_657 = arith.muli %add3A_579, %mul3A_656 : i32
        %add3A_658 = arith.constant 48 : i32
        %add3A_659 = arith.addi %mul3A_657, %add3A_658 : i32
        %get3A_660 = arith.index_cast %add3A_659 : i32 to index
        %get3A_661 = tpu.vector_load %arg12[%get3A_660] {strides = array<i32>} : memref<10368xi32, #tpu.memory_space<vmem>>, vector<16xi32>,
        %swap3A_662 = arith.constant 48 : index
        %swap3A_663 = tpu.vector_load %arg15[%swap3A_662] {strides = array<i32>} : memref<64xi32, #tpu.memory_space<vmem>>, vector<16xi32>,
        tpu.vector_store %arg15[%swap3A_662], %get3A_661 {strides = array<i32>} : memref<64xi32, #tpu.memory_space<vmem>>, vector<16xi32>,
        "tpu.region"() ({
          %run_scoped3A = tpu.sem_alloc : memref<!tpu.dma_semaphore, #tpu.memory_space<semaphore_mem>>
          %dma_start3A = arith.constant 0 : i32
          %dma_start3A_670 = arith.constant 0 : i32
          %dma_start3A_671 = tpu.memref_slice %arg21[%dma_start3A, %dma_start3A_670] : memref<10240x128xf32, #tpu.memory_space<vmem_shared>> -> memref<10240x128xf32, #tpu.memory_space<vmem_shared>>
          tpu.enqueue_indirect_dma source(%arg18 : memref<64x128xf32, #tpu.memory_space<vmem>>) target(%dma_start3A_671 : memref<10240x128xf32, #tpu.memory_space<vmem_shared>>) offsets(%arg15 : memref<64xi32, #tpu.memory_space<vmem>>) semaphore(%run_scoped3A : memref<!tpu.dma_semaphore, #tpu.memory_space<semaphore_mem>>) {add = true}
          %dma_wait3A_672 = arith.constant 0 : i32
          %dma_wait3A_673 = arith.constant 0 : i32
          %dma_wait3A_674 = tpu.memref_slice %arg21[%dma_wait3A_672, %dma_wait3A_673] : memref<10240x128xf32, #tpu.memory_space<vmem_shared>> -> memref<10240x128xf32, #tpu.memory_space<vmem_shared>>
          tpu.wait_indirect_dma semaphore(%run_scoped3A : memref<!tpu.dma_semaphore, #tpu.memory_space<semaphore_mem>>) src(%arg18 : memref<64x128xf32, #tpu.memory_space<vmem>>) dst(%dma_wait3A_674 : memref<10240x128xf32, #tpu.memory_space<vmem_shared>>)
          tpu.yield
        }) : () -> ()
        "tpu.region"() ({
          %run_scoped3A = tpu.sem_alloc : memref<!tpu.dma_semaphore, #tpu.memory_space<semaphore_mem>>
          %dma_start3A = arith.constant 0 : i32
          %dma_start3A_670 = tpu.memref_slice %arg16[%dma_start3A] : memref<64xf32, #tpu.memory_space<vmem>> -> memref<64xf32, #tpu.memory_space<vmem>>
          %dma_start3A_671 = arith.constant 0 : i32
          %dma_start3A_672 = tpu.memref_slice %arg22[%dma_start3A_671] : memref<10240xf32, #tpu.memory_space<vmem_shared>> -> memref<10240xf32, #tpu.memory_space<vmem_shared>>
          tpu.enqueue_indirect_dma source(%dma_start3A_670 : memref<64xf32, #tpu.memory_space<vmem>>) target(%dma_start3A_672 : memref<10240xf32, #tpu.memory_space<vmem_shared>>) offsets(%arg15 : memref<64xi32, #tpu.memory_space<vmem>>) semaphore(%run_scoped3A : memref<!tpu.dma_semaphore, #tpu.memory_space<semaphore_mem>>) {add = true}
          %dma_wait3A_673 = arith.constant 0 : i32
          %dma_wait3A_674 = tpu.memref_slice %arg16[%dma_wait3A_673] : memref<64xf32, #tpu.memory_space<vmem>> -> memref<64xf32, #tpu.memory_space<vmem>>
          %dma_wait3A_675 = arith.constant 0 : i32
          %dma_wait3A_676 = tpu.memref_slice %arg22[%dma_wait3A_675] : memref<10240xf32, #tpu.memory_space<vmem_shared>> -> memref<10240xf32, #tpu.memory_space<vmem_shared>>
          tpu.wait_indirect_dma semaphore(%run_scoped3A : memref<!tpu.dma_semaphore, #tpu.memory_space<semaphore_mem>>) src(%dma_wait3A_674 : memref<64xf32, #tpu.memory_space<vmem>>) dst(%dma_wait3A_676 : memref<10240xf32, #tpu.memory_space<vmem_shared>>)
          tpu.yield
        }) : () -> ()
        %add3A_664 = arith.constant 2 : i32
        %add3A_665 = arith.addi %add3A_579, %add3A_664 : i32
        %lt3A_666 = arith.cmpi slt, %add3A_665, %select_n3A_530 : i32
        %convert_element_type3A_667 = arith.extui %lt3A_666 : i1 to i32
        %cond3A_668 = arith.constant 0 : i32
        %cond3A_669 = arith.cmpi ne, %convert_element_type3A_667, %cond3A_668 : i32
        scf.if %cond3A_669 {
          %add3A_670 = arith.constant 2 : i32
          %add3A_671 = arith.addi %add3A_579, %add3A_670 : i32
          %mul3A_672 = arith.constant 64 : i32
          %mul3A_673 = arith.muli %add3A_671, %mul3A_672 : i32
          %dma_start3A = tpu.memref_slice %arg11[%mul3A_673] : memref<10496xi32, #tpu.memory_space<vmem>> -> memref<64xi32, #tpu.memory_space<vmem>>
          %dma_start3A_674 = arith.constant 0 : i32
          %dma_start3A_675 = arith.constant 0 : i32
          %dma_start3A_676 = tpu.memref_slice %arg2[%dma_start3A_674, %dma_start3A_675] : memref<10240x128xf32, #tpu.memory_space<hbm>> -> memref<10240x128xf32, #tpu.memory_space<hbm>>
          tpu.enqueue_indirect_dma source(%dma_start3A_676 : memref<10240x128xf32, #tpu.memory_space<hbm>>) target(%arg18 : memref<64x128xf32, #tpu.memory_space<vmem>>) offsets(%dma_start3A : memref<64xi32, #tpu.memory_space<vmem>>) semaphore(%arg20 : memref<!tpu.dma_semaphore, #tpu.memory_space<semaphore_mem>>)
        } else {
        }
      } else {
      }
    }
    %while3A_573 = arith.constant 1 : i32
    scf.for %while3A_575 = %while3A_571 to %while3A_567 step %while3A_573  : i32 {
      %mul3A_576 = arith.constant 2 : i32
      %mul3A_577 = arith.muli %mul3A_576, %while3A_575 : i32
      %add3A_578 = arith.constant 1 : i32
      %add3A_579 = arith.addi %mul3A_577, %add3A_578 : i32
      %mul3A_580 = arith.constant 64 : i32
      %mul3A_581 = arith.muli %mul3A_577, %mul3A_580 : i32
      %dma_wait3A = tpu.memref_slice %arg11[%mul3A_581] : memref<10496xi32, #tpu.memory_space<vmem>> -> memref<64xi32, #tpu.memory_space<vmem>>
      %dma_wait3A_582 = arith.constant 0 : i32
      %dma_wait3A_583 = arith.constant 0 : i32
      %dma_wait3A_584 = tpu.memref_slice %arg2[%dma_wait3A_582, %dma_wait3A_583] : memref<10240x128xf32, #tpu.memory_space<hbm>> -> memref<10240x128xf32, #tpu.memory_space<hbm>>
      tpu.wait_indirect_dma semaphore(%arg19 : memref<!tpu.dma_semaphore, #tpu.memory_space<semaphore_mem>>) src(%dma_wait3A_584 : memref<10240x128xf32, #tpu.memory_space<hbm>>) dst(%arg17 : memref<64x128xf32, #tpu.memory_space<vmem>>)
      %mul3A_585 = arith.constant 64 : i32
      %mul3A_586 = arith.muli %mul3A_577, %mul3A_585 : i32
      %add3A_587 = arith.constant 0 : i32
      %add3A_588 = arith.addi %mul3A_586, %add3A_587 : i32
      %get3A_589 = arith.index_cast %add3A_588 : i32 to index
      %get3A_590 = tpu.vector_load %arg12[%get3A_589] {strides = array<i32>} : memref<10368xi32, #tpu.memory_space<vmem>>, vector<16xi32>,
      %swap3A_591 = arith.constant 0 : index
      %swap3A_592 = tpu.vector_load %arg14[%swap3A_591] {strides = array<i32>} : memref<64xi32, #tpu.memory_space<vmem>>, vector<16xi32>,
      tpu.vector_store %arg14[%swap3A_591], %get3A_590 {strides = array<i32>} : memref<64xi32, #tpu.memory_space<vmem>>, vector<16xi32>,
      %mul3A_593 = arith.constant 64 : i32
      %mul3A_594 = arith.muli %mul3A_577, %mul3A_593 : i32
      %add3A_595 = arith.constant 16 : i32
      %add3A_596 = arith.addi %mul3A_594, %add3A_595 : i32
      %get3A_597 = arith.index_cast %add3A_596 : i32 to index
      %get3A_598 = tpu.vector_load %arg12[%get3A_597] {strides = array<i32>} : memref<10368xi32, #tpu.memory_space<vmem>>, vector<16xi32>,
      %swap3A_599 = arith.constant 16 : index
      %swap3A_600 = tpu.vector_load %arg14[%swap3A_599] {strides = array<i32>} : memref<64xi32, #tpu.memory_space<vmem>>, vector<16xi32>,
      tpu.vector_store %arg14[%swap3A_599], %get3A_598 {strides = array<i32>} : memref<64xi32, #tpu.memory_space<vmem>>, vector<16xi32>,
      %mul3A_601 = arith.constant 64 : i32
      %mul3A_602 = arith.muli %mul3A_577, %mul3A_601 : i32
      %add3A_603 = arith.constant 32 : i32
      %add3A_604 = arith.addi %mul3A_602, %add3A_603 : i32
      %get3A_605 = arith.index_cast %add3A_604 : i32 to index
      %get3A_606 = tpu.vector_load %arg12[%get3A_605] {strides = array<i32>} : memref<10368xi32, #tpu.memory_space<vmem>>, vector<16xi32>,
      %swap3A_607 = arith.constant 32 : index
      %swap3A_608 = tpu.vector_load %arg14[%swap3A_607] {strides = array<i32>} : memref<64xi32, #tpu.memory_space<vmem>>, vector<16xi32>,
      tpu.vector_store %arg14[%swap3A_607], %get3A_606 {strides = array<i32>} : memref<64xi32, #tpu.memory_space<vmem>>, vector<16xi32>,
      %mul3A_609 = arith.constant 64 : i32
      %mul3A_610 = arith.muli %mul3A_577, %mul3A_609 : i32
      %add3A_611 = arith.constant 48 : i32
      %add3A_612 = arith.addi %mul3A_610, %add3A_611 : i32
      %get3A_613 = arith.index_cast %add3A_612 : i32 to index
      %get3A_614 = tpu.vector_load %arg12[%get3A_613] {strides = array<i32>} : memref<10368xi32, #tpu.memory_space<vmem>>, vector<16xi32>,
      %swap3A_615 = arith.constant 48 : index
      %swap3A_616 = tpu.vector_load %arg14[%swap3A_615] {strides = array<i32>} : memref<64xi32, #tpu.memory_space<vmem>>, vector<16xi32>,
      tpu.vector_store %arg14[%swap3A_615], %get3A_614 {strides = array<i32>} : memref<64xi32, #tpu.memory_space<vmem>>, vector<16xi32>,
      "tpu.region"() ({
        %run_scoped3A = tpu.sem_alloc : memref<!tpu.dma_semaphore, #tpu.memory_space<semaphore_mem>>
        %dma_start3A = arith.constant 0 : i32
        %dma_start3A_626 = arith.constant 0 : i32
        %dma_start3A_627 = tpu.memref_slice %arg21[%dma_start3A, %dma_start3A_626] : memref<10240x128xf32, #tpu.memory_space<vmem_shared>> -> memref<10240x128xf32, #tpu.memory_space<vmem_shared>>
        tpu.enqueue_indirect_dma source(%arg17 : memref<64x128xf32, #tpu.memory_space<vmem>>) target(%dma_start3A_627 : memref<10240x128xf32, #tpu.memory_space<vmem_shared>>) offsets(%arg14 : memref<64xi32, #tpu.memory_space<vmem>>) semaphore(%run_scoped3A : memref<!tpu.dma_semaphore, #tpu.memory_space<semaphore_mem>>) {add = true}
        %dma_wait3A_628 = arith.constant 0 : i32
        %dma_wait3A_629 = arith.constant 0 : i32
        %dma_wait3A_630 = tpu.memref_slice %arg21[%dma_wait3A_628, %dma_wait3A_629] : memref<10240x128xf32, #tpu.memory_space<vmem_shared>> -> memref<10240x128xf32, #tpu.memory_space<vmem_shared>>
        tpu.wait_indirect_dma semaphore(%run_scoped3A : memref<!tpu.dma_semaphore, #tpu.memory_space<semaphore_mem>>) src(%arg17 : memref<64x128xf32, #tpu.memory_space<vmem>>) dst(%dma_wait3A_630 : memref<10240x128xf32, #tpu.memory_space<vmem_shared>>)
        tpu.yield
      }) : () -> ()
      "tpu.region"() ({
        %run_scoped3A = tpu.sem_alloc : memref<!tpu.dma_semaphore, #tpu.memory_space<semaphore_mem>>
        %dma_start3A = arith.constant 0 : i32
        %dma_start3A_626 = tpu.memref_slice %arg16[%dma_start3A] : memref<64xf32, #tpu.memory_space<vmem>> -> memref<64xf32, #tpu.memory_space<vmem>>
        %dma_start3A_627 = arith.constant 0 : i32
        %dma_start3A_628 = tpu.memref_slice %arg22[%dma_start3A_627] : memref<10240xf32, #tpu.memory_space<vmem_shared>> -> memref<10240xf32, #tpu.memory_space<vmem_shared>>
        tpu.enqueue_indirect_dma source(%dma_start3A_626 : memref<64xf32, #tpu.memory_space<vmem>>) target(%dma_start3A_628 : memref<10240xf32, #tpu.memory_space<vmem_shared>>) offsets(%arg14 : memref<64xi32, #tpu.memory_space<vmem>>) semaphore(%run_scoped3A : memref<!tpu.dma_semaphore, #tpu.memory_space<semaphore_mem>>) {add = true}
        %dma_wait3A_629 = arith.constant 0 : i32
        %dma_wait3A_630 = tpu.memref_slice %arg16[%dma_wait3A_629] : memref<64xf32, #tpu.memory_space<vmem>> -> memref<64xf32, #tpu.memory_space<vmem>>
        %dma_wait3A_631 = arith.constant 0 : i32
        %dma_wait3A_632 = tpu.memref_slice %arg22[%dma_wait3A_631] : memref<10240xf32, #tpu.memory_space<vmem_shared>> -> memref<10240xf32, #tpu.memory_space<vmem_shared>>
        tpu.wait_indirect_dma semaphore(%run_scoped3A : memref<!tpu.dma_semaphore, #tpu.memory_space<semaphore_mem>>) src(%dma_wait3A_630 : memref<64xf32, #tpu.memory_space<vmem>>) dst(%dma_wait3A_632 : memref<10240xf32, #tpu.memory_space<vmem_shared>>)
        tpu.yield
      }) : () -> ()
      %add3A_617 = arith.constant 2 : i32
      %add3A_618 = arith.addi %mul3A_577, %add3A_617 : i32
      %lt3A = arith.cmpi slt, %add3A_618, %select_n3A_530 : i32
      %convert_element_type3A_619 = arith.extui %lt3A : i1 to i32
      %cond3A_620 = arith.constant 0 : i32
      %cond3A_621 = arith.cmpi ne, %convert_element_type3A_619, %cond3A_620 : i32
      scf.if %cond3A_621 {
        %add3A_626 = arith.constant 2 : i32
        %add3A_627 = arith.addi %mul3A_577, %add3A_626 : i32
        %mul3A_628 = arith.constant 64 : i32
        %mul3A_629 = arith.muli %add3A_627, %mul3A_628 : i32
        %dma_start3A = tpu.memref_slice %arg11[%mul3A_629] : memref<10496xi32, #tpu.memory_space<vmem>> -> memref<64xi32, #tpu.memory_space<vmem>>
        %dma_start3A_630 = arith.constant 0 : i32
        %dma_start3A_631 = arith.constant 0 : i32
        %dma_start3A_632 = tpu.memref_slice %arg2[%dma_start3A_630, %dma_start3A_631] : memref<10240x128xf32, #tpu.memory_space<hbm>> -> memref<10240x128xf32, #tpu.memory_space<hbm>>
        tpu.enqueue_indirect_dma source(%dma_start3A_632 : memref<10240x128xf32, #tpu.memory_space<hbm>>) target(%arg17 : memref<64x128xf32, #tpu.memory_space<vmem>>) offsets(%dma_start3A : memref<64xi32, #tpu.memory_space<vmem>>) semaphore(%arg19 : memref<!tpu.dma_semaphore, #tpu.memory_space<semaphore_mem>>)
      } else {
      }
      %lt3A_622 = arith.cmpi slt, %add3A_579, %select_n3A_530 : i32
      %convert_element_type3A_623 = arith.extui %lt3A_622 : i1 to i32
      %cond3A_624 = arith.constant 0 : i32
      %cond3A_625 = arith.cmpi ne, %convert_element_type3A_623, %cond3A_624 : i32
      scf.if %cond3A_625 {
        %mul3A_626 = arith.constant 64 : i32
        %mul3A_627 = arith.muli %add3A_579, %mul3A_626 : i32
        %dma_wait3A_628 = tpu.memref_slice %arg11[%mul3A_627] : memref<10496xi32, #tpu.memory_space<vmem>> -> memref<64xi32, #tpu.memory_space<vmem>>
        %dma_wait3A_629 = arith.constant 0 : i32
        %dma_wait3A_630 = arith.constant 0 : i32
        %dma_wait3A_631 = tpu.memref_slice %arg2[%dma_wait3A_629, %dma_wait3A_630] : memref<10240x128xf32, #tpu.memory_space<hbm>> -> memref<10240x128xf32, #tpu.memory_space<hbm>>
        tpu.wait_indirect_dma semaphore(%arg20 : memref<!tpu.dma_semaphore, #tpu.memory_space<semaphore_mem>>) src(%dma_wait3A_631 : memref<10240x128xf32, #tpu.memory_space<hbm>>) dst(%arg18 : memref<64x128xf32, #tpu.memory_space<vmem>>)
        %mul3A_632 = arith.constant 64 : i32
        %mul3A_633 = arith.muli %add3A_579, %mul3A_632 : i32
        %add3A_634 = arith.constant 0 : i32
        %add3A_635 = arith.addi %mul3A_633, %add3A_634 : i32
        %get3A_636 = arith.index_cast %add3A_635 : i32 to index
        %get3A_637 = tpu.vector_load %arg12[%get3A_636] {strides = array<i32>} : memref<10368xi32, #tpu.memory_space<vmem>>, vector<16xi32>,
        %swap3A_638 = arith.constant 0 : index
        %swap3A_639 = tpu.vector_load %arg15[%swap3A_638] {strides = array<i32>} : memref<64xi32, #tpu.memory_space<vmem>>, vector<16xi32>,
        tpu.vector_store %arg15[%swap3A_638], %get3A_637 {strides = array<i32>} : memref<64xi32, #tpu.memory_space<vmem>>, vector<16xi32>,
        %mul3A_640 = arith.constant 64 : i32
        %mul3A_641 = arith.muli %add3A_579, %mul3A_640 : i32
        %add3A_642 = arith.constant 16 : i32
        %add3A_643 = arith.addi %mul3A_641, %add3A_642 : i32
        %get3A_644 = arith.index_cast %add3A_643 : i32 to index
        %get3A_645 = tpu.vector_load %arg12[%get3A_644] {strides = array<i32>} : memref<10368xi32, #tpu.memory_space<vmem>>, vector<16xi32>,
        %swap3A_646 = arith.constant 16 : index
        %swap3A_647 = tpu.vector_load %arg15[%swap3A_646] {strides = array<i32>} : memref<64xi32, #tpu.memory_space<vmem>>, vector<16xi32>,
        tpu.vector_store %arg15[%swap3A_646], %get3A_645 {strides = array<i32>} : memref<64xi32, #tpu.memory_space<vmem>>, vector<16xi32>,
        %mul3A_648 = arith.constant 64 : i32
        %mul3A_649 = arith.muli %add3A_579, %mul3A_648 : i32
        %add3A_650 = arith.constant 32 : i32
        %add3A_651 = arith.addi %mul3A_649, %add3A_650 : i32
        %get3A_652 = arith.index_cast %add3A_651 : i32 to index
        %get3A_653 = tpu.vector_load %arg12[%get3A_652] {strides = array<i32>} : memref<10368xi32, #tpu.memory_space<vmem>>, vector<16xi32>,
        %swap3A_654 = arith.constant 32 : index
        %swap3A_655 = tpu.vector_load %arg15[%swap3A_654] {strides = array<i32>} : memref<64xi32, #tpu.memory_space<vmem>>, vector<16xi32>,
        tpu.vector_store %arg15[%swap3A_654], %get3A_653 {strides = array<i32>} : memref<64xi32, #tpu.memory_space<vmem>>, vector<16xi32>,
        %mul3A_656 = arith.constant 64 : i32
        %mul3A_657 = arith.muli %add3A_579, %mul3A_656 : i32
        %add3A_658 = arith.constant 48 : i32
        %add3A_659 = arith.addi %mul3A_657, %add3A_658 : i32
        %get3A_660 = arith.index_cast %add3A_659 : i32 to index
        %get3A_661 = tpu.vector_load %arg12[%get3A_660] {strides = array<i32>} : memref<10368xi32, #tpu.memory_space<vmem>>, vector<16xi32>,
        %swap3A_662 = arith.constant 48 : index
        %swap3A_663 = tpu.vector_load %arg15[%swap3A_662] {strides = array<i32>} : memref<64xi32, #tpu.memory_space<vmem>>, vector<16xi32>,
        tpu.vector_store %arg15[%swap3A_662], %get3A_661 {strides = array<i32>} : memref<64xi32, #tpu.memory_space<vmem>>, vector<16xi32>,
        "tpu.region"() ({
          %run_scoped3A = tpu.sem_alloc : memref<!tpu.dma_semaphore, #tpu.memory_space<semaphore_mem>>
          %dma_start3A = arith.constant 0 : i32
          %dma_start3A_670 = arith.constant 0 : i32
          %dma_start3A_671 = tpu.memref_slice %arg21[%dma_start3A, %dma_start3A_670] : memref<10240x128xf32, #tpu.memory_space<vmem_shared>> -> memref<10240x128xf32, #tpu.memory_space<vmem_shared>>
          tpu.enqueue_indirect_dma source(%arg18 : memref<64x128xf32, #tpu.memory_space<vmem>>) target(%dma_start3A_671 : memref<10240x128xf32, #tpu.memory_space<vmem_shared>>) offsets(%arg15 : memref<64xi32, #tpu.memory_space<vmem>>) semaphore(%run_scoped3A : memref<!tpu.dma_semaphore, #tpu.memory_space<semaphore_mem>>) {add = true}
          %dma_wait3A_672 = arith.constant 0 : i32
          %dma_wait3A_673 = arith.constant 0 : i32
          %dma_wait3A_674 = tpu.memref_slice %arg21[%dma_wait3A_672, %dma_wait3A_673] : memref<10240x128xf32, #tpu.memory_space<vmem_shared>> -> memref<10240x128xf32, #tpu.memory_space<vmem_shared>>
          tpu.wait_indirect_dma semaphore(%run_scoped3A : memref<!tpu.dma_semaphore, #tpu.memory_space<semaphore_mem>>) src(%arg18 : memref<64x128xf32, #tpu.memory_space<vmem>>) dst(%dma_wait3A_674 : memref<10240x128xf32, #tpu.memory_space<vmem_shared>>)
          tpu.yield
        }) : () -> ()
        "tpu.region"() ({
          %run_scoped3A = tpu.sem_alloc : memref<!tpu.dma_semaphore, #tpu.memory_space<semaphore_mem>>
          %dma_start3A = arith.constant 0 : i32
          %dma_start3A_670 = tpu.memref_slice %arg16[%dma_start3A] : memref<64xf32, #tpu.memory_space<vmem>> -> memref<64xf32, #tpu.memory_space<vmem>>
          %dma_start3A_671 = arith.constant 0 : i32
          %dma_start3A_672 = tpu.memref_slice %arg22[%dma_start3A_671] : memref<10240xf32, #tpu.memory_space<vmem_shared>> -> memref<10240xf32, #tpu.memory_space<vmem_shared>>
          tpu.enqueue_indirect_dma source(%dma_start3A_670 : memref<64xf32, #tpu.memory_space<vmem>>) target(%dma_start3A_672 : memref<10240xf32, #tpu.memory_space<vmem_shared>>) offsets(%arg15 : memref<64xi32, #tpu.memory_space<vmem>>) semaphore(%run_scoped3A : memref<!tpu.dma_semaphore, #tpu.memory_space<semaphore_mem>>) {add = true}
          %dma_wait3A_673 = arith.constant 0 : i32
          %dma_wait3A_674 = tpu.memref_slice %arg16[%dma_wait3A_673] : memref<64xf32, #tpu.memory_space<vmem>> -> memref<64xf32, #tpu.memory_space<vmem>>
          %dma_wait3A_675 = arith.constant 0 : i32
          %dma_wait3A_676 = tpu.memref_slice %arg22[%dma_wait3A_675] : memref<10240xf32, #tpu.memory_space<vmem_shared>> -> memref<10240xf32, #tpu.memory_space<vmem_shared>>
          tpu.wait_indirect_dma semaphore(%run_scoped3A : memref<!tpu.dma_semaphore, #tpu.memory_space<semaphore_mem>>) src(%dma_wait3A_674 : memref<64xf32, #tpu.memory_space<vmem>>) dst(%dma_wait3A_676 : memref<10240xf32, #tpu.memory_space<vmem_shared>>)
          tpu.yield
        }) : () -> ()
        %add3A_664 = arith.constant 2 : i32
        %add3A_665 = arith.addi %add3A_579, %add3A_664 : i32
        %lt3A_666 = arith.cmpi slt, %add3A_665, %select_n3A_530 : i32
        %convert_element_type3A_667 = arith.extui %lt3A_666 : i1 to i32
        %cond3A_668 = arith.constant 0 : i32
        %cond3A_669 = arith.cmpi ne, %convert_element_type3A_667, %cond3A_668 : i32
        scf.if %cond3A_669 {
          %add3A_670 = arith.constant 2 : i32
          %add3A_671 = arith.addi %add3A_579, %add3A_670 : i32
          %mul3A_672 = arith.constant 64 : i32
          %mul3A_673 = arith.muli %add3A_671, %mul3A_672 : i32
          %dma_start3A = tpu.memref_slice %arg11[%mul3A_673] : memref<10496xi32, #tpu.memory_space<vmem>> -> memref<64xi32, #tpu.memory_space<vmem>>
          %dma_start3A_674 = arith.constant 0 : i32
          %dma_start3A_675 = arith.constant 0 : i32
          %dma_start3A_676 = tpu.memref_slice %arg2[%dma_start3A_674, %dma_start3A_675] : memref<10240x128xf32, #tpu.memory_space<hbm>> -> memref<10240x128xf32, #tpu.memory_space<hbm>>
          tpu.enqueue_indirect_dma source(%dma_start3A_676 : memref<10240x128xf32, #tpu.memory_space<hbm>>) target(%arg18 : memref<64x128xf32, #tpu.memory_space<vmem>>) offsets(%dma_start3A : memref<64xi32, #tpu.memory_space<vmem>>) semaphore(%arg20 : memref<!tpu.dma_semaphore, #tpu.memory_space<semaphore_mem>>)
        } else {
        }
      } else {
      }
    }
    %barrier3A_574 = arith.constant 0 : index
    tpu.barrier barrier_id(%barrier3A_574)
    "tpu.region"() ({
      %run_scoped3A = tpu.sem_alloc : memref<!tpu.dma_semaphore, #tpu.memory_space<semaphore_mem>>
      %dma_start3A = arith.constant 0 : i32
      %dma_start3A_575 = tpu.memref_slice %arg9[%arg0, %mul3A_2, %dma_start3A] : memref<2x10240x128xf32, #tpu.memory_space<hbm>> -> memref<1x640x128xf32, #tpu.memory_space<hbm>>
      %dma_start3A_576 = tpu.memref_squeeze %dma_start3A_575 : memref<1x640x128xf32, #tpu.memory_space<hbm>> -> memref<640x128xf32, #tpu.memory_space<hbm>>
      %dma_start3A_577 = arith.constant 0 : i32
      %dma_start3A_578 = tpu.memref_slice %arg21[%mul3A_2, %dma_start3A_577] : memref<10240x128xf32, #tpu.memory_space<vmem_shared>> -> memref<640x128xf32, #tpu.memory_space<vmem_shared>>
      tpu.enqueue_dma source(%dma_start3A_578 : memref<640x128xf32, #tpu.memory_space<vmem_shared>>) target(%dma_start3A_576 : memref<640x128xf32, #tpu.memory_space<hbm>>) target_semaphore(%run_scoped3A : memref<!tpu.dma_semaphore, #tpu.memory_space<semaphore_mem>>)
      %dma_wait3A = arith.constant 0 : i32
      %dma_wait3A_579 = tpu.memref_slice %arg9[%arg0, %mul3A_2, %dma_wait3A] : memref<2x10240x128xf32, #tpu.memory_space<hbm>> -> memref<1x640x128xf32, #tpu.memory_space<hbm>>
      %dma_wait3A_580 = tpu.memref_squeeze %dma_wait3A_579 : memref<1x640x128xf32, #tpu.memory_space<hbm>> -> memref<640x128xf32, #tpu.memory_space<hbm>>
      %dma_wait3A_581 = arith.constant 0 : i32
      %dma_wait3A_582 = tpu.memref_slice %arg21[%mul3A_2, %dma_wait3A_581] : memref<10240x128xf32, #tpu.memory_space<vmem_shared>> -> memref<640x128xf32, #tpu.memory_space<vmem_shared>>
      tpu.wait_dma2 semaphore(%run_scoped3A : memref<!tpu.dma_semaphore, #tpu.memory_space<semaphore_mem>>) src(%dma_wait3A_582 : memref<640x128xf32, #tpu.memory_space<vmem_shared>>) dst(%dma_wait3A_580 : memref<640x128xf32, #tpu.memory_space<hbm>>)
      tpu.yield
    }) : () -> ()
    "tpu.region"() ({
      %run_scoped3A = tpu.sem_alloc : memref<!tpu.dma_semaphore, #tpu.memory_space<semaphore_mem>>
      %dma_start3A = tpu.memref_slice %arg10[%arg0, %mul3A_2] : memref<2x10240xf32, #tpu.memory_space<hbm>> -> memref<1x640xf32, #tpu.memory_space<hbm>>
      %dma_start3A_575 = tpu.memref_squeeze %dma_start3A : memref<1x640xf32, #tpu.memory_space<hbm>> -> memref<640xf32, #tpu.memory_space<hbm>>
      %dma_start3A_576 = tpu.memref_slice %arg22[%mul3A_2] : memref<10240xf32, #tpu.memory_space<vmem_shared>> -> memref<640xf32, #tpu.memory_space<vmem_shared>>
      tpu.enqueue_dma source(%dma_start3A_576 : memref<640xf32, #tpu.memory_space<vmem_shared>>) target(%dma_start3A_575 : memref<640xf32, #tpu.memory_space<hbm>>) target_semaphore(%run_scoped3A : memref<!tpu.dma_semaphore, #tpu.memory_space<semaphore_mem>>)
      %dma_wait3A = tpu.memref_slice %arg10[%arg0, %mul3A_2] : memref<2x10240xf32, #tpu.memory_space<hbm>> -> memref<1x640xf32, #tpu.memory_space<hbm>>
      %dma_wait3A_577 = tpu.memref_squeeze %dma_wait3A : memref<1x640xf32, #tpu.memory_space<hbm>> -> memref<640xf32, #tpu.memory_space<hbm>>
      %dma_wait3A_578 = tpu.memref_slice %arg22[%mul3A_2] : memref<10240xf32, #tpu.memory_space<vmem_shared>> -> memref<640xf32, #tpu.memory_space<vmem_shared>>
      tpu.wait_dma2 semaphore(%run_scoped3A : memref<!tpu.dma_semaphore, #tpu.memory_space<semaphore_mem>>) src(%dma_wait3A_578 : memref<640xf32, #tpu.memory_space<vmem_shared>>) dst(%dma_wait3A_577 : memref<640xf32, #tpu.memory_space<hbm>>)
      tpu.yield
    }) : () -> ()
    return
  }
}

#map = affine_map<(d0, d1) -> (0, 0)>
#map1 = affine_map<(d0, d1) -> (0)>
#map2 = affine_map<(d0, d1) -> (0, 0, 0)>
module attributes {stable_mosaic.version = 14 : i64} {
  func.func @_sc_agg2_body(%arg0: i32, %arg1: i32, %arg2: memref<10240x128xf32, #tpu.memory_space<hbm>>, %arg3: memref<32x10240xi32, #tpu.memory_space<hbm>>, %arg4: memref<32x10240xi32, #tpu.memory_space<hbm>>, %arg5: memref<10240xi32, #tpu.memory_space<hbm>>, %arg6: memref<640x128xf32, #tpu.memory_space<hbm>>, %arg7: memref<2x128x128xf32, #tpu.memory_space<hbm>>, %arg8: memref<10496xi32, #tpu.memory_space<vmem>>, %arg9: memref<10240xi32, #tpu.memory_space<vmem>>, %arg10: memref<10496xi32, #tpu.memory_space<vmem>>, %arg11: memref<10240xi32, #tpu.memory_space<vmem>>, %arg12: memref<128xi32, #tpu.memory_space<vmem>>, %arg13: memref<128x128xf32, #tpu.memory_space<vmem>>, %arg14: memref<!tpu.dma_semaphore, #tpu.memory_space<semaphore_mem>>, %arg15: memref<128x128xf32, #tpu.memory_space<vmem_shared>>) attributes {dimension_semantics = [#tpu.dimension_semantics<core_parallel>, #tpu.dimension_semantics<subcore_parallel>], iteration_bounds = array<i64: 2, 16>, scalar_prefetch = 0 : i64, scratch_operands = 8 : i64, tpu.core_type = #tpu.core_type<sc_vector_subcore>, window_params = [{transform_indices = #map}, {transform_indices = #map}, {transform_indices = #map}, {transform_indices = #map1}, {transform_indices = #map}, {transform_indices = #map2}]} {
    %mul3A = arith.constant 16 : i32
    %mul3A_0 = arith.muli %arg0, %mul3A : i32
    %add3A = arith.addi %mul3A_0, %arg1 : i32
    "tpu.region"() ({
      %run_scoped3A = tpu.sem_alloc : memref<!tpu.dma_semaphore, #tpu.memory_space<semaphore_mem>>
      %dma_start3A = arith.constant 0 : i32
      %dma_start3A_326 = tpu.memref_slice %arg8[%dma_start3A] : memref<10496xi32, #tpu.memory_space<vmem>> -> memref<10240xi32, #tpu.memory_space<vmem>>
      %dma_start3A_327 = arith.constant 0 : i32
      %dma_start3A_328 = tpu.memref_slice %arg3[%add3A, %dma_start3A_327] : memref<32x10240xi32, #tpu.memory_space<hbm>> -> memref<1x10240xi32, #tpu.memory_space<hbm>>
      %dma_start3A_329 = tpu.memref_squeeze %dma_start3A_328 : memref<1x10240xi32, #tpu.memory_space<hbm>> -> memref<10240xi32, #tpu.memory_space<hbm>>
      %dma_start3A_330 = arith.constant 0 : i32
      %dma_start3A_331 = tpu.memref_slice %arg8[%dma_start3A_330] : memref<10496xi32, #tpu.memory_space<vmem>> -> memref<10240xi32, #tpu.memory_space<vmem>>
      %dma_start3A_332 = arith.constant 0 : i32
      %dma_start3A_333 = tpu.memref_slice %arg3[%add3A, %dma_start3A_332] : memref<32x10240xi32, #tpu.memory_space<hbm>> -> memref<1x10240xi32, #tpu.memory_space<hbm>>
      %dma_start3A_334 = tpu.memref_squeeze %dma_start3A_333 : memref<1x10240xi32, #tpu.memory_space<hbm>> -> memref<10240xi32, #tpu.memory_space<hbm>>
      tpu.enqueue_dma source(%dma_start3A_334 : memref<10240xi32, #tpu.memory_space<hbm>>) target(%dma_start3A_331 : memref<10240xi32, #tpu.memory_space<vmem>>) target_semaphore(%run_scoped3A : memref<!tpu.dma_semaphore, #tpu.memory_space<semaphore_mem>>)
      %dma_wait3A = arith.constant 0 : i32
      %dma_wait3A_335 = tpu.memref_slice %arg8[%dma_wait3A] : memref<10496xi32, #tpu.memory_space<vmem>> -> memref<10240xi32, #tpu.memory_space<vmem>>
      %dma_wait3A_336 = arith.constant 0 : i32
      %dma_wait3A_337 = tpu.memref_slice %arg3[%add3A, %dma_wait3A_336] : memref<32x10240xi32, #tpu.memory_space<hbm>> -> memref<1x10240xi32, #tpu.memory_space<hbm>>
      %dma_wait3A_338 = tpu.memref_squeeze %dma_wait3A_337 : memref<1x10240xi32, #tpu.memory_space<hbm>> -> memref<10240xi32, #tpu.memory_space<hbm>>
      %dma_wait3A_339 = arith.constant 0 : i32
      %dma_wait3A_340 = tpu.memref_slice %arg8[%dma_wait3A_339] : memref<10496xi32, #tpu.memory_space<vmem>> -> memref<10240xi32, #tpu.memory_space<vmem>>
      %dma_wait3A_341 = arith.constant 0 : i32
      %dma_wait3A_342 = tpu.memref_slice %arg3[%add3A, %dma_wait3A_341] : memref<32x10240xi32, #tpu.memory_space<hbm>> -> memref<1x10240xi32, #tpu.memory_space<hbm>>
      %dma_wait3A_343 = tpu.memref_squeeze %dma_wait3A_342 : memref<1x10240xi32, #tpu.memory_space<hbm>> -> memref<10240xi32, #tpu.memory_space<hbm>>
      tpu.wait_dma2 semaphore(%run_scoped3A : memref<!tpu.dma_semaphore, #tpu.memory_space<semaphore_mem>>) src(%dma_wait3A_343 : memref<10240xi32, #tpu.memory_space<hbm>>) dst(%dma_wait3A_340 : memref<10240xi32, #tpu.memory_space<vmem>>)
      tpu.yield
    }) : () -> ()
    "tpu.region"() ({
      %run_scoped3A = tpu.sem_alloc : memref<!tpu.dma_semaphore, #tpu.memory_space<semaphore_mem>>
      %dma_start3A = arith.constant 0 : i32
      %dma_start3A_326 = tpu.memref_slice %arg9[%dma_start3A] : memref<10240xi32, #tpu.memory_space<vmem>> -> memref<10240xi32, #tpu.memory_space<vmem>>
      %dma_start3A_327 = arith.constant 0 : i32
      %dma_start3A_328 = tpu.memref_slice %arg4[%add3A, %dma_start3A_327] : memref<32x10240xi32, #tpu.memory_space<hbm>> -> memref<1x10240xi32, #tpu.memory_space<hbm>>
      %dma_start3A_329 = tpu.memref_squeeze %dma_start3A_328 : memref<1x10240xi32, #tpu.memory_space<hbm>> -> memref<10240xi32, #tpu.memory_space<hbm>>
      %dma_start3A_330 = arith.constant 0 : i32
      %dma_start3A_331 = tpu.memref_slice %arg9[%dma_start3A_330] : memref<10240xi32, #tpu.memory_space<vmem>> -> memref<10240xi32, #tpu.memory_space<vmem>>
      %dma_start3A_332 = arith.constant 0 : i32
      %dma_start3A_333 = tpu.memref_slice %arg4[%add3A, %dma_start3A_332] : memref<32x10240xi32, #tpu.memory_space<hbm>> -> memref<1x10240xi32, #tpu.memory_space<hbm>>
      %dma_start3A_334 = tpu.memref_squeeze %dma_start3A_333 : memref<1x10240xi32, #tpu.memory_space<hbm>> -> memref<10240xi32, #tpu.memory_space<hbm>>
      tpu.enqueue_dma source(%dma_start3A_334 : memref<10240xi32, #tpu.memory_space<hbm>>) target(%dma_start3A_331 : memref<10240xi32, #tpu.memory_space<vmem>>) target_semaphore(%run_scoped3A : memref<!tpu.dma_semaphore, #tpu.memory_space<semaphore_mem>>)
      %dma_wait3A = arith.constant 0 : i32
      %dma_wait3A_335 = tpu.memref_slice %arg9[%dma_wait3A] : memref<10240xi32, #tpu.memory_space<vmem>> -> memref<10240xi32, #tpu.memory_space<vmem>>
      %dma_wait3A_336 = arith.constant 0 : i32
      %dma_wait3A_337 = tpu.memref_slice %arg4[%add3A, %dma_wait3A_336] : memref<32x10240xi32, #tpu.memory_space<hbm>> -> memref<1x10240xi32, #tpu.memory_space<hbm>>
      %dma_wait3A_338 = tpu.memref_squeeze %dma_wait3A_337 : memref<1x10240xi32, #tpu.memory_space<hbm>> -> memref<10240xi32, #tpu.memory_space<hbm>>
      %dma_wait3A_339 = arith.constant 0 : i32
      %dma_wait3A_340 = tpu.memref_slice %arg9[%dma_wait3A_339] : memref<10240xi32, #tpu.memory_space<vmem>> -> memref<10240xi32, #tpu.memory_space<vmem>>
      %dma_wait3A_341 = arith.constant 0 : i32
      %dma_wait3A_342 = tpu.memref_slice %arg4[%add3A, %dma_wait3A_341] : memref<32x10240xi32, #tpu.memory_space<hbm>> -> memref<1x10240xi32, #tpu.memory_space<hbm>>
      %dma_wait3A_343 = tpu.memref_squeeze %dma_wait3A_342 : memref<1x10240xi32, #tpu.memory_space<hbm>> -> memref<10240xi32, #tpu.memory_space<hbm>>
      tpu.wait_dma2 semaphore(%run_scoped3A : memref<!tpu.dma_semaphore, #tpu.memory_space<semaphore_mem>>) src(%dma_wait3A_343 : memref<10240xi32, #tpu.memory_space<hbm>>) dst(%dma_wait3A_340 : memref<10240xi32, #tpu.memory_space<vmem>>)
      tpu.yield
    }) : () -> ()
    "tpu.region"() ({
      %run_scoped3A = tpu.sem_alloc : memref<!tpu.dma_semaphore, #tpu.memory_space<semaphore_mem>>
      tpu.enqueue_dma source(%arg5 : memref<10240xi32, #tpu.memory_space<hbm>>) target(%arg11 : memref<10240xi32, #tpu.memory_space<vmem>>) target_semaphore(%run_scoped3A : memref<!tpu.dma_semaphore, #tpu.memory_space<semaphore_mem>>)
      tpu.wait_dma2 semaphore(%run_scoped3A : memref<!tpu.dma_semaphore, #tpu.memory_space<semaphore_mem>>) src(%arg5 : memref<10240xi32, #tpu.memory_space<hbm>>) dst(%arg11 : memref<10240xi32, #tpu.memory_space<vmem>>)
      tpu.yield
    }) : () -> ()
    %eq3A = arith.constant 0 : i32
    %eq3A_1 = arith.cmpi eq, %arg1, %eq3A : i32
    %convert_element_type3A = arith.extui %eq3A_1 : i1 to i32
    %cond3A = arith.constant 0 : i32
    %cond3A_2 = arith.cmpi ne, %convert_element_type3A, %cond3A : i32
    scf.if %cond3A_2 {
      "tpu.region"() ({
        %run_scoped3A = tpu.sem_alloc : memref<!tpu.dma_semaphore, #tpu.memory_space<semaphore_mem>>
        %dma_start3A = arith.constant 0 : i32
        %dma_start3A_326 = arith.constant 0 : i32
        %dma_start3A_327 = tpu.memref_slice %arg6[%dma_start3A, %dma_start3A_326] : memref<640x128xf32, #tpu.memory_space<hbm>> -> memref<128x128xf32, #tpu.memory_space<hbm>>
        tpu.enqueue_dma source(%dma_start3A_327 : memref<128x128xf32, #tpu.memory_space<hbm>>) target(%arg15 : memref<128x128xf32, #tpu.memory_space<vmem_shared>>) target_semaphore(%run_scoped3A : memref<!tpu.dma_semaphore, #tpu.memory_space<semaphore_mem>>)
        %dma_wait3A = arith.constant 0 : i32
        %dma_wait3A_328 = arith.constant 0 : i32
        %dma_wait3A_329 = tpu.memref_slice %arg6[%dma_wait3A, %dma_wait3A_328] : memref<640x128xf32, #tpu.memory_space<hbm>> -> memref<128x128xf32, #tpu.memory_space<hbm>>
        tpu.wait_dma2 semaphore(%run_scoped3A : memref<!tpu.dma_semaphore, #tpu.memory_space<semaphore_mem>>) src(%dma_wait3A_329 : memref<128x128xf32, #tpu.memory_space<hbm>>) dst(%arg15 : memref<128x128xf32, #tpu.memory_space<vmem_shared>>)
        tpu.yield
      }) : () -> ()
    } else {
    }
    %barrier3A = arith.constant 0 : index
    tpu.barrier barrier_id(%barrier3A)
    %scan3A = arith.constant 0 : i32
    %scan3A_3 = arith.constant 0 : i32
    %scan3A_4 = arith.constant 640 : i32
    %scan3A_5 = arith.addi %scan3A_3, %scan3A_4 : i32
    %scan3A_6 = arith.constant 1 : i32
    %scan3A_7 = scf.for %scan3A_326 = %scan3A_3 to %scan3A_5 step %scan3A_6 iter_args(%scan3A_327 = %scan3A) -> (i32)  : i32 {
      %mul3A_328 = arith.constant 16 : i32
      %mul3A_329 = arith.muli %scan3A_326, %mul3A_328 : i32
      %get3A_330 = arith.index_cast %mul3A_329 : i32 to index
      %get3A_331 = tpu.vector_load %arg9[%get3A_330] {strides = array<i32>} : memref<10240xi32, #tpu.memory_space<vmem>>, vector<16xi32>,
      %gather3A = tpu.vector_load_idx %arg11[%get3A_331] : memref<10240xi32, #tpu.memory_space<vmem>>[vector<16xi32>], vector<16xi32>,
      %ge3A_332 = arith.constant 0 : i32
      %ge3A_333 = vector.broadcast %ge3A_332 : i32 to vector<16xi32>
      %ge3A_334 = arith.cmpi sge, %gather3A, %ge3A_333 : vector<16xi32>
      %mul3A_335 = arith.constant 16 : i32
      %mul3A_336 = arith.muli %scan3A_326, %mul3A_335 : i32
      %get3A_337 = arith.index_cast %mul3A_336 : i32 to index
      %get3A_338 = tpu.vector_load %arg8[%get3A_337] {strides = array<i32>} : memref<10496xi32, #tpu.memory_space<vmem>>, vector<16xi32>,
      %swap3A_339 = arith.index_cast %scan3A_327 : i32 to index
      %swap3A_340 = tpu.vector_load %arg8[%swap3A_339] masked %ge3A_334 {strides = array<i32>} : memref<10496xi32, #tpu.memory_space<vmem>>, vector<16xi32>, vector<16xi1>
      tpu.vector_store %arg8[%swap3A_339], %get3A_338 masked %ge3A_334 {strides = array<i32>} : memref<10496xi32, #tpu.memory_space<vmem>>, vector<16xi32>, vector<16xi1>
      %swap3A_341 = arith.index_cast %scan3A_327 : i32 to index
      %swap3A_342 = tpu.vector_load %arg10[%swap3A_341] masked %ge3A_334 {strides = array<i32>} : memref<10496xi32, #tpu.memory_space<vmem>>, vector<16xi32>, vector<16xi1>
      tpu.vector_store %arg10[%swap3A_341], %gather3A masked %ge3A_334 {strides = array<i32>} : memref<10496xi32, #tpu.memory_space<vmem>>, vector<16xi32>, vector<16xi1>
      %convert_element_type3A_343 = arith.extui %ge3A_334 : vector<16xi1> to vector<16xi32>
      %reduce_sum3A = arith.constant true
      %reduce_sum3A_344 = vector.broadcast %reduce_sum3A : i1 to vector<16xi1>
      %reduce_sum3A_345 = tpu.scan <sum>, %convert_element_type3A_343 masked %reduce_sum3A_344 : vector<16xi32>, vector<16xi1> -> vector<16xi32>
      %reduce_sum3A_346 = vector.extract %reduce_sum3A_345[15] : i32 from vector<16xi32>
      %add3A_347 = arith.addi %scan3A_327, %reduce_sum3A_346 : i32
      scf.yield %add3A_347 : i32
    }
    %scan3A_8 = arith.constant 640 : i32
    %jit3A = arith.constant 16 : i32
    %div3A = arith.divsi %scan3A_7, %jit3A : i32
    %sign3A = arith.constant 0 : i32
    %sign3A_9 = arith.cmpi sgt, %scan3A_7, %sign3A : i32
    %sign3A_10 = arith.extui %sign3A_9 : i1 to i32
    %sign3A_11 = arith.constant 0 : i32
    %sign3A_12 = arith.cmpi slt, %scan3A_7, %sign3A_11 : i32
    %sign3A_13 = arith.extui %sign3A_12 : i1 to i32
    %sign3A_14 = arith.subi %sign3A_10, %sign3A_13 : i32
    %sign3A_15 = arith.constant 0 : i32
    %sign3A_16 = arith.cmpi sgt, %jit3A, %sign3A_15 : i32
    %sign3A_17 = arith.extui %sign3A_16 : i1 to i32
    %sign3A_18 = arith.constant 0 : i32
    %sign3A_19 = arith.cmpi slt, %jit3A, %sign3A_18 : i32
    %sign3A_20 = arith.extui %sign3A_19 : i1 to i32
    %sign3A_21 = arith.subi %sign3A_17, %sign3A_20 : i32
    %ne3A = arith.cmpi ne, %sign3A_14, %sign3A_21 : i32
    %rem3A = arith.remsi %scan3A_7, %jit3A : i32
    %ne3A_22 = arith.constant 0 : i32
    %ne3A_23 = arith.cmpi ne, %rem3A, %ne3A_22 : i32
    %and3A = arith.andi %ne3A, %ne3A_23 : i1
    %sub3A = arith.constant 1 : i32
    %sub3A_24 = arith.subi %div3A, %sub3A : i32
    %select_n3A = arith.select %and3A, %sub3A_24, %div3A : i32
    %mul3A_25 = arith.constant 16 : i32
    %mul3A_26 = arith.muli %select_n3A, %mul3A_25 : i32
    %add3A_27 = arith.constant 0 : i32
    %add3A_28 = arith.addi %mul3A_26, %add3A_27 : i32
    %broadcast_in_dim3A = vector.broadcast %add3A_28 : i32 to vector<16xi32>
    %iota3A = tpu.iota {dimensions = array<i32: 0>} : vector<16xi32>
    %add3A_29 = arith.addi %broadcast_in_dim3A, %iota3A : vector<16xi32>
    %ge3A = vector.broadcast %scan3A_7 : i32 to vector<16xi32>
    %ge3A_30 = arith.cmpi sge, %add3A_29, %ge3A : vector<16xi32>
    %add3A_31 = arith.constant 0 : i32
    %add3A_32 = arith.addi %mul3A_26, %add3A_31 : i32
    %get3A = arith.index_cast %add3A_32 : i32 to index
    %get3A_33 = tpu.vector_load %arg8[%get3A] {strides = array<i32>} : memref<10496xi32, #tpu.memory_space<vmem>>, vector<16xi32>,
    %jit3A_34 = arith.constant 0 : i32
    %broadcast_in_dim3A_35 = vector.broadcast %jit3A_34 : i32 to vector<16xi32>
    %select_n3A_36 = arith.select %ge3A_30, %broadcast_in_dim3A_35, %get3A_33 : vector<16xi1>, vector<16xi32>
    %add3A_37 = arith.constant 0 : i32
    %add3A_38 = arith.addi %mul3A_26, %add3A_37 : i32
    %swap3A = arith.index_cast %add3A_38 : i32 to index
    %swap3A_39 = tpu.vector_load %arg8[%swap3A] {strides = array<i32>} : memref<10496xi32, #tpu.memory_space<vmem>>, vector<16xi32>,
    tpu.vector_store %arg8[%swap3A], %select_n3A_36 {strides = array<i32>} : memref<10496xi32, #tpu.memory_space<vmem>>, vector<16xi32>,
    %add3A_40 = arith.constant 0 : i32
    %add3A_41 = arith.addi %mul3A_26, %add3A_40 : i32
    %get3A_42 = arith.index_cast %add3A_41 : i32 to index
    %get3A_43 = tpu.vector_load %arg10[%get3A_42] {strides = array<i32>} : memref<10496xi32, #tpu.memory_space<vmem>>, vector<16xi32>,
    %jit3A_44 = arith.constant 64 : i32
    %broadcast_in_dim3A_45 = vector.broadcast %jit3A_44 : i32 to vector<16xi32>
    %select_n3A_46 = arith.select %ge3A_30, %broadcast_in_dim3A_45, %get3A_43 : vector<16xi1>, vector<16xi32>
    %add3A_47 = arith.constant 0 : i32
    %add3A_48 = arith.addi %mul3A_26, %add3A_47 : i32
    %swap3A_49 = arith.index_cast %add3A_48 : i32 to index
    %swap3A_50 = tpu.vector_load %arg10[%swap3A_49] {strides = array<i32>} : memref<10496xi32, #tpu.memory_space<vmem>>, vector<16xi32>,
    tpu.vector_store %arg10[%swap3A_49], %select_n3A_46 {strides = array<i32>} : memref<10496xi32, #tpu.memory_space<vmem>>, vector<16xi32>,
    %add3A_51 = arith.constant 16 : i32
    %add3A_52 = arith.addi %mul3A_26, %add3A_51 : i32
    %broadcast_in_dim3A_53 = vector.broadcast %add3A_52 : i32 to vector<16xi32>
    %iota3A_54 = tpu.iota {dimensions = array<i32: 0>} : vector<16xi32>
    %add3A_55 = arith.addi %broadcast_in_dim3A_53, %iota3A_54 : vector<16xi32>
    %ge3A_56 = vector.broadcast %scan3A_7 : i32 to vector<16xi32>
    %ge3A_57 = arith.cmpi sge, %add3A_55, %ge3A_56 : vector<16xi32>
    %add3A_58 = arith.constant 16 : i32
    %add3A_59 = arith.addi %mul3A_26, %add3A_58 : i32
    %get3A_60 = arith.index_cast %add3A_59 : i32 to index
    %get3A_61 = tpu.vector_load %arg8[%get3A_60] {strides = array<i32>} : memref<10496xi32, #tpu.memory_space<vmem>>, vector<16xi32>,
    %jit3A_62 = arith.constant 0 : i32
    %broadcast_in_dim3A_63 = vector.broadcast %jit3A_62 : i32 to vector<16xi32>
    %select_n3A_64 = arith.select %ge3A_57, %broadcast_in_dim3A_63, %get3A_61 : vector<16xi1>, vector<16xi32>
    %add3A_65 = arith.constant 16 : i32
    %add3A_66 = arith.addi %mul3A_26, %add3A_65 : i32
    %swap3A_67 = arith.index_cast %add3A_66 : i32 to index
    %swap3A_68 = tpu.vector_load %arg8[%swap3A_67] {strides = array<i32>} : memref<10496xi32, #tpu.memory_space<vmem>>, vector<16xi32>,
    tpu.vector_store %arg8[%swap3A_67], %select_n3A_64 {strides = array<i32>} : memref<10496xi32, #tpu.memory_space<vmem>>, vector<16xi32>,
    %add3A_69 = arith.constant 16 : i32
    %add3A_70 = arith.addi %mul3A_26, %add3A_69 : i32
    %get3A_71 = arith.index_cast %add3A_70 : i32 to index
    %get3A_72 = tpu.vector_load %arg10[%get3A_71] {strides = array<i32>} : memref<10496xi32, #tpu.memory_space<vmem>>, vector<16xi32>,
    %jit3A_73 = arith.constant 64 : i32
    %broadcast_in_dim3A_74 = vector.broadcast %jit3A_73 : i32 to vector<16xi32>
    %select_n3A_75 = arith.select %ge3A_57, %broadcast_in_dim3A_74, %get3A_72 : vector<16xi1>, vector<16xi32>
    %add3A_76 = arith.constant 16 : i32
    %add3A_77 = arith.addi %mul3A_26, %add3A_76 : i32
    %swap3A_78 = arith.index_cast %add3A_77 : i32 to index
    %swap3A_79 = tpu.vector_load %arg10[%swap3A_78] {strides = array<i32>} : memref<10496xi32, #tpu.memory_space<vmem>>, vector<16xi32>,
    tpu.vector_store %arg10[%swap3A_78], %select_n3A_75 {strides = array<i32>} : memref<10496xi32, #tpu.memory_space<vmem>>, vector<16xi32>,
    %add3A_80 = arith.constant 32 : i32
    %add3A_81 = arith.addi %mul3A_26, %add3A_80 : i32
    %broadcast_in_dim3A_82 = vector.broadcast %add3A_81 : i32 to vector<16xi32>
    %iota3A_83 = tpu.iota {dimensions = array<i32: 0>} : vector<16xi32>
    %add3A_84 = arith.addi %broadcast_in_dim3A_82, %iota3A_83 : vector<16xi32>
    %ge3A_85 = vector.broadcast %scan3A_7 : i32 to vector<16xi32>
    %ge3A_86 = arith.cmpi sge, %add3A_84, %ge3A_85 : vector<16xi32>
    %add3A_87 = arith.constant 32 : i32
    %add3A_88 = arith.addi %mul3A_26, %add3A_87 : i32
    %get3A_89 = arith.index_cast %add3A_88 : i32 to index
    %get3A_90 = tpu.vector_load %arg8[%get3A_89] {strides = array<i32>} : memref<10496xi32, #tpu.memory_space<vmem>>, vector<16xi32>,
    %jit3A_91 = arith.constant 0 : i32
    %broadcast_in_dim3A_92 = vector.broadcast %jit3A_91 : i32 to vector<16xi32>
    %select_n3A_93 = arith.select %ge3A_86, %broadcast_in_dim3A_92, %get3A_90 : vector<16xi1>, vector<16xi32>
    %add3A_94 = arith.constant 32 : i32
    %add3A_95 = arith.addi %mul3A_26, %add3A_94 : i32
    %swap3A_96 = arith.index_cast %add3A_95 : i32 to index
    %swap3A_97 = tpu.vector_load %arg8[%swap3A_96] {strides = array<i32>} : memref<10496xi32, #tpu.memory_space<vmem>>, vector<16xi32>,
    tpu.vector_store %arg8[%swap3A_96], %select_n3A_93 {strides = array<i32>} : memref<10496xi32, #tpu.memory_space<vmem>>, vector<16xi32>,
    %add3A_98 = arith.constant 32 : i32
    %add3A_99 = arith.addi %mul3A_26, %add3A_98 : i32
    %get3A_100 = arith.index_cast %add3A_99 : i32 to index
    %get3A_101 = tpu.vector_load %arg10[%get3A_100] {strides = array<i32>} : memref<10496xi32, #tpu.memory_space<vmem>>, vector<16xi32>,
    %jit3A_102 = arith.constant 64 : i32
    %broadcast_in_dim3A_103 = vector.broadcast %jit3A_102 : i32 to vector<16xi32>
    %select_n3A_104 = arith.select %ge3A_86, %broadcast_in_dim3A_103, %get3A_101 : vector<16xi1>, vector<16xi32>
    %add3A_105 = arith.constant 32 : i32
    %add3A_106 = arith.addi %mul3A_26, %add3A_105 : i32
    %swap3A_107 = arith.index_cast %add3A_106 : i32 to index
    %swap3A_108 = tpu.vector_load %arg10[%swap3A_107] {strides = array<i32>} : memref<10496xi32, #tpu.memory_space<vmem>>, vector<16xi32>,
    tpu.vector_store %arg10[%swap3A_107], %select_n3A_104 {strides = array<i32>} : memref<10496xi32, #tpu.memory_space<vmem>>, vector<16xi32>,
    %add3A_109 = arith.constant 48 : i32
    %add3A_110 = arith.addi %mul3A_26, %add3A_109 : i32
    %broadcast_in_dim3A_111 = vector.broadcast %add3A_110 : i32 to vector<16xi32>
    %iota3A_112 = tpu.iota {dimensions = array<i32: 0>} : vector<16xi32>
    %add3A_113 = arith.addi %broadcast_in_dim3A_111, %iota3A_112 : vector<16xi32>
    %ge3A_114 = vector.broadcast %scan3A_7 : i32 to vector<16xi32>
    %ge3A_115 = arith.cmpi sge, %add3A_113, %ge3A_114 : vector<16xi32>
    %add3A_116 = arith.constant 48 : i32
    %add3A_117 = arith.addi %mul3A_26, %add3A_116 : i32
    %get3A_118 = arith.index_cast %add3A_117 : i32 to index
    %get3A_119 = tpu.vector_load %arg8[%get3A_118] {strides = array<i32>} : memref<10496xi32, #tpu.memory_space<vmem>>, vector<16xi32>,
    %jit3A_120 = arith.constant 0 : i32
    %broadcast_in_dim3A_121 = vector.broadcast %jit3A_120 : i32 to vector<16xi32>
    %select_n3A_122 = arith.select %ge3A_115, %broadcast_in_dim3A_121, %get3A_119 : vector<16xi1>, vector<16xi32>
    %add3A_123 = arith.constant 48 : i32
    %add3A_124 = arith.addi %mul3A_26, %add3A_123 : i32
    %swap3A_125 = arith.index_cast %add3A_124 : i32 to index
    %swap3A_126 = tpu.vector_load %arg8[%swap3A_125] {strides = array<i32>} : memref<10496xi32, #tpu.memory_space<vmem>>, vector<16xi32>,
    tpu.vector_store %arg8[%swap3A_125], %select_n3A_122 {strides = array<i32>} : memref<10496xi32, #tpu.memory_space<vmem>>, vector<16xi32>,
    %add3A_127 = arith.constant 48 : i32
    %add3A_128 = arith.addi %mul3A_26, %add3A_127 : i32
    %get3A_129 = arith.index_cast %add3A_128 : i32 to index
    %get3A_130 = tpu.vector_load %arg10[%get3A_129] {strides = array<i32>} : memref<10496xi32, #tpu.memory_space<vmem>>, vector<16xi32>,
    %jit3A_131 = arith.constant 64 : i32
    %broadcast_in_dim3A_132 = vector.broadcast %jit3A_131 : i32 to vector<16xi32>
    %select_n3A_133 = arith.select %ge3A_115, %broadcast_in_dim3A_132, %get3A_130 : vector<16xi1>, vector<16xi32>
    %add3A_134 = arith.constant 48 : i32
    %add3A_135 = arith.addi %mul3A_26, %add3A_134 : i32
    %swap3A_136 = arith.index_cast %add3A_135 : i32 to index
    %swap3A_137 = tpu.vector_load %arg10[%swap3A_136] {strides = array<i32>} : memref<10496xi32, #tpu.memory_space<vmem>>, vector<16xi32>,
    tpu.vector_store %arg10[%swap3A_136], %select_n3A_133 {strides = array<i32>} : memref<10496xi32, #tpu.memory_space<vmem>>, vector<16xi32>,
    %add3A_138 = arith.constant 64 : i32
    %add3A_139 = arith.addi %mul3A_26, %add3A_138 : i32
    %broadcast_in_dim3A_140 = vector.broadcast %add3A_139 : i32 to vector<16xi32>
    %iota3A_141 = tpu.iota {dimensions = array<i32: 0>} : vector<16xi32>
    %add3A_142 = arith.addi %broadcast_in_dim3A_140, %iota3A_141 : vector<16xi32>
    %ge3A_143 = vector.broadcast %scan3A_7 : i32 to vector<16xi32>
    %ge3A_144 = arith.cmpi sge, %add3A_142, %ge3A_143 : vector<16xi32>
    %add3A_145 = arith.constant 64 : i32
    %add3A_146 = arith.addi %mul3A_26, %add3A_145 : i32
    %get3A_147 = arith.index_cast %add3A_146 : i32 to index
    %get3A_148 = tpu.vector_load %arg8[%get3A_147] {strides = array<i32>} : memref<10496xi32, #tpu.memory_space<vmem>>, vector<16xi32>,
    %jit3A_149 = arith.constant 0 : i32
    %broadcast_in_dim3A_150 = vector.broadcast %jit3A_149 : i32 to vector<16xi32>
    %select_n3A_151 = arith.select %ge3A_144, %broadcast_in_dim3A_150, %get3A_148 : vector<16xi1>, vector<16xi32>
    %add3A_152 = arith.constant 64 : i32
    %add3A_153 = arith.addi %mul3A_26, %add3A_152 : i32
    %swap3A_154 = arith.index_cast %add3A_153 : i32 to index
    %swap3A_155 = tpu.vector_load %arg8[%swap3A_154] {strides = array<i32>} : memref<10496xi32, #tpu.memory_space<vmem>>, vector<16xi32>,
    tpu.vector_store %arg8[%swap3A_154], %select_n3A_151 {strides = array<i32>} : memref<10496xi32, #tpu.memory_space<vmem>>, vector<16xi32>,
    %add3A_156 = arith.constant 64 : i32
    %add3A_157 = arith.addi %mul3A_26, %add3A_156 : i32
    %get3A_158 = arith.index_cast %add3A_157 : i32 to index
    %get3A_159 = tpu.vector_load %arg10[%get3A_158] {strides = array<i32>} : memref<10496xi32, #tpu.memory_space<vmem>>, vector<16xi32>,
    %jit3A_160 = arith.constant 64 : i32
    %broadcast_in_dim3A_161 = vector.broadcast %jit3A_160 : i32 to vector<16xi32>
    %select_n3A_162 = arith.select %ge3A_144, %broadcast_in_dim3A_161, %get3A_159 : vector<16xi1>, vector<16xi32>
    %add3A_163 = arith.constant 64 : i32
    %add3A_164 = arith.addi %mul3A_26, %add3A_163 : i32
    %swap3A_165 = arith.index_cast %add3A_164 : i32 to index
    %swap3A_166 = tpu.vector_load %arg10[%swap3A_165] {strides = array<i32>} : memref<10496xi32, #tpu.memory_space<vmem>>, vector<16xi32>,
    tpu.vector_store %arg10[%swap3A_165], %select_n3A_162 {strides = array<i32>} : memref<10496xi32, #tpu.memory_space<vmem>>, vector<16xi32>,
    %add3A_167 = arith.constant 80 : i32
    %add3A_168 = arith.addi %mul3A_26, %add3A_167 : i32
    %broadcast_in_dim3A_169 = vector.broadcast %add3A_168 : i32 to vector<16xi32>
    %iota3A_170 = tpu.iota {dimensions = array<i32: 0>} : vector<16xi32>
    %add3A_171 = arith.addi %broadcast_in_dim3A_169, %iota3A_170 : vector<16xi32>
    %ge3A_172 = vector.broadcast %scan3A_7 : i32 to vector<16xi32>
    %ge3A_173 = arith.cmpi sge, %add3A_171, %ge3A_172 : vector<16xi32>
    %add3A_174 = arith.constant 80 : i32
    %add3A_175 = arith.addi %mul3A_26, %add3A_174 : i32
    %get3A_176 = arith.index_cast %add3A_175 : i32 to index
    %get3A_177 = tpu.vector_load %arg8[%get3A_176] {strides = array<i32>} : memref<10496xi32, #tpu.memory_space<vmem>>, vector<16xi32>,
    %jit3A_178 = arith.constant 0 : i32
    %broadcast_in_dim3A_179 = vector.broadcast %jit3A_178 : i32 to vector<16xi32>
    %select_n3A_180 = arith.select %ge3A_173, %broadcast_in_dim3A_179, %get3A_177 : vector<16xi1>, vector<16xi32>
    %add3A_181 = arith.constant 80 : i32
    %add3A_182 = arith.addi %mul3A_26, %add3A_181 : i32
    %swap3A_183 = arith.index_cast %add3A_182 : i32 to index
    %swap3A_184 = tpu.vector_load %arg8[%swap3A_183] {strides = array<i32>} : memref<10496xi32, #tpu.memory_space<vmem>>, vector<16xi32>,
    tpu.vector_store %arg8[%swap3A_183], %select_n3A_180 {strides = array<i32>} : memref<10496xi32, #tpu.memory_space<vmem>>, vector<16xi32>,
    %add3A_185 = arith.constant 80 : i32
    %add3A_186 = arith.addi %mul3A_26, %add3A_185 : i32
    %get3A_187 = arith.index_cast %add3A_186 : i32 to index
    %get3A_188 = tpu.vector_load %arg10[%get3A_187] {strides = array<i32>} : memref<10496xi32, #tpu.memory_space<vmem>>, vector<16xi32>,
    %jit3A_189 = arith.constant 64 : i32
    %broadcast_in_dim3A_190 = vector.broadcast %jit3A_189 : i32 to vector<16xi32>
    %select_n3A_191 = arith.select %ge3A_173, %broadcast_in_dim3A_190, %get3A_188 : vector<16xi1>, vector<16xi32>
    %add3A_192 = arith.constant 80 : i32
    %add3A_193 = arith.addi %mul3A_26, %add3A_192 : i32
    %swap3A_194 = arith.index_cast %add3A_193 : i32 to index
    %swap3A_195 = tpu.vector_load %arg10[%swap3A_194] {strides = array<i32>} : memref<10496xi32, #tpu.memory_space<vmem>>, vector<16xi32>,
    tpu.vector_store %arg10[%swap3A_194], %select_n3A_191 {strides = array<i32>} : memref<10496xi32, #tpu.memory_space<vmem>>, vector<16xi32>,
    %add3A_196 = arith.constant 96 : i32
    %add3A_197 = arith.addi %mul3A_26, %add3A_196 : i32
    %broadcast_in_dim3A_198 = vector.broadcast %add3A_197 : i32 to vector<16xi32>
    %iota3A_199 = tpu.iota {dimensions = array<i32: 0>} : vector<16xi32>
    %add3A_200 = arith.addi %broadcast_in_dim3A_198, %iota3A_199 : vector<16xi32>
    %ge3A_201 = vector.broadcast %scan3A_7 : i32 to vector<16xi32>
    %ge3A_202 = arith.cmpi sge, %add3A_200, %ge3A_201 : vector<16xi32>
    %add3A_203 = arith.constant 96 : i32
    %add3A_204 = arith.addi %mul3A_26, %add3A_203 : i32
    %get3A_205 = arith.index_cast %add3A_204 : i32 to index
    %get3A_206 = tpu.vector_load %arg8[%get3A_205] {strides = array<i32>} : memref<10496xi32, #tpu.memory_space<vmem>>, vector<16xi32>,
    %jit3A_207 = arith.constant 0 : i32
    %broadcast_in_dim3A_208 = vector.broadcast %jit3A_207 : i32 to vector<16xi32>
    %select_n3A_209 = arith.select %ge3A_202, %broadcast_in_dim3A_208, %get3A_206 : vector<16xi1>, vector<16xi32>
    %add3A_210 = arith.constant 96 : i32
    %add3A_211 = arith.addi %mul3A_26, %add3A_210 : i32
    %swap3A_212 = arith.index_cast %add3A_211 : i32 to index
    %swap3A_213 = tpu.vector_load %arg8[%swap3A_212] {strides = array<i32>} : memref<10496xi32, #tpu.memory_space<vmem>>, vector<16xi32>,
    tpu.vector_store %arg8[%swap3A_212], %select_n3A_209 {strides = array<i32>} : memref<10496xi32, #tpu.memory_space<vmem>>, vector<16xi32>,
    %add3A_214 = arith.constant 96 : i32
    %add3A_215 = arith.addi %mul3A_26, %add3A_214 : i32
    %get3A_216 = arith.index_cast %add3A_215 : i32 to index
    %get3A_217 = tpu.vector_load %arg10[%get3A_216] {strides = array<i32>} : memref<10496xi32, #tpu.memory_space<vmem>>, vector<16xi32>,
    %jit3A_218 = arith.constant 64 : i32
    %broadcast_in_dim3A_219 = vector.broadcast %jit3A_218 : i32 to vector<16xi32>
    %select_n3A_220 = arith.select %ge3A_202, %broadcast_in_dim3A_219, %get3A_217 : vector<16xi1>, vector<16xi32>
    %add3A_221 = arith.constant 96 : i32
    %add3A_222 = arith.addi %mul3A_26, %add3A_221 : i32
    %swap3A_223 = arith.index_cast %add3A_222 : i32 to index
    %swap3A_224 = tpu.vector_load %arg10[%swap3A_223] {strides = array<i32>} : memref<10496xi32, #tpu.memory_space<vmem>>, vector<16xi32>,
    tpu.vector_store %arg10[%swap3A_223], %select_n3A_220 {strides = array<i32>} : memref<10496xi32, #tpu.memory_space<vmem>>, vector<16xi32>,
    %add3A_225 = arith.constant 112 : i32
    %add3A_226 = arith.addi %mul3A_26, %add3A_225 : i32
    %broadcast_in_dim3A_227 = vector.broadcast %add3A_226 : i32 to vector<16xi32>
    %iota3A_228 = tpu.iota {dimensions = array<i32: 0>} : vector<16xi32>
    %add3A_229 = arith.addi %broadcast_in_dim3A_227, %iota3A_228 : vector<16xi32>
    %ge3A_230 = vector.broadcast %scan3A_7 : i32 to vector<16xi32>
    %ge3A_231 = arith.cmpi sge, %add3A_229, %ge3A_230 : vector<16xi32>
    %add3A_232 = arith.constant 112 : i32
    %add3A_233 = arith.addi %mul3A_26, %add3A_232 : i32
    %get3A_234 = arith.index_cast %add3A_233 : i32 to index
    %get3A_235 = tpu.vector_load %arg8[%get3A_234] {strides = array<i32>} : memref<10496xi32, #tpu.memory_space<vmem>>, vector<16xi32>,
    %jit3A_236 = arith.constant 0 : i32
    %broadcast_in_dim3A_237 = vector.broadcast %jit3A_236 : i32 to vector<16xi32>
    %select_n3A_238 = arith.select %ge3A_231, %broadcast_in_dim3A_237, %get3A_235 : vector<16xi1>, vector<16xi32>
    %add3A_239 = arith.constant 112 : i32
    %add3A_240 = arith.addi %mul3A_26, %add3A_239 : i32
    %swap3A_241 = arith.index_cast %add3A_240 : i32 to index
    %swap3A_242 = tpu.vector_load %arg8[%swap3A_241] {strides = array<i32>} : memref<10496xi32, #tpu.memory_space<vmem>>, vector<16xi32>,
    tpu.vector_store %arg8[%swap3A_241], %select_n3A_238 {strides = array<i32>} : memref<10496xi32, #tpu.memory_space<vmem>>, vector<16xi32>,
    %add3A_243 = arith.constant 112 : i32
    %add3A_244 = arith.addi %mul3A_26, %add3A_243 : i32
    %get3A_245 = arith.index_cast %add3A_244 : i32 to index
    %get3A_246 = tpu.vector_load %arg10[%get3A_245] {strides = array<i32>} : memref<10496xi32, #tpu.memory_space<vmem>>, vector<16xi32>,
    %jit3A_247 = arith.constant 64 : i32
    %broadcast_in_dim3A_248 = vector.broadcast %jit3A_247 : i32 to vector<16xi32>
    %select_n3A_249 = arith.select %ge3A_231, %broadcast_in_dim3A_248, %get3A_246 : vector<16xi1>, vector<16xi32>
    %add3A_250 = arith.constant 112 : i32
    %add3A_251 = arith.addi %mul3A_26, %add3A_250 : i32
    %swap3A_252 = arith.index_cast %add3A_251 : i32 to index
    %swap3A_253 = tpu.vector_load %arg10[%swap3A_252] {strides = array<i32>} : memref<10496xi32, #tpu.memory_space<vmem>>, vector<16xi32>,
    tpu.vector_store %arg10[%swap3A_252], %select_n3A_249 {strides = array<i32>} : memref<10496xi32, #tpu.memory_space<vmem>>, vector<16xi32>,
    %add3A_254 = arith.constant 128 : i32
    %add3A_255 = arith.addi %mul3A_26, %add3A_254 : i32
    %broadcast_in_dim3A_256 = vector.broadcast %add3A_255 : i32 to vector<16xi32>
    %iota3A_257 = tpu.iota {dimensions = array<i32: 0>} : vector<16xi32>
    %add3A_258 = arith.addi %broadcast_in_dim3A_256, %iota3A_257 : vector<16xi32>
    %ge3A_259 = vector.broadcast %scan3A_7 : i32 to vector<16xi32>
    %ge3A_260 = arith.cmpi sge, %add3A_258, %ge3A_259 : vector<16xi32>
    %add3A_261 = arith.constant 128 : i32
    %add3A_262 = arith.addi %mul3A_26, %add3A_261 : i32
    %get3A_263 = arith.index_cast %add3A_262 : i32 to index
    %get3A_264 = tpu.vector_load %arg8[%get3A_263] {strides = array<i32>} : memref<10496xi32, #tpu.memory_space<vmem>>, vector<16xi32>,
    %jit3A_265 = arith.constant 0 : i32
    %broadcast_in_dim3A_266 = vector.broadcast %jit3A_265 : i32 to vector<16xi32>
    %select_n3A_267 = arith.select %ge3A_260, %broadcast_in_dim3A_266, %get3A_264 : vector<16xi1>, vector<16xi32>
    %add3A_268 = arith.constant 128 : i32
    %add3A_269 = arith.addi %mul3A_26, %add3A_268 : i32
    %swap3A_270 = arith.index_cast %add3A_269 : i32 to index
    %swap3A_271 = tpu.vector_load %arg8[%swap3A_270] {strides = array<i32>} : memref<10496xi32, #tpu.memory_space<vmem>>, vector<16xi32>,
    tpu.vector_store %arg8[%swap3A_270], %select_n3A_267 {strides = array<i32>} : memref<10496xi32, #tpu.memory_space<vmem>>, vector<16xi32>,
    %add3A_272 = arith.constant 128 : i32
    %add3A_273 = arith.addi %mul3A_26, %add3A_272 : i32
    %get3A_274 = arith.index_cast %add3A_273 : i32 to index
    %get3A_275 = tpu.vector_load %arg10[%get3A_274] {strides = array<i32>} : memref<10496xi32, #tpu.memory_space<vmem>>, vector<16xi32>,
    %jit3A_276 = arith.constant 64 : i32
    %broadcast_in_dim3A_277 = vector.broadcast %jit3A_276 : i32 to vector<16xi32>
    %select_n3A_278 = arith.select %ge3A_260, %broadcast_in_dim3A_277, %get3A_275 : vector<16xi1>, vector<16xi32>
    %add3A_279 = arith.constant 128 : i32
    %add3A_280 = arith.addi %mul3A_26, %add3A_279 : i32
    %swap3A_281 = arith.index_cast %add3A_280 : i32 to index
    %swap3A_282 = tpu.vector_load %arg10[%swap3A_281] {strides = array<i32>} : memref<10496xi32, #tpu.memory_space<vmem>>, vector<16xi32>,
    tpu.vector_store %arg10[%swap3A_281], %select_n3A_278 {strides = array<i32>} : memref<10496xi32, #tpu.memory_space<vmem>>, vector<16xi32>,
    %add3A_283 = arith.constant 128 : i32
    %add3A_284 = arith.addi %scan3A_7, %add3A_283 : i32
    %sub3A_285 = arith.constant 1 : i32
    %sub3A_286 = arith.subi %add3A_284, %sub3A_285 : i32
    %jit3A_287 = arith.constant 128 : i32
    %div3A_288 = arith.divsi %sub3A_286, %jit3A_287 : i32
    %sign3A_289 = arith.constant 0 : i32
    %sign3A_290 = arith.cmpi sgt, %sub3A_286, %sign3A_289 : i32
    %sign3A_291 = arith.extui %sign3A_290 : i1 to i32
    %sign3A_292 = arith.constant 0 : i32
    %sign3A_293 = arith.cmpi slt, %sub3A_286, %sign3A_292 : i32
    %sign3A_294 = arith.extui %sign3A_293 : i1 to i32
    %sign3A_295 = arith.subi %sign3A_291, %sign3A_294 : i32
    %sign3A_296 = arith.constant 0 : i32
    %sign3A_297 = arith.cmpi sgt, %jit3A_287, %sign3A_296 : i32
    %sign3A_298 = arith.extui %sign3A_297 : i1 to i32
    %sign3A_299 = arith.constant 0 : i32
    %sign3A_300 = arith.cmpi slt, %jit3A_287, %sign3A_299 : i32
    %sign3A_301 = arith.extui %sign3A_300 : i1 to i32
    %sign3A_302 = arith.subi %sign3A_298, %sign3A_301 : i32
    %ne3A_303 = arith.cmpi ne, %sign3A_295, %sign3A_302 : i32
    %rem3A_304 = arith.remsi %sub3A_286, %jit3A_287 : i32
    %ne3A_305 = arith.constant 0 : i32
    %ne3A_306 = arith.cmpi ne, %rem3A_304, %ne3A_305 : i32
    %and3A_307 = arith.andi %ne3A_303, %ne3A_306 : i1
    %sub3A_308 = arith.constant 1 : i32
    %sub3A_309 = arith.subi %div3A_288, %sub3A_308 : i32
    %select_n3A_310 = arith.select %and3A_307, %sub3A_309, %div3A_288 : i32
    %while3A = arith.constant 0 : i32
    %while3A_311 = arith.constant 0 : i32
    %while3A_312 = arith.subi %select_n3A_310, %while3A_311 : i32
    %while3A_313 = arith.addi %while3A_311, %while3A_312 : i32
    %while3A_314 = arith.constant 1 : i32
    %while3A_315 = arith.divsi %while3A_312, %while3A_314 : i32
    %while3A_316 = arith.muli %while3A_315, %while3A_314 : i32
    %while3A_317 = arith.addi %while3A_311, %while3A_316 : i32
    %while3A_318 = arith.constant 1 : i32
    scf.for %while3A_326 = %while3A_311 to %while3A_317 step %while3A_318  : i32 {
      %mul3A_327 = arith.constant 128 : i32
      %mul3A_328 = arith.muli %while3A_326, %mul3A_327 : i32
      %add3A_329 = arith.constant 0 : i32
      %add3A_330 = arith.addi %mul3A_328, %add3A_329 : i32
      %get3A_331 = arith.index_cast %add3A_330 : i32 to index
      %get3A_332 = tpu.vector_load %arg10[%get3A_331] {strides = array<i32>} : memref<10496xi32, #tpu.memory_space<vmem>>, vector<16xi32>,
      %swap3A_333 = arith.constant 0 : index
      %swap3A_334 = tpu.vector_load %arg12[%swap3A_333] {strides = array<i32>} : memref<128xi32, #tpu.memory_space<vmem>>, vector<16xi32>,
      tpu.vector_store %arg12[%swap3A_333], %get3A_332 {strides = array<i32>} : memref<128xi32, #tpu.memory_space<vmem>>, vector<16xi32>,
      %mul3A_335 = arith.constant 128 : i32
      %mul3A_336 = arith.muli %while3A_326, %mul3A_335 : i32
      %add3A_337 = arith.constant 16 : i32
      %add3A_338 = arith.addi %mul3A_336, %add3A_337 : i32
      %get3A_339 = arith.index_cast %add3A_338 : i32 to index
      %get3A_340 = tpu.vector_load %arg10[%get3A_339] {strides = array<i32>} : memref<10496xi32, #tpu.memory_space<vmem>>, vector<16xi32>,
      %swap3A_341 = arith.constant 16 : index
      %swap3A_342 = tpu.vector_load %arg12[%swap3A_341] {strides = array<i32>} : memref<128xi32, #tpu.memory_space<vmem>>, vector<16xi32>,
      tpu.vector_store %arg12[%swap3A_341], %get3A_340 {strides = array<i32>} : memref<128xi32, #tpu.memory_space<vmem>>, vector<16xi32>,
      %mul3A_343 = arith.constant 128 : i32
      %mul3A_344 = arith.muli %while3A_326, %mul3A_343 : i32
      %add3A_345 = arith.constant 32 : i32
      %add3A_346 = arith.addi %mul3A_344, %add3A_345 : i32
      %get3A_347 = arith.index_cast %add3A_346 : i32 to index
      %get3A_348 = tpu.vector_load %arg10[%get3A_347] {strides = array<i32>} : memref<10496xi32, #tpu.memory_space<vmem>>, vector<16xi32>,
      %swap3A_349 = arith.constant 32 : index
      %swap3A_350 = tpu.vector_load %arg12[%swap3A_349] {strides = array<i32>} : memref<128xi32, #tpu.memory_space<vmem>>, vector<16xi32>,
      tpu.vector_store %arg12[%swap3A_349], %get3A_348 {strides = array<i32>} : memref<128xi32, #tpu.memory_space<vmem>>, vector<16xi32>,
      %mul3A_351 = arith.constant 128 : i32
      %mul3A_352 = arith.muli %while3A_326, %mul3A_351 : i32
      %add3A_353 = arith.constant 48 : i32
      %add3A_354 = arith.addi %mul3A_352, %add3A_353 : i32
      %get3A_355 = arith.index_cast %add3A_354 : i32 to index
      %get3A_356 = tpu.vector_load %arg10[%get3A_355] {strides = array<i32>} : memref<10496xi32, #tpu.memory_space<vmem>>, vector<16xi32>,
      %swap3A_357 = arith.constant 48 : index
      %swap3A_358 = tpu.vector_load %arg12[%swap3A_357] {strides = array<i32>} : memref<128xi32, #tpu.memory_space<vmem>>, vector<16xi32>,
      tpu.vector_store %arg12[%swap3A_357], %get3A_356 {strides = array<i32>} : memref<128xi32, #tpu.memory_space<vmem>>, vector<16xi32>,
      %mul3A_359 = arith.constant 128 : i32
      %mul3A_360 = arith.muli %while3A_326, %mul3A_359 : i32
      %add3A_361 = arith.constant 64 : i32
      %add3A_362 = arith.addi %mul3A_360, %add3A_361 : i32
      %get3A_363 = arith.index_cast %add3A_362 : i32 to index
      %get3A_364 = tpu.vector_load %arg10[%get3A_363] {strides = array<i32>} : memref<10496xi32, #tpu.memory_space<vmem>>, vector<16xi32>,
      %swap3A_365 = arith.constant 64 : index
      %swap3A_366 = tpu.vector_load %arg12[%swap3A_365] {strides = array<i32>} : memref<128xi32, #tpu.memory_space<vmem>>, vector<16xi32>,
      tpu.vector_store %arg12[%swap3A_365], %get3A_364 {strides = array<i32>} : memref<128xi32, #tpu.memory_space<vmem>>, vector<16xi32>,
      %mul3A_367 = arith.constant 128 : i32
      %mul3A_368 = arith.muli %while3A_326, %mul3A_367 : i32
      %add3A_369 = arith.constant 80 : i32
      %add3A_370 = arith.addi %mul3A_368, %add3A_369 : i32
      %get3A_371 = arith.index_cast %add3A_370 : i32 to index
      %get3A_372 = tpu.vector_load %arg10[%get3A_371] {strides = array<i32>} : memref<10496xi32, #tpu.memory_space<vmem>>, vector<16xi32>,
      %swap3A_373 = arith.constant 80 : index
      %swap3A_374 = tpu.vector_load %arg12[%swap3A_373] {strides = array<i32>} : memref<128xi32, #tpu.memory_space<vmem>>, vector<16xi32>,
      tpu.vector_store %arg12[%swap3A_373], %get3A_372 {strides = array<i32>} : memref<128xi32, #tpu.memory_space<vmem>>, vector<16xi32>,
      %mul3A_375 = arith.constant 128 : i32
      %mul3A_376 = arith.muli %while3A_326, %mul3A_375 : i32
      %add3A_377 = arith.constant 96 : i32
      %add3A_378 = arith.addi %mul3A_376, %add3A_377 : i32
      %get3A_379 = arith.index_cast %add3A_378 : i32 to index
      %get3A_380 = tpu.vector_load %arg10[%get3A_379] {strides = array<i32>} : memref<10496xi32, #tpu.memory_space<vmem>>, vector<16xi32>,
      %swap3A_381 = arith.constant 96 : index
      %swap3A_382 = tpu.vector_load %arg12[%swap3A_381] {strides = array<i32>} : memref<128xi32, #tpu.memory_space<vmem>>, vector<16xi32>,
      tpu.vector_store %arg12[%swap3A_381], %get3A_380 {strides = array<i32>} : memref<128xi32, #tpu.memory_space<vmem>>, vector<16xi32>,
      %mul3A_383 = arith.constant 128 : i32
      %mul3A_384 = arith.muli %while3A_326, %mul3A_383 : i32
      %add3A_385 = arith.constant 112 : i32
      %add3A_386 = arith.addi %mul3A_384, %add3A_385 : i32
      %get3A_387 = arith.index_cast %add3A_386 : i32 to index
      %get3A_388 = tpu.vector_load %arg10[%get3A_387] {strides = array<i32>} : memref<10496xi32, #tpu.memory_space<vmem>>, vector<16xi32>,
      %swap3A_389 = arith.constant 112 : index
      %swap3A_390 = tpu.vector_load %arg12[%swap3A_389] {strides = array<i32>} : memref<128xi32, #tpu.memory_space<vmem>>, vector<16xi32>,
      tpu.vector_store %arg12[%swap3A_389], %get3A_388 {strides = array<i32>} : memref<128xi32, #tpu.memory_space<vmem>>, vector<16xi32>,
      %mul3A_391 = arith.constant 128 : i32
      %mul3A_392 = arith.muli %while3A_326, %mul3A_391 : i32
      %dma_start3A = tpu.memref_slice %arg8[%mul3A_392] : memref<10496xi32, #tpu.memory_space<vmem>> -> memref<128xi32, #tpu.memory_space<vmem>>
      %dma_start3A_393 = arith.constant 0 : i32
      %dma_start3A_394 = arith.constant 0 : i32
      %dma_start3A_395 = tpu.memref_slice %arg2[%dma_start3A_393, %dma_start3A_394] : memref<10240x128xf32, #tpu.memory_space<hbm>> -> memref<10240x128xf32, #tpu.memory_space<hbm>>
      tpu.enqueue_indirect_dma source(%dma_start3A_395 : memref<10240x128xf32, #tpu.memory_space<hbm>>) target(%arg13 : memref<128x128xf32, #tpu.memory_space<vmem>>) offsets(%dma_start3A : memref<128xi32, #tpu.memory_space<vmem>>) semaphore(%arg14 : memref<!tpu.dma_semaphore, #tpu.memory_space<semaphore_mem>>)
      %dma_wait3A = tpu.memref_slice %arg8[%mul3A_392] : memref<10496xi32, #tpu.memory_space<vmem>> -> memref<128xi32, #tpu.memory_space<vmem>>
      %dma_wait3A_396 = arith.constant 0 : i32
      %dma_wait3A_397 = arith.constant 0 : i32
      %dma_wait3A_398 = tpu.memref_slice %arg2[%dma_wait3A_396, %dma_wait3A_397] : memref<10240x128xf32, #tpu.memory_space<hbm>> -> memref<10240x128xf32, #tpu.memory_space<hbm>>
      tpu.wait_indirect_dma semaphore(%arg14 : memref<!tpu.dma_semaphore, #tpu.memory_space<semaphore_mem>>) src(%dma_wait3A_398 : memref<10240x128xf32, #tpu.memory_space<hbm>>) dst(%arg13 : memref<128x128xf32, #tpu.memory_space<vmem>>)
      "tpu.region"() ({
        %run_scoped3A = tpu.sem_alloc : memref<!tpu.dma_semaphore, #tpu.memory_space<semaphore_mem>>
        %dma_start3A_399 = arith.constant 0 : i32
        %dma_start3A_400 = arith.constant 0 : i32
        %dma_start3A_401 = tpu.memref_slice %arg15[%dma_start3A_399, %dma_start3A_400] : memref<128x128xf32, #tpu.memory_space<vmem_shared>> -> memref<128x128xf32, #tpu.memory_space<vmem_shared>>
        tpu.enqueue_indirect_dma source(%arg13 : memref<128x128xf32, #tpu.memory_space<vmem>>) target(%dma_start3A_401 : memref<128x128xf32, #tpu.memory_space<vmem_shared>>) offsets(%arg12 : memref<128xi32, #tpu.memory_space<vmem>>) semaphore(%run_scoped3A : memref<!tpu.dma_semaphore, #tpu.memory_space<semaphore_mem>>) {add = true}
        %dma_wait3A_402 = arith.constant 0 : i32
        %dma_wait3A_403 = arith.constant 0 : i32
        %dma_wait3A_404 = tpu.memref_slice %arg15[%dma_wait3A_402, %dma_wait3A_403] : memref<128x128xf32, #tpu.memory_space<vmem_shared>> -> memref<128x128xf32, #tpu.memory_space<vmem_shared>>
        tpu.wait_indirect_dma semaphore(%run_scoped3A : memref<!tpu.dma_semaphore, #tpu.memory_space<semaphore_mem>>) src(%arg13 : memref<128x128xf32, #tpu.memory_space<vmem>>) dst(%dma_wait3A_404 : memref<128x128xf32, #tpu.memory_space<vmem_shared>>)
        tpu.yield
      }) : () -> ()
    }
    %while3A_319 = arith.constant 1 : i32
    scf.for %while3A_326 = %while3A_317 to %while3A_313 step %while3A_319  : i32 {
      %mul3A_327 = arith.constant 128 : i32
      %mul3A_328 = arith.muli %while3A_326, %mul3A_327 : i32
      %add3A_329 = arith.constant 0 : i32
      %add3A_330 = arith.addi %mul3A_328, %add3A_329 : i32
      %get3A_331 = arith.index_cast %add3A_330 : i32 to index
      %get3A_332 = tpu.vector_load %arg10[%get3A_331] {strides = array<i32>} : memref<10496xi32, #tpu.memory_space<vmem>>, vector<16xi32>,
      %swap3A_333 = arith.constant 0 : index
      %swap3A_334 = tpu.vector_load %arg12[%swap3A_333] {strides = array<i32>} : memref<128xi32, #tpu.memory_space<vmem>>, vector<16xi32>,
      tpu.vector_store %arg12[%swap3A_333], %get3A_332 {strides = array<i32>} : memref<128xi32, #tpu.memory_space<vmem>>, vector<16xi32>,
      %mul3A_335 = arith.constant 128 : i32
      %mul3A_336 = arith.muli %while3A_326, %mul3A_335 : i32
      %add3A_337 = arith.constant 16 : i32
      %add3A_338 = arith.addi %mul3A_336, %add3A_337 : i32
      %get3A_339 = arith.index_cast %add3A_338 : i32 to index
      %get3A_340 = tpu.vector_load %arg10[%get3A_339] {strides = array<i32>} : memref<10496xi32, #tpu.memory_space<vmem>>, vector<16xi32>,
      %swap3A_341 = arith.constant 16 : index
      %swap3A_342 = tpu.vector_load %arg12[%swap3A_341] {strides = array<i32>} : memref<128xi32, #tpu.memory_space<vmem>>, vector<16xi32>,
      tpu.vector_store %arg12[%swap3A_341], %get3A_340 {strides = array<i32>} : memref<128xi32, #tpu.memory_space<vmem>>, vector<16xi32>,
      %mul3A_343 = arith.constant 128 : i32
      %mul3A_344 = arith.muli %while3A_326, %mul3A_343 : i32
      %add3A_345 = arith.constant 32 : i32
      %add3A_346 = arith.addi %mul3A_344, %add3A_345 : i32
      %get3A_347 = arith.index_cast %add3A_346 : i32 to index
      %get3A_348 = tpu.vector_load %arg10[%get3A_347] {strides = array<i32>} : memref<10496xi32, #tpu.memory_space<vmem>>, vector<16xi32>,
      %swap3A_349 = arith.constant 32 : index
      %swap3A_350 = tpu.vector_load %arg12[%swap3A_349] {strides = array<i32>} : memref<128xi32, #tpu.memory_space<vmem>>, vector<16xi32>,
      tpu.vector_store %arg12[%swap3A_349], %get3A_348 {strides = array<i32>} : memref<128xi32, #tpu.memory_space<vmem>>, vector<16xi32>,
      %mul3A_351 = arith.constant 128 : i32
      %mul3A_352 = arith.muli %while3A_326, %mul3A_351 : i32
      %add3A_353 = arith.constant 48 : i32
      %add3A_354 = arith.addi %mul3A_352, %add3A_353 : i32
      %get3A_355 = arith.index_cast %add3A_354 : i32 to index
      %get3A_356 = tpu.vector_load %arg10[%get3A_355] {strides = array<i32>} : memref<10496xi32, #tpu.memory_space<vmem>>, vector<16xi32>,
      %swap3A_357 = arith.constant 48 : index
      %swap3A_358 = tpu.vector_load %arg12[%swap3A_357] {strides = array<i32>} : memref<128xi32, #tpu.memory_space<vmem>>, vector<16xi32>,
      tpu.vector_store %arg12[%swap3A_357], %get3A_356 {strides = array<i32>} : memref<128xi32, #tpu.memory_space<vmem>>, vector<16xi32>,
      %mul3A_359 = arith.constant 128 : i32
      %mul3A_360 = arith.muli %while3A_326, %mul3A_359 : i32
      %add3A_361 = arith.constant 64 : i32
      %add3A_362 = arith.addi %mul3A_360, %add3A_361 : i32
      %get3A_363 = arith.index_cast %add3A_362 : i32 to index
      %get3A_364 = tpu.vector_load %arg10[%get3A_363] {strides = array<i32>} : memref<10496xi32, #tpu.memory_space<vmem>>, vector<16xi32>,
      %swap3A_365 = arith.constant 64 : index
      %swap3A_366 = tpu.vector_load %arg12[%swap3A_365] {strides = array<i32>} : memref<128xi32, #tpu.memory_space<vmem>>, vector<16xi32>,
      tpu.vector_store %arg12[%swap3A_365], %get3A_364 {strides = array<i32>} : memref<128xi32, #tpu.memory_space<vmem>>, vector<16xi32>,
      %mul3A_367 = arith.constant 128 : i32
      %mul3A_368 = arith.muli %while3A_326, %mul3A_367 : i32
      %add3A_369 = arith.constant 80 : i32
      %add3A_370 = arith.addi %mul3A_368, %add3A_369 : i32
      %get3A_371 = arith.index_cast %add3A_370 : i32 to index
      %get3A_372 = tpu.vector_load %arg10[%get3A_371] {strides = array<i32>} : memref<10496xi32, #tpu.memory_space<vmem>>, vector<16xi32>,
      %swap3A_373 = arith.constant 80 : index
      %swap3A_374 = tpu.vector_load %arg12[%swap3A_373] {strides = array<i32>} : memref<128xi32, #tpu.memory_space<vmem>>, vector<16xi32>,
      tpu.vector_store %arg12[%swap3A_373], %get3A_372 {strides = array<i32>} : memref<128xi32, #tpu.memory_space<vmem>>, vector<16xi32>,
      %mul3A_375 = arith.constant 128 : i32
      %mul3A_376 = arith.muli %while3A_326, %mul3A_375 : i32
      %add3A_377 = arith.constant 96 : i32
      %add3A_378 = arith.addi %mul3A_376, %add3A_377 : i32
      %get3A_379 = arith.index_cast %add3A_378 : i32 to index
      %get3A_380 = tpu.vector_load %arg10[%get3A_379] {strides = array<i32>} : memref<10496xi32, #tpu.memory_space<vmem>>, vector<16xi32>,
      %swap3A_381 = arith.constant 96 : index
      %swap3A_382 = tpu.vector_load %arg12[%swap3A_381] {strides = array<i32>} : memref<128xi32, #tpu.memory_space<vmem>>, vector<16xi32>,
      tpu.vector_store %arg12[%swap3A_381], %get3A_380 {strides = array<i32>} : memref<128xi32, #tpu.memory_space<vmem>>, vector<16xi32>,
      %mul3A_383 = arith.constant 128 : i32
      %mul3A_384 = arith.muli %while3A_326, %mul3A_383 : i32
      %add3A_385 = arith.constant 112 : i32
      %add3A_386 = arith.addi %mul3A_384, %add3A_385 : i32
      %get3A_387 = arith.index_cast %add3A_386 : i32 to index
      %get3A_388 = tpu.vector_load %arg10[%get3A_387] {strides = array<i32>} : memref<10496xi32, #tpu.memory_space<vmem>>, vector<16xi32>,
      %swap3A_389 = arith.constant 112 : index
      %swap3A_390 = tpu.vector_load %arg12[%swap3A_389] {strides = array<i32>} : memref<128xi32, #tpu.memory_space<vmem>>, vector<16xi32>,
      tpu.vector_store %arg12[%swap3A_389], %get3A_388 {strides = array<i32>} : memref<128xi32, #tpu.memory_space<vmem>>, vector<16xi32>,
      %mul3A_391 = arith.constant 128 : i32
      %mul3A_392 = arith.muli %while3A_326, %mul3A_391 : i32
      %dma_start3A = tpu.memref_slice %arg8[%mul3A_392] : memref<10496xi32, #tpu.memory_space<vmem>> -> memref<128xi32, #tpu.memory_space<vmem>>
      %dma_start3A_393 = arith.constant 0 : i32
      %dma_start3A_394 = arith.constant 0 : i32
      %dma_start3A_395 = tpu.memref_slice %arg2[%dma_start3A_393, %dma_start3A_394] : memref<10240x128xf32, #tpu.memory_space<hbm>> -> memref<10240x128xf32, #tpu.memory_space<hbm>>
      tpu.enqueue_indirect_dma source(%dma_start3A_395 : memref<10240x128xf32, #tpu.memory_space<hbm>>) target(%arg13 : memref<128x128xf32, #tpu.memory_space<vmem>>) offsets(%dma_start3A : memref<128xi32, #tpu.memory_space<vmem>>) semaphore(%arg14 : memref<!tpu.dma_semaphore, #tpu.memory_space<semaphore_mem>>)
      %dma_wait3A = tpu.memref_slice %arg8[%mul3A_392] : memref<10496xi32, #tpu.memory_space<vmem>> -> memref<128xi32, #tpu.memory_space<vmem>>
      %dma_wait3A_396 = arith.constant 0 : i32
      %dma_wait3A_397 = arith.constant 0 : i32
      %dma_wait3A_398 = tpu.memref_slice %arg2[%dma_wait3A_396, %dma_wait3A_397] : memref<10240x128xf32, #tpu.memory_space<hbm>> -> memref<10240x128xf32, #tpu.memory_space<hbm>>
      tpu.wait_indirect_dma semaphore(%arg14 : memref<!tpu.dma_semaphore, #tpu.memory_space<semaphore_mem>>) src(%dma_wait3A_398 : memref<10240x128xf32, #tpu.memory_space<hbm>>) dst(%arg13 : memref<128x128xf32, #tpu.memory_space<vmem>>)
      "tpu.region"() ({
        %run_scoped3A = tpu.sem_alloc : memref<!tpu.dma_semaphore, #tpu.memory_space<semaphore_mem>>
        %dma_start3A_399 = arith.constant 0 : i32
        %dma_start3A_400 = arith.constant 0 : i32
        %dma_start3A_401 = tpu.memref_slice %arg15[%dma_start3A_399, %dma_start3A_400] : memref<128x128xf32, #tpu.memory_space<vmem_shared>> -> memref<128x128xf32, #tpu.memory_space<vmem_shared>>
        tpu.enqueue_indirect_dma source(%arg13 : memref<128x128xf32, #tpu.memory_space<vmem>>) target(%dma_start3A_401 : memref<128x128xf32, #tpu.memory_space<vmem_shared>>) offsets(%arg12 : memref<128xi32, #tpu.memory_space<vmem>>) semaphore(%run_scoped3A : memref<!tpu.dma_semaphore, #tpu.memory_space<semaphore_mem>>) {add = true}
        %dma_wait3A_402 = arith.constant 0 : i32
        %dma_wait3A_403 = arith.constant 0 : i32
        %dma_wait3A_404 = tpu.memref_slice %arg15[%dma_wait3A_402, %dma_wait3A_403] : memref<128x128xf32, #tpu.memory_space<vmem_shared>> -> memref<128x128xf32, #tpu.memory_space<vmem_shared>>
        tpu.wait_indirect_dma semaphore(%run_scoped3A : memref<!tpu.dma_semaphore, #tpu.memory_space<semaphore_mem>>) src(%arg13 : memref<128x128xf32, #tpu.memory_space<vmem>>) dst(%dma_wait3A_404 : memref<128x128xf32, #tpu.memory_space<vmem_shared>>)
        tpu.yield
      }) : () -> ()
    }
    %barrier3A_320 = arith.constant 0 : index
    tpu.barrier barrier_id(%barrier3A_320)
    %eq3A_321 = arith.constant 0 : i32
    %eq3A_322 = arith.cmpi eq, %arg1, %eq3A_321 : i32
    %convert_element_type3A_323 = arith.extui %eq3A_322 : i1 to i32
    %cond3A_324 = arith.constant 0 : i32
    %cond3A_325 = arith.cmpi ne, %convert_element_type3A_323, %cond3A_324 : i32
    scf.if %cond3A_325 {
      "tpu.region"() ({
        %run_scoped3A = tpu.sem_alloc : memref<!tpu.dma_semaphore, #tpu.memory_space<semaphore_mem>>
        %dma_start3A = arith.constant 0 : i32
        %dma_start3A_326 = arith.constant 0 : i32
        %dma_start3A_327 = tpu.memref_slice %arg7[%arg0, %dma_start3A, %dma_start3A_326] : memref<2x128x128xf32, #tpu.memory_space<hbm>> -> memref<1x128x128xf32, #tpu.memory_space<hbm>>
        %dma_start3A_328 = tpu.memref_squeeze %dma_start3A_327 : memref<1x128x128xf32, #tpu.memory_space<hbm>> -> memref<128x128xf32, #tpu.memory_space<hbm>>
        tpu.enqueue_dma source(%arg15 : memref<128x128xf32, #tpu.memory_space<vmem_shared>>) target(%dma_start3A_328 : memref<128x128xf32, #tpu.memory_space<hbm>>) target_semaphore(%run_scoped3A : memref<!tpu.dma_semaphore, #tpu.memory_space<semaphore_mem>>)
        %dma_wait3A = arith.constant 0 : i32
        %dma_wait3A_329 = arith.constant 0 : i32
        %dma_wait3A_330 = tpu.memref_slice %arg7[%arg0, %dma_wait3A, %dma_wait3A_329] : memref<2x128x128xf32, #tpu.memory_space<hbm>> -> memref<1x128x128xf32, #tpu.memory_space<hbm>>
        %dma_wait3A_331 = tpu.memref_squeeze %dma_wait3A_330 : memref<1x128x128xf32, #tpu.memory_space<hbm>> -> memref<128x128xf32, #tpu.memory_space<hbm>>
        tpu.wait_dma2 semaphore(%run_scoped3A : memref<!tpu.dma_semaphore, #tpu.memory_space<semaphore_mem>>) src(%arg15 : memref<128x128xf32, #tpu.memory_space<vmem_shared>>) dst(%dma_wait3A_331 : memref<128x128xf32, #tpu.memory_space<hbm>>)
        tpu.yield
      }) : () -> ()
    } else {
    }
    return
  }
}

module attributes {stable_mosaic.version = 14 : i64} {
  func.func @_firsts_body(%arg0: i32, %arg1: memref<10240x1xi32, #tpu.memory_space<vmem>>, %arg2: memref<1x64xi32, #tpu.memory_space<vmem>>, %arg3: memref<10240x1xi32, #tpu.memory_space<vmem>>, %arg4: memref<10240x1xf32, #tpu.memory_space<vmem>>) attributes {dimension_semantics = [#tpu.dimension_semantics<arbitrary>], iteration_bounds = array<i64: 1>, scalar_prefetch = 0 : i64, scratch_operands = 0 : i64, tpu.core_type = #tpu.core_type<tc>, window_params = [{pipeline_mode = #tpu.pipeline_mode<synchronous>, transform_indices = @transform_0, window_bounds = array<i64: 10240, 1>}, {pipeline_mode = #tpu.pipeline_mode<synchronous>, transform_indices = @transform_1, window_bounds = array<i64: 1, 64>}, {pipeline_mode = #tpu.pipeline_mode<synchronous>, transform_indices = @transform_2, window_bounds = array<i64: 10240, 1>}, {pipeline_mode = #tpu.pipeline_mode<synchronous>, transform_indices = @transform_3, window_bounds = array<i64: 10240, 1>}]} {
    %iota3A = tpu.iota {dimensions = array<i32: 1>} : vector<1x64xi32>
    %get3A = arith.constant 0 : index
    %get3A_0 = arith.constant 0 : index
    %get3A_1 = vector.load %arg1[%get3A, %get3A_0] : memref<10240x1xi32, #tpu.memory_space<vmem>>, vector<10240x1xi32>
    %lt3A = vector.broadcast %get3A_1 : vector<10240x1xi32> to vector<10240x64xi32>
    %lt3A_2 = vector.broadcast %iota3A : vector<1x64xi32> to vector<10240x64xi32>
    %lt3A_3 = arith.cmpi slt, %lt3A, %lt3A_2 : vector<10240x64xi32>
    %convert_element_type3A = arith.extui %lt3A_3 : vector<10240x64xi1> to vector<10240x64xi32>
    %reduce_sum3A = arith.constant dense<0> : vector<64xi32>
    %reduce_sum3A_4 = vector.multi_reduction <add>, %convert_element_type3A, %reduce_sum3A [0] : vector<10240x64xi32> to vector<64xi32>
    %broadcast_in_dim3A = vector.shape_cast %reduce_sum3A_4 : vector<64xi32> to vector<1x64xi32>
    %min3A = arith.constant 9999 : i32
    %min3A_5 = vector.broadcast %min3A : i32 to vector<1x64xi32>
    %min3A_6 = arith.minsi %broadcast_in_dim3A, %min3A_5 : vector<1x64xi32>
    %swap3A = arith.constant 0 : index
    %swap3A_7 = arith.constant 0 : index
    %swap3A_8 = vector.load %arg2[%swap3A, %swap3A_7] : memref<1x64xi32, #tpu.memory_space<vmem>>, vector<1x64xi32>
    tpu.vector_store %arg2[%swap3A, %swap3A_7], %min3A_6 {strides = array<i32>} : memref<1x64xi32, #tpu.memory_space<vmem>>, vector<1x64xi32>,
    %iota3A_9 = tpu.iota {dimensions = array<i32: 0>} : vector<10240x1xi32>
    %eq3A = vector.broadcast %iota3A_9 : vector<10240x1xi32> to vector<10240x64xi32>
    %eq3A_10 = vector.broadcast %min3A_6 : vector<1x64xi32> to vector<10240x64xi32>
    %eq3A_11 = arith.cmpi eq, %eq3A, %eq3A_10 : vector<10240x64xi32>
    %jit3A = arith.constant 64 : i32
    %broadcast_in_dim3A_12 = vector.shape_cast %iota3A : vector<1x64xi32> to vector<1x64xi32>
    %broadcast_in_dim3A_13 = vector.broadcast %broadcast_in_dim3A_12 : vector<1x64xi32> to vector<10240x64xi32>
    %broadcast_in_dim3A_14 = vector.broadcast %jit3A : i32 to vector<10240x64xi32>
    %select_n3A = arith.select %eq3A_11, %broadcast_in_dim3A_13, %broadcast_in_dim3A_14 : vector<10240x64xi1>, vector<10240x64xi32>
    %reduce_min3A = arith.constant dense<2147483647> : vector<10240xi32>
    %reduce_min3A_15 = vector.multi_reduction <minsi>, %select_n3A, %reduce_min3A [1] : vector<10240x64xi32> to vector<10240xi32>
    %broadcast_in_dim3A_16 = vector.shape_cast %reduce_min3A_15 : vector<10240xi32> to vector<10240x1xi32>
    %eq3A_17 = arith.constant 64 : i32
    %eq3A_18 = vector.broadcast %eq3A_17 : i32 to vector<10240x1xi32>
    %eq3A_19 = arith.cmpi eq, %broadcast_in_dim3A_16, %eq3A_18 : vector<10240x1xi32>
    %jit3A_20 = arith.constant -1 : i32
    %broadcast_in_dim3A_21 = vector.broadcast %jit3A_20 : i32 to vector<10240x1xi32>
    %select_n3A_22 = arith.select %eq3A_19, %broadcast_in_dim3A_21, %broadcast_in_dim3A_16 : vector<10240x1xi1>, vector<10240x1xi32>
    %swap3A_23 = arith.constant 0 : index
    %swap3A_24 = arith.constant 0 : index
    %swap3A_25 = vector.load %arg3[%swap3A_23, %swap3A_24] : memref<10240x1xi32, #tpu.memory_space<vmem>>, vector<10240x1xi32>
    tpu.vector_store %arg3[%swap3A_23, %swap3A_24], %select_n3A_22 {strides = array<i32>} : memref<10240x1xi32, #tpu.memory_space<vmem>>, vector<10240x1xi32>,
    %convert_element_type3A_26 = arith.sitofp %select_n3A_22 : vector<10240x1xi32> to vector<10240x1xf32>
    %swap3A_27 = arith.constant 0 : index
    %swap3A_28 = arith.constant 0 : index
    %swap3A_29 = vector.load %arg4[%swap3A_27, %swap3A_28] : memref<10240x1xf32, #tpu.memory_space<vmem>>, vector<10240x1xf32>
    tpu.vector_store %arg4[%swap3A_27, %swap3A_28], %convert_element_type3A_26 {strides = array<i32>} : memref<10240x1xf32, #tpu.memory_space<vmem>>, vector<10240x1xf32>,
    return
  }
  func.func @transform_0(%arg0: i32) -> (i32, i32) {
    %c0_i32 = arith.constant 0 : i32
    %c0_i32_0 = arith.constant 0 : i32
    %c0_i32_1 = arith.constant 0 : i32
    return %c0_i32, %c0_i32_0 : i32, i32
  }
  func.func @transform_1(%arg0: i32) -> (i32, i32) {
    %c0_i32 = arith.constant 0 : i32
    %c0_i32_0 = arith.constant 0 : i32
    %c0_i32_1 = arith.constant 0 : i32
    return %c0_i32, %c0_i32_0 : i32, i32
  }
  func.func @transform_2(%arg0: i32) -> (i32, i32) {
    %c0_i32 = arith.constant 0 : i32
    %c0_i32_0 = arith.constant 0 : i32
    %c0_i32_1 = arith.constant 0 : i32
    return %c0_i32, %c0_i32_0 : i32, i32
  }
  func.func @transform_3(%arg0: i32) -> (i32, i32) {
    %c0_i32 = arith.constant 0 : i32
    %c0_i32_0 = arith.constant 0 : i32
    %c0_i32_1 = arith.constant 0 : i32
    return %c0_i32, %c0_i32_0 : i32, i32
  }
}

module attributes {stable_mosaic.version = 14 : i64} {
  func.func @_tc1_body(%arg0: i32, %arg1: memref<1024x128xf32, #tpu.memory_space<vmem>>, %arg2: memref<1024x128xf32, #tpu.memory_space<vmem>>, %arg3: memref<1024x1xf32, #tpu.memory_space<vmem>>, %arg4: memref<1024x1xf32, #tpu.memory_space<vmem>>, %arg5: memref<1024x128xf32, #tpu.memory_space<vmem>>, %arg6: memref<128x128xf32, #tpu.memory_space<vmem>>, %arg7: memref<1x128xf32, #tpu.memory_space<vmem>>, %arg8: memref<128x128xf32, #tpu.memory_space<vmem>>, %arg9: memref<1024x128xf32, #tpu.memory_space<vmem>>) attributes {dimension_semantics = [#tpu.dimension_semantics<arbitrary>], iteration_bounds = array<i64: 10>, scalar_prefetch = 0 : i64, scratch_operands = 0 : i64, tpu.core_type = #tpu.core_type<tc>, window_params = [{transform_indices = @transform_0, window_bounds = array<i64: 1024, 128>}, {transform_indices = @transform_1, window_bounds = array<i64: 1024, 128>}, {transform_indices = @transform_2, window_bounds = array<i64: 1024, 1>}, {transform_indices = @transform_3, window_bounds = array<i64: 1024, 1>}, {transform_indices = @transform_4, window_bounds = array<i64: 1024, 128>}, {pipeline_mode = #tpu.pipeline_mode<synchronous>, transform_indices = @transform_5, window_bounds = array<i64: 128, 128>}, {pipeline_mode = #tpu.pipeline_mode<synchronous>, transform_indices = @transform_6, window_bounds = array<i64: 1, 128>}, {pipeline_mode = #tpu.pipeline_mode<synchronous>, transform_indices = @transform_7, window_bounds = array<i64: 128, 128>}, {transform_indices = @transform_8, window_bounds = array<i64: 1024, 128>}]} {
    %get3A = arith.constant 0 : index
    %get3A_0 = arith.constant 0 : index
    %get3A_1 = vector.load %arg3[%get3A, %get3A_0] : memref<1024x1xf32, #tpu.memory_space<vmem>>, vector<1024x1xf32>
    %get3A_2 = arith.constant 0 : index
    %get3A_3 = arith.constant 0 : index
    %get3A_4 = vector.load %arg4[%get3A_2, %get3A_3] : memref<1024x1xf32, #tpu.memory_space<vmem>>, vector<1024x1xf32>
    %add3A = arith.addf %get3A_1, %get3A_4 : vector<1024x1xf32>
    %max3A = arith.constant 1.000000e+00 : f32
    %max3A_5 = vector.broadcast %max3A : f32 to vector<1024x1xf32>
    %max3A_6 = arith.maximumf %add3A, %max3A_5 : vector<1024x1xf32>
    %get3A_7 = arith.constant 0 : index
    %get3A_8 = arith.constant 0 : index
    %get3A_9 = vector.load %arg1[%get3A_7, %get3A_8] : memref<1024x128xf32, #tpu.memory_space<vmem>>, vector<1024x128xf32>
    %get3A_10 = arith.constant 0 : index
    %get3A_11 = arith.constant 0 : index
    %get3A_12 = vector.load %arg2[%get3A_10, %get3A_11] : memref<1024x128xf32, #tpu.memory_space<vmem>>, vector<1024x128xf32>
    %add3A_13 = arith.addf %get3A_9, %get3A_12 : vector<1024x128xf32>
    %div3A = vector.broadcast %max3A_6 : vector<1024x1xf32> to vector<1024x128xf32>
    %div3A_14 = arith.divf %add3A_13, %div3A : vector<1024x128xf32>
    %get3A_15 = arith.constant 0 : index
    %get3A_16 = arith.constant 0 : index
    %get3A_17 = vector.load %arg6[%get3A_15, %get3A_16] : memref<128x128xf32, #tpu.memory_space<vmem>>, vector<128x128xf32>
    %dot_general3A = arith.constant dense<0.000000e+00> : vector<1024x128xf32>
    %dot_general3A_18 = tpu.matmul %div3A_14, %get3A_17, %dot_general3A {dimension_numbers = #tpu.dot_dimension_numbers<[1], [0], [0], [1], [0, 0, 1, 1], [], []>, precision = #tpu.contract_precision<fp32>, transpose_lhs_hint = false} : vector<1024x128xf32>, vector<128x128xf32>, vector<1024x128xf32> -> vector<1024x128xf32>
    %get3A_19 = arith.constant 0 : index
    %get3A_20 = arith.constant 0 : index
    %get3A_21 = vector.load %arg7[%get3A_19, %get3A_20] : memref<1x128xf32, #tpu.memory_space<vmem>>, vector<1x128xf32>
    %add3A_22 = vector.broadcast %get3A_21 : vector<1x128xf32> to vector<1024x128xf32>
    %add3A_23 = arith.addf %dot_general3A_18, %add3A_22 : vector<1024x128xf32>
    %get3A_24 = arith.constant 0 : index
    %get3A_25 = arith.constant 0 : index
    %get3A_26 = vector.load %arg5[%get3A_24, %get3A_25] : memref<1024x128xf32, #tpu.memory_space<vmem>>, vector<1024x128xf32>
    %get3A_27 = arith.constant 0 : index
    %get3A_28 = arith.constant 0 : index
    %get3A_29 = vector.load %arg8[%get3A_27, %get3A_28] : memref<128x128xf32, #tpu.memory_space<vmem>>, vector<128x128xf32>
    %dot_general3A_30 = arith.constant dense<0.000000e+00> : vector<1024x128xf32>
    %dot_general3A_31 = tpu.matmul %get3A_26, %get3A_29, %dot_general3A_30 {dimension_numbers = #tpu.dot_dimension_numbers<[1], [0], [0], [1], [0, 0, 1, 1], [], []>, precision = #tpu.contract_precision<fp32>, transpose_lhs_hint = false} : vector<1024x128xf32>, vector<128x128xf32>, vector<1024x128xf32> -> vector<1024x128xf32>
    %add3A_32 = arith.addf %add3A_23, %dot_general3A_31 : vector<1024x128xf32>
    %max3A_33 = arith.constant 0.000000e+00 : f32
    %max3A_34 = vector.broadcast %max3A_33 : f32 to vector<1024x128xf32>
    %max3A_35 = arith.maximumf %add3A_32, %max3A_34 : vector<1024x128xf32>
    %swap3A = arith.constant 0 : index
    %swap3A_36 = arith.constant 0 : index
    %swap3A_37 = vector.load %arg9[%swap3A, %swap3A_36] : memref<1024x128xf32, #tpu.memory_space<vmem>>, vector<1024x128xf32>
    tpu.vector_store %arg9[%swap3A, %swap3A_36], %max3A_35 {strides = array<i32>} : memref<1024x128xf32, #tpu.memory_space<vmem>>, vector<1024x128xf32>,
    return
  }
  func.func @transform_0(%arg0: i32) -> (i32, i32) {
    %c0_i32 = arith.constant 0 : i32
    %c0_i32_0 = arith.constant 0 : i32
    return %arg0, %c0_i32 : i32, i32
  }
  func.func @transform_1(%arg0: i32) -> (i32, i32) {
    %c0_i32 = arith.constant 0 : i32
    %c0_i32_0 = arith.constant 0 : i32
    return %arg0, %c0_i32 : i32, i32
  }
  func.func @transform_2(%arg0: i32) -> (i32, i32) {
    %c0_i32 = arith.constant 0 : i32
    %c0_i32_0 = arith.constant 0 : i32
    return %arg0, %c0_i32 : i32, i32
  }
  func.func @transform_3(%arg0: i32) -> (i32, i32) {
    %c0_i32 = arith.constant 0 : i32
    %c0_i32_0 = arith.constant 0 : i32
    return %arg0, %c0_i32 : i32, i32
  }
  func.func @transform_4(%arg0: i32) -> (i32, i32) {
    %c0_i32 = arith.constant 0 : i32
    %c0_i32_0 = arith.constant 0 : i32
    return %arg0, %c0_i32 : i32, i32
  }
  func.func @transform_5(%arg0: i32) -> (i32, i32) {
    %c0_i32 = arith.constant 0 : i32
    %c0_i32_0 = arith.constant 0 : i32
    %c0_i32_1 = arith.constant 0 : i32
    return %c0_i32, %c0_i32_0 : i32, i32
  }
  func.func @transform_6(%arg0: i32) -> (i32, i32) {
    %c0_i32 = arith.constant 0 : i32
    %c0_i32_0 = arith.constant 0 : i32
    %c0_i32_1 = arith.constant 0 : i32
    return %c0_i32, %c0_i32_0 : i32, i32
  }
  func.func @transform_7(%arg0: i32) -> (i32, i32) {
    %c0_i32 = arith.constant 0 : i32
    %c0_i32_0 = arith.constant 0 : i32
    %c0_i32_1 = arith.constant 0 : i32
    return %c0_i32, %c0_i32_0 : i32, i32
  }
  func.func @transform_8(%arg0: i32) -> (i32, i32) {
    %c0_i32 = arith.constant 0 : i32
    %c0_i32_0 = arith.constant 0 : i32
    return %arg0, %c0_i32 : i32, i32
  }
}

module attributes {stable_mosaic.version = 14 : i64} {
  func.func @_tcf_body(%arg0: i32, %arg1: memref<1x64xi32, #tpu.memory_space<vmem>>, %arg2: memref<64x128xf32, #tpu.memory_space<vmem>>, %arg3: memref<64x128xf32, #tpu.memory_space<vmem>>, %arg4: memref<1024x1xf32, #tpu.memory_space<vmem>>, %arg5: memref<1024x1xf32, #tpu.memory_space<vmem>>, %arg6: memref<1024x128xf32, #tpu.memory_space<vmem>>, %arg7: memref<128x128xf32, #tpu.memory_space<vmem>>, %arg8: memref<1x128xf32, #tpu.memory_space<vmem>>, %arg9: memref<128x128xf32, #tpu.memory_space<vmem>>, %arg10: memref<64x128xf32, #tpu.memory_space<vmem>>, %arg11: memref<64x128xf32, #tpu.memory_space<vmem>>, %arg12: memref<64x1xf32, #tpu.memory_space<vmem>>) attributes {dimension_semantics = [#tpu.dimension_semantics<arbitrary>], iteration_bounds = array<i64: 10>, scalar_prefetch = 0 : i64, scratch_operands = 2 : i64, tpu.core_type = #tpu.core_type<tc>, window_params = [{pipeline_mode = #tpu.pipeline_mode<synchronous>, transform_indices = @transform_0, window_bounds = array<i64: 1, 64>}, {pipeline_mode = #tpu.pipeline_mode<synchronous>, transform_indices = @transform_1, window_bounds = array<i64: 64, 128>}, {pipeline_mode = #tpu.pipeline_mode<synchronous>, transform_indices = @transform_2, window_bounds = array<i64: 64, 128>}, {transform_indices = @transform_3, window_bounds = array<i64: 1024, 1>}, {transform_indices = @transform_4, window_bounds = array<i64: 1024, 1>}, {transform_indices = @transform_5, window_bounds = array<i64: 1024, 128>}, {pipeline_mode = #tpu.pipeline_mode<synchronous>, transform_indices = @transform_6, window_bounds = array<i64: 128, 128>}, {pipeline_mode = #tpu.pipeline_mode<synchronous>, transform_indices = @transform_7, window_bounds = array<i64: 1, 128>}, {pipeline_mode = #tpu.pipeline_mode<synchronous>, transform_indices = @transform_8, window_bounds = array<i64: 128, 128>}, {pipeline_mode = #tpu.pipeline_mode<synchronous>, transform_indices = @transform_9, window_bounds = array<i64: 64, 128>}]} {
    %eq3A = arith.constant 0 : i32
    %eq3A_0 = arith.cmpi eq, %arg0, %eq3A : i32
    %convert_element_type3A = arith.extui %eq3A_0 : i1 to i32
    %cond3A = arith.constant 0 : i32
    %cond3A_1 = arith.cmpi ne, %convert_element_type3A, %cond3A : i32
    scf.if %cond3A_1 {
      %broadcast_in_dim3A = arith.constant 0.000000e+00 : f32
      %broadcast_in_dim3A_42 = vector.broadcast %broadcast_in_dim3A : f32 to vector<64x128xf32>
      %swap3A_43 = arith.constant 0 : index
      %swap3A_44 = arith.constant 0 : index
      %swap3A_45 = vector.load %arg11[%swap3A_43, %swap3A_44] : memref<64x128xf32, #tpu.memory_space<vmem>>, vector<64x128xf32>
      tpu.vector_store %arg11[%swap3A_43, %swap3A_44], %broadcast_in_dim3A_42 {strides = array<i32>} : memref<64x128xf32, #tpu.memory_space<vmem>>, vector<64x128xf32>,
      %broadcast_in_dim3A_46 = arith.constant 0.000000e+00 : f32
      %broadcast_in_dim3A_47 = vector.broadcast %broadcast_in_dim3A_46 : f32 to vector<64x1xf32>
      %swap3A_48 = arith.constant 0 : index
      %swap3A_49 = arith.constant 0 : index
      %swap3A_50 = vector.load %arg12[%swap3A_48, %swap3A_49] : memref<64x1xf32, #tpu.memory_space<vmem>>, vector<64x1xf32>
      tpu.vector_store %arg12[%swap3A_48, %swap3A_49], %broadcast_in_dim3A_47 {strides = array<i32>} : memref<64x1xf32, #tpu.memory_space<vmem>>, vector<64x1xf32>,
    } else {
    }
    %iota3A = tpu.iota {dimensions = array<i32: 0>} : vector<1024x1xi32>
    %mul3A = arith.constant 1024 : i32
    %mul3A_2 = arith.muli %arg0, %mul3A : i32
    %add3A = vector.broadcast %mul3A_2 : i32 to vector<1024x1xi32>
    %add3A_3 = arith.addi %iota3A, %add3A : vector<1024x1xi32>
    %get3A = arith.constant 0 : index
    %get3A_4 = arith.constant 0 : index
    %get3A_5 = vector.load %arg1[%get3A, %get3A_4] : memref<1x64xi32, #tpu.memory_space<vmem>>, vector<1x64xi32>
    %eq3A_6 = vector.broadcast %add3A_3 : vector<1024x1xi32> to vector<1024x64xi32>
    %eq3A_7 = vector.broadcast %get3A_5 : vector<1x64xi32> to vector<1024x64xi32>
    %eq3A_8 = arith.cmpi eq, %eq3A_6, %eq3A_7 : vector<1024x64xi32>
    %convert_element_type3A_9 = arith.extui %eq3A_8 : vector<1024x64xi1> to vector<1024x64xi32>
    %convert_element_type3A_10 = arith.sitofp %convert_element_type3A_9 : vector<1024x64xi32> to vector<1024x64xf32>
    %get3A_11 = arith.constant 0 : index
    %get3A_12 = arith.constant 0 : index
    %get3A_13 = vector.load %arg11[%get3A_11, %get3A_12] : memref<64x128xf32, #tpu.memory_space<vmem>>, vector<64x128xf32>
    %get3A_14 = arith.constant 0 : index
    %get3A_15 = arith.constant 0 : index
    %get3A_16 = vector.load %arg6[%get3A_14, %get3A_15] : memref<1024x128xf32, #tpu.memory_space<vmem>>, vector<1024x128xf32>
    %dot_general3A = arith.constant dense<0.000000e+00> : vector<64x128xf32>
    %dot_general3A_17 = tpu.matmul %convert_element_type3A_10, %get3A_16, %dot_general3A {dimension_numbers = #tpu.dot_dimension_numbers<[0], [0], [1], [1], [0, 1, 1, 1], [], []>, precision = #tpu.contract_precision<fp32>, transpose_lhs_hint = false} : vector<1024x64xf32>, vector<1024x128xf32>, vector<64x128xf32> -> vector<64x128xf32>
    %add3A_18 = arith.addf %get3A_13, %dot_general3A_17 : vector<64x128xf32>
    %swap3A = arith.constant 0 : index
    %swap3A_19 = arith.constant 0 : index
    %swap3A_20 = vector.load %arg11[%swap3A, %swap3A_19] : memref<64x128xf32, #tpu.memory_space<vmem>>, vector<64x128xf32>
    tpu.vector_store %arg11[%swap3A, %swap3A_19], %add3A_18 {strides = array<i32>} : memref<64x128xf32, #tpu.memory_space<vmem>>, vector<64x128xf32>,
    %get3A_21 = arith.constant 0 : index
    %get3A_22 = arith.constant 0 : index
    %get3A_23 = vector.load %arg12[%get3A_21, %get3A_22] : memref<64x1xf32, #tpu.memory_space<vmem>>, vector<64x1xf32>
    %get3A_24 = arith.constant 0 : index
    %get3A_25 = arith.constant 0 : index
    %get3A_26 = vector.load %arg4[%get3A_24, %get3A_25] : memref<1024x1xf32, #tpu.memory_space<vmem>>, vector<1024x1xf32>
    %get3A_27 = arith.constant 0 : index
    %get3A_28 = arith.constant 0 : index
    %get3A_29 = vector.load %arg5[%get3A_27, %get3A_28] : memref<1024x1xf32, #tpu.memory_space<vmem>>, vector<1024x1xf32>
    %add3A_30 = arith.addf %get3A_26, %get3A_29 : vector<1024x1xf32>
    %dot_general3A_31 = arith.constant dense<0.000000e+00> : vector<64x1xf32>
    %dot_general3A_32 = tpu.matmul %convert_element_type3A_10, %add3A_30, %dot_general3A_31 {dimension_numbers = #tpu.dot_dimension_numbers<[0], [0], [1], [1], [0, 1, 1, 1], [], []>, precision = #tpu.contract_precision<fp32>, transpose_lhs_hint = false} : vector<1024x64xf32>, vector<1024x1xf32>, vector<64x1xf32> -> vector<64x1xf32>
    %add3A_33 = arith.addf %get3A_23, %dot_general3A_32 : vector<64x1xf32>
    %swap3A_34 = arith.constant 0 : index
    %swap3A_35 = arith.constant 0 : index
    %swap3A_36 = vector.load %arg12[%swap3A_34, %swap3A_35] : memref<64x1xf32, #tpu.memory_space<vmem>>, vector<64x1xf32>
    tpu.vector_store %arg12[%swap3A_34, %swap3A_35], %add3A_33 {strides = array<i32>} : memref<64x1xf32, #tpu.memory_space<vmem>>, vector<64x1xf32>,
    %eq3A_37 = arith.constant 9 : i32
    %eq3A_38 = arith.cmpi eq, %arg0, %eq3A_37 : i32
    %convert_element_type3A_39 = arith.extui %eq3A_38 : i1 to i32
    %cond3A_40 = arith.constant 0 : i32
    %cond3A_41 = arith.cmpi ne, %convert_element_type3A_39, %cond3A_40 : i32
    scf.if %cond3A_41 {
      %get3A_42 = arith.constant 0 : index
      %get3A_43 = arith.constant 0 : index
      %get3A_44 = vector.load %arg1[%get3A_42, %get3A_43] : memref<1x64xi32, #tpu.memory_space<vmem>>, vector<1x64xi32>
      %iota3A_45 = tpu.iota {dimensions = array<i32: 1>} : vector<64x64xi32>
      %reshape3A = vector.shape_cast %get3A_44 : vector<1x64xi32> to vector<64x1xi32>
      %eq3A_46 = vector.broadcast %reshape3A : vector<64x1xi32> to vector<64x64xi32>
      %eq3A_47 = vector.broadcast %get3A_44 : vector<1x64xi32> to vector<64x64xi32>
      %eq3A_48 = arith.cmpi eq, %eq3A_46, %eq3A_47 : vector<64x64xi32>
      %jit3A = arith.constant 64 : i32
      %broadcast_in_dim3A = vector.broadcast %jit3A : i32 to vector<64x64xi32>
      %select_n3A = arith.select %eq3A_48, %iota3A_45, %broadcast_in_dim3A : vector<64x64xi1>, vector<64x64xi32>
      %reduce_min3A = arith.constant dense<2147483647> : vector<64xi32>
      %reduce_min3A_49 = vector.multi_reduction <minsi>, %select_n3A, %reduce_min3A [1] : vector<64x64xi32> to vector<64xi32>
      %broadcast_in_dim3A_50 = vector.shape_cast %reduce_min3A_49 : vector<64xi32> to vector<64x1xi32>
      %eq3A_51 = vector.broadcast %broadcast_in_dim3A_50 : vector<64x1xi32> to vector<64x64xi32>
      %eq3A_52 = arith.cmpi eq, %iota3A_45, %eq3A_51 : vector<64x64xi32>
      %convert_element_type3A_53 = arith.extui %eq3A_52 : vector<64x64xi1> to vector<64x64xi32>
      %convert_element_type3A_54 = arith.sitofp %convert_element_type3A_53 : vector<64x64xi32> to vector<64x64xf32>
      %get3A_55 = arith.constant 0 : index
      %get3A_56 = arith.constant 0 : index
      %get3A_57 = vector.load %arg2[%get3A_55, %get3A_56] : memref<64x128xf32, #tpu.memory_space<vmem>>, vector<64x128xf32>
      %get3A_58 = arith.constant 0 : index
      %get3A_59 = arith.constant 0 : index
      %get3A_60 = vector.load %arg3[%get3A_58, %get3A_59] : memref<64x128xf32, #tpu.memory_space<vmem>>, vector<64x128xf32>
      %add3A_61 = arith.addf %get3A_57, %get3A_60 : vector<64x128xf32>
      %dot_general3A_62 = arith.constant dense<0.000000e+00> : vector<64x128xf32>
      %dot_general3A_63 = tpu.matmul %convert_element_type3A_54, %add3A_61, %dot_general3A_62 {dimension_numbers = #tpu.dot_dimension_numbers<[1], [0], [0], [1], [0, 0, 1, 1], [], []>, precision = #tpu.contract_precision<fp32>, transpose_lhs_hint = false} : vector<64x64xf32>, vector<64x128xf32>, vector<64x128xf32> -> vector<64x128xf32>
      %get3A_64 = arith.constant 0 : index
      %get3A_65 = arith.constant 0 : index
      %get3A_66 = vector.load %arg12[%get3A_64, %get3A_65] : memref<64x1xf32, #tpu.memory_space<vmem>>, vector<64x1xf32>
      %max3A = arith.constant 1.000000e+00 : f32
      %max3A_67 = vector.broadcast %max3A : f32 to vector<64x1xf32>
      %max3A_68 = arith.maximumf %get3A_66, %max3A_67 : vector<64x1xf32>
      %div3A = vector.broadcast %max3A_68 : vector<64x1xf32> to vector<64x128xf32>
      %div3A_69 = arith.divf %dot_general3A_63, %div3A : vector<64x128xf32>
      %get3A_70 = arith.constant 0 : index
      %get3A_71 = arith.constant 0 : index
      %get3A_72 = vector.load %arg7[%get3A_70, %get3A_71] : memref<128x128xf32, #tpu.memory_space<vmem>>, vector<128x128xf32>
      %dot_general3A_73 = arith.constant dense<0.000000e+00> : vector<64x128xf32>
      %dot_general3A_74 = tpu.matmul %div3A_69, %get3A_72, %dot_general3A_73 {dimension_numbers = #tpu.dot_dimension_numbers<[1], [0], [0], [1], [0, 0, 1, 1], [], []>, precision = #tpu.contract_precision<fp32>, transpose_lhs_hint = false} : vector<64x128xf32>, vector<128x128xf32>, vector<64x128xf32> -> vector<64x128xf32>
      %get3A_75 = arith.constant 0 : index
      %get3A_76 = arith.constant 0 : index
      %get3A_77 = vector.load %arg8[%get3A_75, %get3A_76] : memref<1x128xf32, #tpu.memory_space<vmem>>, vector<1x128xf32>
      %add3A_78 = vector.broadcast %get3A_77 : vector<1x128xf32> to vector<64x128xf32>
      %add3A_79 = arith.addf %dot_general3A_74, %add3A_78 : vector<64x128xf32>
      %get3A_80 = arith.constant 0 : index
      %get3A_81 = arith.constant 0 : index
      %get3A_82 = vector.load %arg11[%get3A_80, %get3A_81] : memref<64x128xf32, #tpu.memory_space<vmem>>, vector<64x128xf32>
      %get3A_83 = arith.constant 0 : index
      %get3A_84 = arith.constant 0 : index
      %get3A_85 = vector.load %arg9[%get3A_83, %get3A_84] : memref<128x128xf32, #tpu.memory_space<vmem>>, vector<128x128xf32>
      %dot_general3A_86 = arith.constant dense<0.000000e+00> : vector<64x128xf32>
      %dot_general3A_87 = tpu.matmul %get3A_82, %get3A_85, %dot_general3A_86 {dimension_numbers = #tpu.dot_dimension_numbers<[1], [0], [0], [1], [0, 0, 1, 1], [], []>, precision = #tpu.contract_precision<fp32>, transpose_lhs_hint = false} : vector<64x128xf32>, vector<128x128xf32>, vector<64x128xf32> -> vector<64x128xf32>
      %add3A_88 = arith.addf %add3A_79, %dot_general3A_87 : vector<64x128xf32>
      %swap3A_89 = arith.constant 0 : index
      %swap3A_90 = arith.constant 0 : index
      %swap3A_91 = vector.load %arg10[%swap3A_89, %swap3A_90] : memref<64x128xf32, #tpu.memory_space<vmem>>, vector<64x128xf32>
      tpu.vector_store %arg10[%swap3A_89, %swap3A_90], %add3A_88 {strides = array<i32>} : memref<64x128xf32, #tpu.memory_space<vmem>>, vector<64x128xf32>,
    } else {
    }
    return
  }
  func.func @transform_0(%arg0: i32) -> (i32, i32) {
    %c0_i32 = arith.constant 0 : i32
    %c0_i32_0 = arith.constant 0 : i32
    %c0_i32_1 = arith.constant 0 : i32
    return %c0_i32, %c0_i32_0 : i32, i32
  }
  func.func @transform_1(%arg0: i32) -> (i32, i32) {
    %c0_i32 = arith.constant 0 : i32
    %c0_i32_0 = arith.constant 0 : i32
    %c0_i32_1 = arith.constant 0 : i32
    return %c0_i32, %c0_i32_0 : i32, i32
  }
  func.func @transform_2(%arg0: i32) -> (i32, i32) {
    %c0_i32 = arith.constant 0 : i32
    %c0_i32_0 = arith.constant 0 : i32
    %c0_i32_1 = arith.constant 0 : i32
    return %c0_i32, %c0_i32_0 : i32, i32
  }
  func.func @transform_3(%arg0: i32) -> (i32, i32) {
    %c0_i32 = arith.constant 0 : i32
    %c0_i32_0 = arith.constant 0 : i32
    return %arg0, %c0_i32 : i32, i32
  }
  func.func @transform_4(%arg0: i32) -> (i32, i32) {
    %c0_i32 = arith.constant 0 : i32
    %c0_i32_0 = arith.constant 0 : i32
    return %arg0, %c0_i32 : i32, i32
  }
  func.func @transform_5(%arg0: i32) -> (i32, i32) {
    %c0_i32 = arith.constant 0 : i32
    %c0_i32_0 = arith.constant 0 : i32
    return %arg0, %c0_i32 : i32, i32
  }
  func.func @transform_6(%arg0: i32) -> (i32, i32) {
    %c0_i32 = arith.constant 0 : i32
    %c0_i32_0 = arith.constant 0 : i32
    %c0_i32_1 = arith.constant 0 : i32
    return %c0_i32, %c0_i32_0 : i32, i32
  }
  func.func @transform_7(%arg0: i32) -> (i32, i32) {
    %c0_i32 = arith.constant 0 : i32
    %c0_i32_0 = arith.constant 0 : i32
    %c0_i32_1 = arith.constant 0 : i32
    return %c0_i32, %c0_i32_0 : i32, i32
  }
  func.func @transform_8(%arg0: i32) -> (i32, i32) {
    %c0_i32 = arith.constant 0 : i32
    %c0_i32_0 = arith.constant 0 : i32
    %c0_i32_1 = arith.constant 0 : i32
    return %c0_i32, %c0_i32_0 : i32, i32
  }
  func.func @transform_9(%arg0: i32) -> (i32, i32) {
    %c0_i32 = arith.constant 0 : i32
    %c0_i32_0 = arith.constant 0 : i32
    %c0_i32_1 = arith.constant 0 : i32
    return %c0_i32, %c0_i32_0 : i32, i32
  }
}

</mosaic_0001>

<sc_bundles>
// kernel: kernel.10.cloned.1.call-start
scs
__scs_entry_jumppad:
0x0: {  	(pc) =	sbr.rel $0x88, $3  }
0x1: {  	(tag) =	ssettag $0x0;
	lr =	simm.s32 $0x1  }
0x2: {  	[smem:$0x3F98] =	sst lr;
	_ =	strace $0xD0000000  }
0x3: {  	_ = 	snop  }
0x4: {  	_ = 	snop  }
0x5: {  	_ = 	snop  }
0x6: {  	_ = 	snop  }
0x7: {  	_ = 	snop  }
__scs_overlays_trampoline_lowered:
0x8: {  	[smem:$0x3FA7] =	sst s0  }
0x9: {  	[smem:$0x3FA8] =	sst s1  }
0xa: {  	[smem:$0x3FA9] =	sst s2  }
0xb: {  	[smem:$0x3FAA] =	sst s3  }
0xc: {  	[smem:$0x3FAB] =	sst s4  }
0xd: {  	[smem:$0x3FAC] =	sst s5  }
0xe: {  	[smem:$0x3FAD] =	sst s6  }
0xf: {  	[smem:$0x3FAE] =	sst s7  }
0x10: {  	[smem:$0x3FAF] =	sst s8  }
0x11: {  	[smem:$0x3FB0] =	sst s9;
	s0 =	simm.s32 @!p0 $0x0  }
0x12: {  	s1 =	sld [smem:$0x3F96];
	s0 =	simm.s32 @p0 $0x1  }
0x13: {  	[smem:$0x3FB1] =	sst s0;
	s0 =	simm.s32 @!p1 $0x0  }
0x14: {  	s2 =	sld [smem:$0x3F95];
	s0 =	simm.s32 @p1 $0x1  }
0x15: {  	[smem:$0x3FB2] =	sst s0;
	s0 =	simm.s32 @!p2 $0x0  }
0x16: {  	s3 =	sld [smem:$0x3FDB];
	s0 =	simm.s32 @p2 $0x1  }
0x17: {  	s4 =	simm.s32 $0x1BF5;
	[smem:$0x3FB4] =	sst s0  }
0x18: {  	s0 =	sld [smem:$0x3F97];
	_ =	swait.ge [sflag:s4], $0x0  }
0x19: {  	s7 =	sld [smem:$0x3F98]  }
0x1a: {  	s8 =	sadd.s32 $0xFFFFE003, lr  }
0x1b: {  	s9 =	sadd.s32 $0xFFFFFEF7, lr;
	s5 =	simm.s32 $0xFFFFFFFF;
	p2 =	slt.u32 s8, $0xFFFFF086  }
0x1c: {  	p1 =	slt.u32 s9, $0xF7A;
	s5 =	simm.s32 @!p2 $0x0  }
0x1d: {  	s5 =	simm.s32 @p1 $0x1;
	p0 =	seq.s32 s7, s2  }
0x1e: {  	s7 =	smul.u32 @!p0 $0xF7A, s2;
	p2 =	seq.s32 @!p0 s5, $0x0  }
0x1f: {  	s9 =	smul.u32 $0xF7A, s1;
	s8 =	simm.s32 @!p0 $0x1BF5;
	p2 =	por !p2, p0  }
0x20: {  	[sflag:s8] =	ssyncset.s32 @!p0 $0xFFFFF086;
	s6 =	sadd.s32 @!p0 s3, s7;
	s7 =	simm.s32 @!p0 $0x108  }
0x21: {  	s3 =	sadd.s32 s3, s9;
	s6 =	sadd.s32 @!p0 $0x88, s6;
	s7 =	simm.s32 @p2 $0x1082  }
0x22: {  	[simem:s7], [sflag:s8] =	dma.local @!p0 [hbm:s6], $0xF7A  }
0x23: {  	s9 =	sor.u32 $0xD0000000, s2;
	s6 =	simm.s32 $0x108;
	_ =	swait.ge @!p0 [sflag:s8], $0x0  }
0x24: {  	s3 =	sadd.s32 $0x88, s3;
	s6 =	simm.s32 @!p1 $0x1082;
	[sflag:s4] =	ssyncset.s32 $0xFFFFF086  }
0x25: {  	[simem:s6], [sflag:s4] =	dma.local [hbm:s3], $0xF7A  }
0x26: {  	[smem:$0x3F98] =	sst s1;
	(tag) =	ssettag s2;
	_ =	strace s9  }
0x27: {  	s1 =	sld [smem:$0x3FA8]  }
0x28: {  	s2 =	sld [smem:$0x3FA9]  }
0x29: {  	s4 =	sld [smem:$0x3FAB]  }
0x2a: {  	p0 =	seq.s32 s5, $0x0;
	s5 =	sld [smem:$0x3FAC]  }
0x2b: {  	s6 =	sld [smem:$0x3FAD]  }
0x2c: {  	s7 =	sld [smem:$0x3FAE]  }
0x2d: {  	s3 =	simm.s32 $0x108;
	s8 =	sld [smem:$0x3FAF]  }
0x2e: {  	s3 =	simm.s32 @!p0 $0x1082;
	s9 =	sld [smem:$0x3FB0]  }
0x2f: {  	lr =	sadd.s32 s0, s3;
	s0 =	sld [smem:$0x3FA7]  }
0x30: {  	s3 =	sld [smem:$0x3FAA]  }
0x31: {  	[smem:$0x3FB3] =	sst s10  }
0x32: {  	s10 =	sld [smem:$0x3FB1];
	_ =	sdelay $0x3  }
0x33: {  	p0 =	seq.s32 s10, $0x1;
	s10 =	sld [smem:$0x3FB3];
	_ =	sdelay $0x3  }
0x34: {  	[smem:$0x3FB3] =	sst s10  }
0x35: {  	s10 =	sld [smem:$0x3FB2];
	_ =	sdelay $0x3  }
0x36: {  	p1 =	seq.s32 s10, $0x1;
	s10 =	sld [smem:$0x3FB3];
	_ =	sdelay $0x3  }
0x37: {  	[smem:$0x3FB3] =	sst s10  }
0x38: {  	s10 =	sld [smem:$0x3FB4]  }
0x39: {  	_ = 	snop;
	(pc) =	sbr.ind lr, $3  }
0x3a: {  	_ = 	snop  }
0x3b: {  	_ = 	snop  }
0x3c: {  	p2 =	seq.s32 s10, $0x1;
	s10 =	sld [smem:$0x3FB3]  }
0x3d: {  	_ =	shalt  }
0x3e: {  	_ =	shalt  }
0x3f: {  	_ =	shalt  }
0x40: {  	_ =	shalt  }
0x41: {  	_ =	shalt  }
0x42: {  	_ =	shalt  }
0x43: {  	_ =	shalt  }
0x44: {  	_ =	shalt  }
0x45: {  	_ =	shalt  }
0x46: {  	_ =	shalt  }
0x47: {  	_ =	shalt  }
0x48: {  	_ =	shalt  }
0x49: {  	_ =	shalt  }
0x4a: {  	_ =	shalt  }
0x4b: {  	_ =	shalt  }
0x4c: {  	_ =	shalt  }
0x4d: {  	_ =	shalt  }
0x4e: {  	_ =	shalt  }
0x4f: {  	_ =	shalt  }
0x50: {  	_ =	shalt  }
0x51: {  	_ =	shalt  }
0x52: {  	_ =	shalt  }
0x53: {  	_ =	shalt  }
0x54: {  	_ =	shalt  }
0x55: {  	_ =	shalt  }
0x56: {  	_ =	shalt  }
0x57: {  	_ =	shalt  }
0x58: {  	_ =	shalt  }
0x59: {  	_ =	shalt  }
0x5a: {  	_ =	shalt  }
0x5b: {  	_ =	shalt  }
0x5c: {  	_ =	shalt  }
0x5d: {  	_ =	shalt  }
0x5e: {  	_ =	shalt  }
0x5f: {  	_ =	shalt  }
0x60: {  	_ =	shalt  }
0x61: {  	_ =	shalt  }
0x62: {  	_ =	shalt  }
0x63: {  	_ =	shalt  }
0x64: {  	_ =	shalt  }
0x65: {  	_ =	shalt  }
0x66: {  	_ =	shalt  }
0x67: {  	_ =	shalt  }
0x68: {  	_ =	shalt  }
0x69: {  	_ =	shalt  }
0x6a: {  	_ =	shalt  }
0x6b: {  	_ =	shalt  }
0x6c: {  	_ =	shalt  }
0x6d: {  	_ =	shalt  }
0x6e: {  	_ =	shalt  }
0x6f: {  	_ =	shalt  }
0x70: {  	_ =	shalt  }
0x71: {  	_ =	shalt  }
0x72: {  	_ =	shalt  }
0x73: {  	_ =	shalt  }
0x74: {  	_ =	shalt  }
0x75: {  	_ =	shalt  }
0x76: {  	_ =	shalt  }
0x77: {  	_ =	shalt  }
0x78: {  	_ =	shalt  }
0x79: {  	_ =	shalt  }
0x7a: {  	_ =	shalt  }
0x7b: {  	_ =	shalt  }
0x7c: {  	_ =	shalt  }
0x7d: {  	_ =	shalt  }
0x7e: {  	_ =	shalt  }
0x7f: {  	_ =	shalt  }
0x80: {  	_ =	shalt  }
0x81: {  	_ =	shalt  }
0x82: {  	_ =	shalt  }
0x83: {  	_ =	shalt  }
0x84: {  	_ =	shalt  }
0x85: {  	_ =	shalt  }
0x86: {  	_ =	shalt  }
0x87: {  	_ =	shalt  }
.Lfunc_end0:
.L_simem_size_0:
called_computation.1_lowered:
.L_overlay_start_0:
0x88: {  	s2 =	sld [smem:$0x3FD9]  }
0x89: {  	s3 =	sld [smem:$0x3FFE];
	_ =	sdelay $0x1  }
0x8a: {  	s1 =	srdreg.scid  }
0x8b: {  	s0 =	sand.u32 $0x1, s1  }
0x8c: {  	s16 =	sshll.u32 s0, $0xA;
	s2 =	sadd.s32 s3, s2  }
0x8d: {  	s2 =	sadd.s32 s2, s16  }
0x8e: {  	[smem:$0x3FBF] =	sst s2  }
0x8f: {  	_ = 	snop  }
0x90: {  	(tm) =	ssettm $0x1  }
0x91: {  	s17 =	sld [smem:$0x3FFB];
	_ =	sdelay $0x3  }
0x92: {  	_ =	strace s17  }
0x93: {  	s2 =	sld [smem:$0x3FFC];
	_ =	sdelay $0x3  }
0x94: {  	_ =	strace s2  }
0x95: {  	s2 =	sld [smem:$0x3FFD];
	_ =	sdelay $0x3  }
0x96: {  	_ =	strace s2  }
0x97: {  	_ =	strace $0x8FFFFFFF  }
0x98: {  	s18 =	sld [smem:$0x3FDB];
	_ =	sdelay $0x1  }
0x99: {  	s19 =	simm.s32 $_scs_section_size  }
0x9a: {  	s4 =	simm.s32 $_size__tile_overlayer_lowered;
	s5 =	simm.s32 $_tile_overlayer_lowered  }
0x9b: {  	s22 =	simm.s32 $0x1BFF;
	s21 =	sshll.u32 s5, $0x1;
	s2 =	sadd.s32 s19, s18  }
0x9c: {  	s6 =	simm.s32 $0x0;
	s20 =	sshll.u32 s4, $0x1;
	s4 =	sadd.s32 s21, s2  }
0x9d: {  	[timem:s6], [sflag:s22] =	dma.local [hbm:s4], s20  }
0x9e: {  	_ =	swait.ge [sflag:s22], s20  }
0x9f: {  	s3 =	ssub.s32 $0x0, s20;
	[sflag:s22] =	ssyncset.done $0x0  }
0xa0: {  	[sflag:s22] =	ssyncadd.s32 s3;
	_ =	sdelay $0x1  }
0xa1: {  	s23 =	simm.s32 $0x1B8B  }
0xa2: {  	_ =	swait.ge [sflag:s23], $0x1  }
0xa3: {  	[sflag:s23] =	ssyncset.done $0x0  }
0xa4: {  	s25 =	simm.s32 $0x1B8E;
	s24 =	sld [smem:$0x3FFE];
	[sflag:s23] =	ssyncadd.s32 $0xFFFFFFFF  }
0xa5: {  	s26 =	simm.s32 $execute0_lowered;
	[smem:$0x3FD2] =	sst s25  }
0xa6: {  	s4 =	sshll.u32 s26, $0x1;
	_ =	strace $0x80000049;
	[dreg:$0x1] =	wrdreg $0xFFFFFFFF  }
0xa7: {  	s28 =	simm.s32 $_size_execute0_lowered;
	s2 =	sadd.s32 s2, s4;
	[dreg:$0x0] =	wrdreg $0x0  }
0xa8: {  	s4 =	sshll.u32 s28, $0x1;
	[dreg:$0x2] =	wrdreg s2  }
0xa9: {  	[dreg:$0x3] =	wrdreg s4  }
0xaa: {  	[dreg:$0x4] =	wrdreg $0xC0  }
0xab: {  	_ =	task [dreg:s6], $0x5FFFF  }
0xac: {  	[dreg:$0x1] =	wrdreg $0xFFFFFFFF  }
0xad: {  	[dreg:$0x0] =	wrdreg $0x60  }
0xae: {  	[dreg:$0x2] =	wrdreg s24  }
0xaf: {  	[dreg:$0x3] =	wrdreg $0xE2800  }
0xb0: {  	[dreg:$0x4] =	wrdreg $0x9  }
0xb1: {  	_ =	task.clear_ibuf [dreg:s6], $0x5FFFF;
	_ =	strace $0x90000049  }
0xb2: {  	s29 =	simm.s32 $0x9;
	_ =	strace $0x8000004B  }
0xb3: {  	_ =	swait.ge [sflag:s29], $0x1  }
0xb4: {  	[sflag:s29] =	ssyncadd.s32 $0xFFFFFFFF  }
0xb5: {  	_ =	strace $0x9000004B  }
0xb6: {  	_ =	sfence  }
0xb7: {  	s30 =	sld [smem:$0x0];
	_ =	sdelay $0x2  }
0xb8: {  	s31 =	sshll.u32 s1, $0xD;
	s1 =	sshrl.u32 s1, $0x2  }
0xb9: {  	s3 =	sand.u32 $0x4000, s31;
	s1 =	sadd.s32 s1, s30  }
0xba: {  	s0 =	sor.u32 s3, s0;
	s1 =	sshll.u32 s1, $0x11  }
0xbb: {  	s0 =	sor.u32 s1, s0  }
0xbc: {  	s0 =	sadd.s32 $0x8F2B, s0  }
0xbd: {  	[sflag:s0] =	ssyncadd.remote.s32 $0x1  }
0xbe: {  	_ =	sfence.sel $0xFFFF  }
0xbf: {  	[dreg:$0x0] =	wrdreg $0xFFFFFFFF;
	(pc) =	sbr.abs _section_cstart, $3  }
0xc0: {  	[dreg:$0x1] =	wrdreg $0xFFFFFFFF  }
0xc1: {  	_ =	task.clear_ibuf [dreg:s6], $0x2FFFF;
	_ =	strace $0x9FFFFFFF  }
0xc2: {  	(tm) =	ssettm $0x7FFFFFFF  }
0xc3: {  	_ =	shalt  }
tec
execute0_lowered:
.L_overlay_start_1:
0x0: {  	(tag) =	ssettag $0x1  }
0x1: {  	s0 =	srdreg.scid  }
0x2: {  	s10 =	stileid.u32;
	s6 =	rddreg [dreg:$0x0]  }
0x3: {  	s1 =	rddreg [dreg:$0x1];
	s2 =	simm.s32 $0x0;
	s12 =	simm.s32 $0x2  }
0x4: {  	s13 =	simm.s32 $0x2900;
	s14 =	simm.s32 $0x7A00;
	s16 =	simm.s32 $0x1  }
0x5: {  	s17 =	simm.s32 $0xA280;
	s18 =	simm.s32 $0xA200;
	s19 =	simm.s32 $0x0  }
0x6: {  	s5 =	sand.u32 $0x1, s0;
	s4 =	sshll.u32 s10, $0x7;
	[smem:$0x7FF] =	sst s2  }
0x7: {  	p0 =	sne.s32 s10, $0x0;
	s0 =	sshll.u32 s5, $0x4;
	s4 =	sand.u32 $0x380, s4  }
0x8: {  	s8 =	ssub.s32 $0x2, s5;
	s9 =	sshll.u32 s5, $0xB;
	s0 =	sor.u32 s10, s0  }
0x9: {  	s5 =	sadd.s32 $0x3EC00, s6;
	s15 =	sshrl.u32 @!p0 s1, $0x3;
	s0 =	sshrl.u32 s0, $0x3  }
0xa: {  	s11 =	sshrl.u32 s8, $0x1;
	s9 =	sadd.s32 s9, s6;
	s3 =	smul.u32 $0x14000, s0  }
.Ltmp0:
0xb: {  	s10 =	simm.s32 $0x80;
	s11 =	ssub.s32 s8, s11;
	(pc) =	sbr.rel .LBB2_1-.Ltmp0, $4  }
0xc: {  	s8 =	sadd.s32 $0x69400, s9;
	s0 =	rddreg [dreg:$0x2];
	s3 =	sor.u32 s4, s3  }
0xd: {  	_ =	strace $0x8000004A;
	s9 =	smax.u32 s11, $0x1;
	s4 =	sshrl.u32 s3, $0x3  }
0xe: {  	s11 =	simm.s32 $0x400;
	s3 =	sadd.s32 $0x16400, s6;
	s7 =	sadd.s32 s4, s6  }
0xf: {  	v0 =	vimm.s32 $0x0;
	v1 =	vlaneseq.u32;
	s4 =	sadd.s32 $0x91E00, s6;
	s6 =	sadd.s32 $0xC400, s7;
	s7 =	sadd.s32 $0x2400, s7  }
.LBB2_6:
0x10: {  	[sflag:s12] =	ssyncadd.s32 $0xFFFFC000  }
.LBB2_7:
0x11: {  	[bflag:$0x0] =	sbarrier.arrive $0xFFFF;
	s20 =	simm.s32 @!p0 $0x1C02;
	s19 =	sadd.s32 $0x1, s19  }
0x12: {  	[hbm:s8], [sflag:s20] =	dma.local @!p0 [spmem:s15], $0x800  }
0x13: {  	p1 =	sne.s32 s19, s9  }
.Ltmp1:
0x14: {  	_ = 	snop;
	(pc) =	sbr.rel @!p1 .LBB2_8-.Ltmp1, $4  }
0x15: {  	s20 =	simm.s32 @!p0 $0x2  }
0x16: {  	_ =	swait.ge @!p0 [sflag:s20], $0x800  }
0x17: {  	[sflag:s20] =	ssyncset.done @!p0 $0x0  }
0x18: {  	[sflag:s20] =	ssyncadd.s32 @!p0 $0xFFFFF800  }
.LBB2_1:
0x19: {  	[tilespmem:s2], [sflag:$0x2] =	stream.strided.gather [hbm4b:s6+s10], $0x2800, s11, s10, $0x38;
	[tilespmem:$0xE680] =	vst v63  }
0x1a: {  	_ =	swait.ge [sflag:s12], $0x2800  }
0x1b: {  	[sflag:s12] =	ssyncset.done $0x0  }
0x1c: {  	[sflag:s12] =	ssyncadd.s32 $0xFFFFD800  }
0x1d: {  	[tilespmem:s13], [sflag:$0x2] =	stream.strided.gather [hbm4b:s7+s10], $0x2800, s11, s10, $0x38;
	[tilespmem:$0xE680] =	vst v63  }
0x1e: {  	_ =	swait.ge [sflag:s12], $0x2800  }
0x1f: {  	[sflag:s12] =	ssyncset.done $0x0  }
0x20: {  	[sflag:s12] =	ssyncadd.s32 $0xFFFFD800  }
0x21: {  	[tilespmem:s14], [sflag:$0x2] =	stream.linear.gather [hbm4b:s4+s2], $0x2800, $0x38;
	[tilespmem:$0xE680] =	vst v63  }
0x22: {  	_ =	swait.ge [sflag:s12], $0x2800  }
0x23: {  	[sflag:s12] =	ssyncset.done $0x0  }
0x24: {  	s20 =	simm.s32 @!p0 $0x1C02;
	[sflag:s12] =	ssyncadd.s32 $0xFFFFD800  }
0x25: {  	[spmem:s15], [sflag:s20] =	dma.local @!p0 [hbm:s5], $0x800  }
0x26: {  	s20 =	simm.s32 @!p0 $0x2  }
0x27: {  	_ =	swait.ge @!p0 [sflag:s20], $0x800  }
0x28: {  	[sflag:s20] =	ssyncset.done @!p0 $0x0  }
0x29: {  	[sflag:s20] =	ssyncadd.s32 @!p0 $0xFFFFF800  }
0x2a: {  	s31 =	simm.s32 $0x0;
	[bflag:$0x0] =	sbarrier.arrive $0xFFFF  }
0x2b: {  	v2 =	vld [tilespmem:s31+$0x2900];
	_ =	sdelay $0x7  }
0x2c: {  	v2 =	vld.idx.msk [tilespmem:v2+s14+$0x0], $0xffff;
	_ =	sdelay $0x4  }
0x2d: {  	v3 =	vld [tilespmem:s31+$0x0];
	vm0 =	vgt.s32 v2, $0xFFFFFFFF  }
0x2e: {  	v4 =	vsel vm0, $0x1, v0  }
0x2f: {  	(xrf0) =	vadd.scan.msk.s32 $0xffff, v4;
	_ =	sdelay $0x2  }
0x30: {  	[tilespmem:s2+$0x0] =	vst.msk vm0, v3  }
0x31: {  	s21 =	simm.s32 $0x10;
	s22 =	simm.s32 $0x80;
	s20 =	simm.s32 $0x0;
	[tilespmem:s2+$0x5100] =	vst.msk vm0, v2  }
.LBB2_2:
0x32: {  	p1 =	sne.s32 s22, $0x9FC0;
	v2 =	vld [tilespmem:s21+$0x2900]  }
0x33: {  	v3, _, _ =	vpop (xrf0)  }
0x34: {  	(v2sf) =	vpush v3, $0xF;
	_ =	sdelay $0x5  }
0x35: {  	v2 =	vld.idx.msk [tilespmem:v2+s14+$0x0], $0xffff;
	_ =	sdelay $0x5  }
0x36: {  	vm0 =	vgt.s32 v2, $0xFFFFFFFF;
	v3 =	vld [tilespmem:s21+$0x0]  }
0x37: {  	v4 =	vsel vm0, $0x1, v0  }
.Ltmp2:
0x38: {  	(xrf0) =	vadd.scan.msk.s32 $0xffff, v4;
	(pc) =	sbr.rel @p1 .LBB2_2-.Ltmp2, $4  }
0x39: {  	s21 =	spop (v2sf)  }
0x3a: {  	s20 =	sadd.s32 s20, s21  }
0x3b: {  	[tilespmem:s20+$0x0] =	vst.msk vm0, v3  }
0x3c: {  	s21 =	sshra.s32 s22, $0x2;
	s22 =	sadd.s32 $0x40, s22;
	[tilespmem:s20+$0x5100] =	vst.msk vm0, v2  }
0x3d: {  	v2 =	vld [tilespmem:s21+$0x2900];
	_ =	sdelay $0x7  }
0x3e: {  	v2 =	vld.idx.msk [tilespmem:v2+s14+$0x0], $0xffff;
	_ =	sdelay $0x4  }
0x3f: {  	vm0 =	vgt.s32 v2, $0xFFFFFFFF  }
0x40: {  	v3 =	vsel vm0, $0x1, v0  }
0x41: {  	(xrf0) =	vadd.scan.msk.s32 $0xffff, v3;
	_ =	sdelay $0x4  }
0x42: {  	v3, _, _ =	vpop (xrf0)  }
0x43: {  	(v2sf) =	vpush v3, $0xF;
	v3, _, _ =	vpop (xrf0)  }
0x44: {  	(v2sf) =	vpush v3, $0xF;
	_ =	sdelay $0xd  }
0x45: {  	s22 =	spop (v2sf)  }
0x46: {  	s22 =	sadd.s32 s20, s22;
	s28 =	spop (v2sf)  }
0x47: {  	s20 =	sadd.s32 s22, s28  }
0x48: {  	v3 =	vld [tilespmem:s21+$0x0];
	s29 =	sand.u32 $0xF, s20  }
0x49: {  	s23 =	sshra.s32 s20, $0x1F;
	p1 =	slt.s32 s20, $0x1;
	p2 =	sne.s32 s29, $0x0  }
0x4a: {  	s30 =	sshrl.u32 s23, $0x1C;
	p1 =	por !p1, !p2  }
0x4b: {  	s23 =	simm.s32 $0x1;
	s21 =	sadd.s32 s30, s20;
	p1 =	por !p1, !p1  }
0x4c: {  	s21 =	sshrl.u32 s21, $0x4;
	s23 =	simm.s32 @!p1 $0x0  }
0x4d: {  	[tilespmem:s22+$0x0] =	vst.msk vm0, v3;
	s21 =	ssub.s32 s21, s23  }
0x4e: {  	[tilespmem:s22+$0x5100] =	vst.msk vm0, v2;
	s21 =	sshll.u32 s21, $0x4  }
0x4f: {  	v2 =	vld [tilespmem:s21+$0x0]  }
0x50: {  	v3 =	vld [tilespmem:s21+$0x5100]  }
0x51: {  	v4 =	vld [tilespmem:s21+$0x10]  }
0x52: {  	v5 =	vor.u32 s21, v1;
	v6 =	vld [tilespmem:s21+$0x5110]  }
0x53: {  	s31 =	sadd.s32 $0x10, s21;
	v50 =	vld [tilespmem:s21+$0x20];
	vm7 =	vlt.s32 v5, s20  }
0x54: {  	v8 =	vld [tilespmem:s21+$0x5120];
	v7 =	vor.u32 s31, v1;
	v2 =	vnsel vm7, $0x0, v2  }
0x55: {  	s23 =	sadd.s32 $0x20, s21;
	vm8 =	vlt.s32 v7, s20;
	[tilespmem:s21+$0x0] =	vst v2;
	v2 =	vnsel vm7, $0x40, v3;
	v3 =	vld [tilespmem:s21+$0x30]  }
0x56: {  	v52 =	vld [tilespmem:s21+$0x5130];
	v51 =	vor.u32 s23, v1;
	[tilespmem:s21+$0x5100] =	vst v2;
	v2 =	vnsel vm8, $0x0, v4  }
0x57: {  	s24 =	sadd.s32 $0x30, s21;
	v53 =	vld [tilespmem:s21+$0x40];
	vm9 =	vlt.s32 v51, s20;
	[tilespmem:s21+$0x10] =	vst v2;
	v2 =	vnsel vm8, $0x40, v6  }
0x58: {  	v55 =	vld [tilespmem:s21+$0x5140];
	v54 =	vor.u32 s24, v1;
	[tilespmem:s21+$0x5110] =	vst v2;
	v2 =	vnsel vm9, $0x0, v50  }
0x59: {  	s25 =	sadd.s32 $0x40, s21;
	v56 =	vld [tilespmem:s21+$0x50];
	vm10 =	vlt.s32 v54, s20;
	[tilespmem:s21+$0x20] =	vst v2;
	v2 =	vnsel vm9, $0x40, v8  }
0x5a: {  	v57 =	vld [tilespmem:s21+$0x5150];
	[tilespmem:s21+$0x5120] =	vst v2;
	v2 =	vnsel vm10, $0x0, v3;
	v3 =	vor.u32 s25, v1  }
0x5b: {  	s26 =	sadd.s32 $0x50, s21;
	[tilespmem:s21+$0x30] =	vst v2;
	v2 =	vnsel vm10, $0x40, v52;
	vm11 =	vlt.s32 v3, s20;
	v3 =	vld [tilespmem:s21+$0x60]  }
0x5c: {  	v59 =	vld [tilespmem:s21+$0x5160];
	v58 =	vor.u32 s26, v1;
	[tilespmem:s21+$0x5130] =	vst v2;
	v2 =	vnsel vm11, $0x0, v53  }
0x5d: {  	s28 =	sadd.s32 $0x60, s21;
	v60 =	vld [tilespmem:s21+$0x70];
	vm12 =	vlt.s32 v58, s20;
	[tilespmem:s21+$0x40] =	vst v2;
	v2 =	vnsel vm11, $0x40, v55  }
0x5e: {  	v62 =	vld [tilespmem:s21+$0x5170];
	v61 =	vor.u32 s28, v1;
	[tilespmem:s21+$0x5140] =	vst v2;
	v2 =	vnsel vm12, $0x0, v56  }
0x5f: {  	s29 =	sadd.s32 $0x70, s21;
	vm13 =	vlt.s32 v61, s20;
	[tilespmem:s21+$0x50] =	vst v2;
	v2 =	vnsel vm12, $0x40, v57  }
0x60: {  	s30 =	sadd.s32 $0x80, s21;
	s26 =	sadd.s32 $0x7F, s20;
	[tilespmem:s21+$0x5150] =	vst v2;
	v2 =	vnsel vm13, $0x0, v3;
	v3 =	vor.u32 s29, v1  }
0x61: {  	s31 =	sand.u32 $0xFFFFFF80, s30;
	s24 =	sand.u32 $0x70, s21;
	s28 =	sand.u32 $0x7F, s26;
	[tilespmem:s21+$0x60] =	vst v2;
	v2 =	vnsel vm13, $0x40, v59;
	vm14 =	vlt.s32 v3, s20  }
0x62: {  	p6 =	slt.s32 s26, $0x1;
	p5 =	sne.s32 s28, $0x0;
	s29 =	sshra.s32 s26, $0x1F;
	[tilespmem:s21+$0x5160] =	vst v2;
	v2 =	vnsel vm14, $0x0, v60  }
0x63: {  	p1 =	por !p6, !p5;
	s25 =	sor.u32 s24, s31;
	s24 =	sshrl.u32 s29, $0x19;
	[tilespmem:s21+$0x70] =	vst v2;
	v2 =	vnsel vm14, $0x40, v62  }
0x64: {  	v63 =	vor.u32 s30, v1;
	s23 =	simm.s32 $0x1;
	p1 =	por !p1, !p1;
	s30 =	sadd.s32 s24, s26;
	[tilespmem:s21+$0x5170] =	vst v2  }
0x65: {  	s23 =	simm.s32 @!p1 $0x0;
	s31 =	sshra.s32 s30, $0x7;
	v2 =	vld [tilespmem:s25+$0x0]  }
0x66: {  	s22 =	ssub.s32 s31, s23;
	v3 =	vld [tilespmem:s25+$0x5100]  }
0x67: {  	p1 =	slt.s32 s22, $0x1  }
.Ltmp3:
0x68: {  	_ = 	snop;
	(pc) =	sbr.rel @p1 .LBB2_7-.Ltmp3, $4  }
0x69: {  	vm15 =	vlt.s32 v63, s20  }
0x6a: {  	v2 =	vnsel vm15, $0x0, v2  }
0x6b: {  	[tilespmem:s25+$0x0] =	vst v2;
	v2 =	vnsel vm15, $0x40, v3  }
0x6c: {  	[tilespmem:s25+$0x5100] =	vst v2  }
0x6d: {  	s20 =	simm.s32 $0x5140  }
0x6e: {  	v2 =	vld [tilespmem:s20+$0xFFFFFFC0];
	_ =	sdelay $0x4  }
0x6f: {  	[tilespmem:$0xA200] =	vst v2  }
0x70: {  	v2 =	vld [tilespmem:s20+$0xFFFFFFD0];
	_ =	sdelay $0x4  }
0x71: {  	[tilespmem:$0xA210] =	vst v2  }
0x72: {  	v2 =	vld [tilespmem:s20+$0xFFFFFFE0];
	_ =	sdelay $0x4  }
0x73: {  	[tilespmem:$0xA220] =	vst v2  }
0x74: {  	v2 =	vld [tilespmem:s20+$0xFFFFFFF0];
	_ =	sdelay $0x4  }
0x75: {  	[tilespmem:$0xA230] =	vst v2  }
0x76: {  	v2 =	vld [tilespmem:s20+$0x0];
	_ =	sdelay $0x4  }
0x77: {  	[tilespmem:$0xA240] =	vst v2  }
0x78: {  	v2 =	vld [tilespmem:s20+$0x10];
	_ =	sdelay $0x4  }
0x79: {  	[tilespmem:$0xA250] =	vst v2  }
0x7a: {  	v2 =	vld [tilespmem:s20+$0x20];
	_ =	sdelay $0x4  }
0x7b: {  	[tilespmem:$0xA260] =	vst v2  }
0x7c: {  	v2 =	vld [tilespmem:s20+$0x30];
	_ =	sdelay $0x4  }
0x7d: {  	s21 =	simm.s32 $0x0;
	[tilespmem:$0xA270] =	vst v2  }
0x7e: {  	[tilespmem:s17], [sflag:$0x1] =	stream.indirect.gather [hbm4b:s3+s10], $0x80, s21, s10, $0xb8;
	[tilespmem:$0xE680] =	vst v63  }
0x7f: {  	p1 =	sne.s32 s22, $0x1;
	_ =	swait.ge [sflag:s16], $0x4000  }
.Ltmp4:
0x80: {  	[sflag:s16] =	ssyncset.done $0x0;
	(pc) =	sbr.rel @!p1 .LBB2_6-.Ltmp4, $4  }
0x81: {  	[sflag:s16] =	ssyncadd.s32 $0xFFFFC000  }
0x82: {  	[spmem:s1] =	stream.indirect.scatter.add.f32 [tilespmem:s17], [sflag:$0x2], $0x80, s18, s10, $0xb8;
	[tilespmem:$0xE680] =	vst v63  }
0x83: {  	_ =	swait.ge [sflag:s12], $0x4000  }
0x84: {  	s22 =	sadd.s32 $0xFFFFFFFF, s22;
	[sflag:s12] =	ssyncset.done $0x0  }
.LBB2_5:
0x85: {  	[sflag:s12] =	ssyncadd.s32 $0xFFFFC000;
	s21 =	sadd.s32 $0x80, s21;
	s20 =	sadd.s32 $0x80, s20  }
0x86: {  	p1 =	sne.s32 s22, $0x1;
	s22 =	sadd.s32 $0xFFFFFFFF, s22;
	v2 =	vld [tilespmem:s20+$0xFFFFFFC0];
	_ =	sdelay $0x4  }
0x87: {  	[tilespmem:$0xA200] =	vst v2  }
0x88: {  	v2 =	vld [tilespmem:s20+$0xFFFFFFD0];
	_ =	sdelay $0x4  }
0x89: {  	[tilespmem:$0xA210] =	vst v2  }
0x8a: {  	v2 =	vld [tilespmem:s20+$0xFFFFFFE0];
	_ =	sdelay $0x4  }
0x8b: {  	[tilespmem:$0xA220] =	vst v2  }
0x8c: {  	v2 =	vld [tilespmem:s20+$0xFFFFFFF0];
	_ =	sdelay $0x4  }
0x8d: {  	[tilespmem:$0xA230] =	vst v2  }
0x8e: {  	v2 =	vld [tilespmem:s20+$0x0];
	_ =	sdelay $0x4  }
0x8f: {  	[tilespmem:$0xA240] =	vst v2  }
0x90: {  	v2 =	vld [tilespmem:s20+$0x10];
	_ =	sdelay $0x4  }
0x91: {  	[tilespmem:$0xA250] =	vst v2  }
0x92: {  	v2 =	vld [tilespmem:s20+$0x20];
	_ =	sdelay $0x4  }
0x93: {  	[tilespmem:$0xA260] =	vst v2  }
0x94: {  	v2 =	vld [tilespmem:s20+$0x30];
	_ =	sdelay $0x4  }
0x95: {  	[tilespmem:$0xA270] =	vst v2  }
0x96: {  	[tilespmem:s17], [sflag:$0x1] =	stream.indirect.gather [hbm4b:s3+s10], $0x80, s21, s10, $0xb8;
	[tilespmem:$0xE680] =	vst v63  }
0x97: {  	_ =	swait.ge [sflag:s16], $0x4000  }
.Ltmp5:
0x98: {  	[sflag:s16] =	ssyncset.done $0x0;
	(pc) =	sbr.rel @p1 .LBB2_5-.Ltmp5, $4  }
0x99: {  	[sflag:s16] =	ssyncadd.s32 $0xFFFFC000  }
0x9a: {  	[spmem:s1] =	stream.indirect.scatter.add.f32 [tilespmem:s17], [sflag:$0x2], $0x80, s18, s10, $0xb8;
	[tilespmem:$0xE680] =	vst v63  }
0x9b: {  	_ =	swait.ge [sflag:s12], $0x4000  }
0x9c: {  	[sflag:s12] =	ssyncset.done $0x0  }
.Ltmp6:
0x9d: {  	_ = 	snop;
	(pc) =	sbr.rel .LBB2_6-.Ltmp6, $1  }
0x9e: {  	_ =	sdelay $0x3  }
.LBB2_8:
0x9f: {  	_ =	sfence.sel $0x180000  }
0xa0: {  	[bflag:$0x0] =	sbarrier.arrive $0xFFFF  }
0xa1: {  	_ =	strace $0x9000004A  }
0xa2: {  	s0 =	sadd.s32 @!p0 $0x100000, s0;
	[bflag:$0x2] =	sbarrier.arrive $0xFFFF  }
0xa3: {  	[sflag:s0] =	ssyncadd.tile.s32 @!p0 $0x1;
	_ =	shalt  }
.Lfunc_end2:
_tile_overlayer_lowered:
.L_overlay_start_2:
0xa4: {  	(tag) =	ssettag $0x2  }
0xa5: {  	s0 =	rddreg [dreg:$0x0];
	s2 =	stileid.u32  }
0xa6: {  	s1 =	rddreg [dreg:$0x1];
	p0 =	sne.s32 s2, $0x0  }
0xa7: {  	s3 =	rddreg [dreg:$0x2];
	[bflag:$0x3] =	sbarrier.arrive $0xFFFF;
	s2 =	simm.s32 @!p0 $0x1C02  }
0xa8: {  	[timem:s3], [sflag:s2] =	dma.local @!p0 [hbm:s0], s1  }
0xa9: {  	s0 =	simm.s32 @!p0 $0x2  }
0xaa: {  	_ =	swait.ge @!p0 [sflag:s0], s1  }
0xab: {  	s1 =	ssub.s32 @!p0 $0x0, s1;
	[sflag:s0] =	ssyncset.done @!p0 $0x0  }
0xac: {  	[sflag:s0] =	ssyncadd.s32 @!p0 s1  }
0xad: {  	[bflag:$0x3] =	sbarrier.arrive $0xFFFF  }
0xae: {  	_ =	shalt  }

// kernel: kernel.7.cloned.1.call-start
scs
__scs_entry_jumppad:
0x0: {  	(pc) =	sbr.rel $0x88, $3  }
0x1: {  	(tag) =	ssettag $0x0;
	lr =	simm.s32 $0x1  }
0x2: {  	[smem:$0x3F98] =	sst lr;
	_ =	strace $0xD0000000  }
0x3: {  	_ = 	snop  }
0x4: {  	_ = 	snop  }
0x5: {  	_ = 	snop  }
0x6: {  	_ = 	snop  }
0x7: {  	_ = 	snop  }
__scs_overlays_trampoline_lowered:
0x8: {  	[smem:$0x3FA7] =	sst s0  }
0x9: {  	[smem:$0x3FA8] =	sst s1  }
0xa: {  	[smem:$0x3FA9] =	sst s2  }
0xb: {  	[smem:$0x3FAA] =	sst s3  }
0xc: {  	[smem:$0x3FAB] =	sst s4  }
0xd: {  	[smem:$0x3FAC] =	sst s5  }
0xe: {  	[smem:$0x3FAD] =	sst s6  }
0xf: {  	[smem:$0x3FAE] =	sst s7  }
0x10: {  	[smem:$0x3FAF] =	sst s8  }
0x11: {  	[smem:$0x3FB0] =	sst s9;
	s0 =	simm.s32 @!p0 $0x0  }
0x12: {  	s1 =	sld [smem:$0x3F96];
	s0 =	simm.s32 @p0 $0x1  }
0x13: {  	[smem:$0x3FB1] =	sst s0;
	s0 =	simm.s32 @!p1 $0x0  }
0x14: {  	s2 =	sld [smem:$0x3F95];
	s0 =	simm.s32 @p1 $0x1  }
0x15: {  	[smem:$0x3FB2] =	sst s0;
	s0 =	simm.s32 @!p2 $0x0  }
0x16: {  	s3 =	sld [smem:$0x3FDB];
	s0 =	simm.s32 @p2 $0x1  }
0x17: {  	s4 =	simm.s32 $0x1BF5;
	[smem:$0x3FB4] =	sst s0  }
0x18: {  	s0 =	sld [smem:$0x3F97];
	_ =	swait.ge [sflag:s4], $0x0  }
0x19: {  	s7 =	sld [smem:$0x3F98]  }
0x1a: {  	s8 =	sadd.s32 $0xFFFFE003, lr  }
0x1b: {  	s9 =	sadd.s32 $0xFFFFFEF7, lr;
	s5 =	simm.s32 $0xFFFFFFFF;
	p2 =	slt.u32 s8, $0xFFFFF086  }
0x1c: {  	p1 =	slt.u32 s9, $0xF7A;
	s5 =	simm.s32 @!p2 $0x0  }
0x1d: {  	s5 =	simm.s32 @p1 $0x1;
	p0 =	seq.s32 s7, s2  }
0x1e: {  	s7 =	smul.u32 @!p0 $0xF7A, s2;
	p2 =	seq.s32 @!p0 s5, $0x0  }
0x1f: {  	s9 =	smul.u32 $0xF7A, s1;
	s8 =	simm.s32 @!p0 $0x1BF5;
	p2 =	por !p2, p0  }
0x20: {  	[sflag:s8] =	ssyncset.s32 @!p0 $0xFFFFF086;
	s6 =	sadd.s32 @!p0 s3, s7;
	s7 =	simm.s32 @!p0 $0x108  }
0x21: {  	s3 =	sadd.s32 s3, s9;
	s6 =	sadd.s32 @!p0 $0x88, s6;
	s7 =	simm.s32 @p2 $0x1082  }
0x22: {  	[simem:s7], [sflag:s8] =	dma.local @!p0 [hbm:s6], $0xF7A  }
0x23: {  	s9 =	sor.u32 $0xD0000000, s2;
	s6 =	simm.s32 $0x108;
	_ =	swait.ge @!p0 [sflag:s8], $0x0  }
0x24: {  	s3 =	sadd.s32 $0x88, s3;
	s6 =	simm.s32 @!p1 $0x1082;
	[sflag:s4] =	ssyncset.s32 $0xFFFFF086  }
0x25: {  	[simem:s6], [sflag:s4] =	dma.local [hbm:s3], $0xF7A  }
0x26: {  	[smem:$0x3F98] =	sst s1;
	(tag) =	ssettag s2;
	_ =	strace s9  }
0x27: {  	s1 =	sld [smem:$0x3FA8]  }
0x28: {  	s2 =	sld [smem:$0x3FA9]  }
0x29: {  	s4 =	sld [smem:$0x3FAB]  }
0x2a: {  	p0 =	seq.s32 s5, $0x0;
	s5 =	sld [smem:$0x3FAC]  }
0x2b: {  	s6 =	sld [smem:$0x3FAD]  }
0x2c: {  	s7 =	sld [smem:$0x3FAE]  }
0x2d: {  	s3 =	simm.s32 $0x108;
	s8 =	sld [smem:$0x3FAF]  }
0x2e: {  	s3 =	simm.s32 @!p0 $0x1082;
	s9 =	sld [smem:$0x3FB0]  }
0x2f: {  	lr =	sadd.s32 s0, s3;
	s0 =	sld [smem:$0x3FA7]  }
0x30: {  	s3 =	sld [smem:$0x3FAA]  }
0x31: {  	[smem:$0x3FB3] =	sst s10  }
0x32: {  	s10 =	sld [smem:$0x3FB1];
	_ =	sdelay $0x3  }
0x33: {  	p0 =	seq.s32 s10, $0x1;
	s10 =	sld [smem:$0x3FB3];
	_ =	sdelay $0x3  }
0x34: {  	[smem:$0x3FB3] =	sst s10  }
0x35: {  	s10 =	sld [smem:$0x3FB2];
	_ =	sdelay $0x3  }
0x36: {  	p1 =	seq.s32 s10, $0x1;
	s10 =	sld [smem:$0x3FB3];
	_ =	sdelay $0x3  }
0x37: {  	[smem:$0x3FB3] =	sst s10  }
0x38: {  	s10 =	sld [smem:$0x3FB4]  }
0x39: {  	_ = 	snop;
	(pc) =	sbr.ind lr, $3  }
0x3a: {  	_ = 	snop  }
0x3b: {  	_ = 	snop  }
0x3c: {  	p2 =	seq.s32 s10, $0x1;
	s10 =	sld [smem:$0x3FB3]  }
0x3d: {  	_ =	shalt  }
0x3e: {  	_ =	shalt  }
0x3f: {  	_ =	shalt  }
0x40: {  	_ =	shalt  }
0x41: {  	_ =	shalt  }
0x42: {  	_ =	shalt  }
0x43: {  	_ =	shalt  }
0x44: {  	_ =	shalt  }
0x45: {  	_ =	shalt  }
0x46: {  	_ =	shalt  }
0x47: {  	_ =	shalt  }
0x48: {  	_ =	shalt  }
0x49: {  	_ =	shalt  }
0x4a: {  	_ =	shalt  }
0x4b: {  	_ =	shalt  }
0x4c: {  	_ =	shalt  }
0x4d: {  	_ =	shalt  }
0x4e: {  	_ =	shalt  }
0x4f: {  	_ =	shalt  }
0x50: {  	_ =	shalt  }
0x51: {  	_ =	shalt  }
0x52: {  	_ =	shalt  }
0x53: {  	_ =	shalt  }
0x54: {  	_ =	shalt  }
0x55: {  	_ =	shalt  }
0x56: {  	_ =	shalt  }
0x57: {  	_ =	shalt  }
0x58: {  	_ =	shalt  }
0x59: {  	_ =	shalt  }
0x5a: {  	_ =	shalt  }
0x5b: {  	_ =	shalt  }
0x5c: {  	_ =	shalt  }
0x5d: {  	_ =	shalt  }
0x5e: {  	_ =	shalt  }
0x5f: {  	_ =	shalt  }
0x60: {  	_ =	shalt  }
0x61: {  	_ =	shalt  }
0x62: {  	_ =	shalt  }
0x63: {  	_ =	shalt  }
0x64: {  	_ =	shalt  }
0x65: {  	_ =	shalt  }
0x66: {  	_ =	shalt  }
0x67: {  	_ =	shalt  }
0x68: {  	_ =	shalt  }
0x69: {  	_ =	shalt  }
0x6a: {  	_ =	shalt  }
0x6b: {  	_ =	shalt  }
0x6c: {  	_ =	shalt  }
0x6d: {  	_ =	shalt  }
0x6e: {  	_ =	shalt  }
0x6f: {  	_ =	shalt  }
0x70: {  	_ =	shalt  }
0x71: {  	_ =	shalt  }
0x72: {  	_ =	shalt  }
0x73: {  	_ =	shalt  }
0x74: {  	_ =	shalt  }
0x75: {  	_ =	shalt  }
0x76: {  	_ =	shalt  }
0x77: {  	_ =	shalt  }
0x78: {  	_ =	shalt  }
0x79: {  	_ =	shalt  }
0x7a: {  	_ =	shalt  }
0x7b: {  	_ =	shalt  }
0x7c: {  	_ =	shalt  }
0x7d: {  	_ =	shalt  }
0x7e: {  	_ =	shalt  }
0x7f: {  	_ =	shalt  }
0x80: {  	_ =	shalt  }
0x81: {  	_ =	shalt  }
0x82: {  	_ =	shalt  }
0x83: {  	_ =	shalt  }
0x84: {  	_ =	shalt  }
0x85: {  	_ =	shalt  }
0x86: {  	_ =	shalt  }
0x87: {  	_ =	shalt  }
.Lfunc_end0:
.L_simem_size_0:
called_computation_lowered:
.L_overlay_start_0:
0x88: {  	s2 =	sld [smem:$0x3FD9]  }
0x89: {  	s3 =	sld [smem:$0x3FFE];
	_ =	sdelay $0x1  }
0x8a: {  	s1 =	srdreg.scid  }
0x8b: {  	s0 =	sand.u32 $0x1, s1  }
0x8c: {  	s17 =	sshll.u32 s0, $0xA;
	s2 =	sadd.s32 s3, s2  }
0x8d: {  	s2 =	sadd.s32 s2, s17  }
0x8e: {  	[smem:$0x3FBF] =	sst s2  }
0x8f: {  	_ = 	snop  }
0x90: {  	s2 =	sld [smem:$0x3FD0];
	(tm) =	ssettm $0x1  }
0x91: {  	s18 =	sld [smem:$0x3FFB];
	_ =	sdelay $0x3  }
0x92: {  	_ =	strace s18  }
0x93: {  	s3 =	sld [smem:$0x3FFC];
	_ =	sdelay $0x3  }
0x94: {  	_ =	strace s3  }
0x95: {  	s3 =	sld [smem:$0x3FFD];
	_ =	sdelay $0x3  }
0x96: {  	_ =	strace s3  }
0x97: {  	_ =	strace $0x8FFFFFFF  }
0x98: {  	s19 =	sld [smem:$0x3FDB];
	_ =	sdelay $0x1  }
0x99: {  	s4 =	simm.s32 $_scs_section_size  }
0x9a: {  	s5 =	simm.s32 $_size__tile_overlayer_lowered;
	s6 =	simm.s32 $_tile_overlayer_lowered  }
0x9b: {  	s22 =	simm.s32 $0x1BFF;
	s21 =	sshll.u32 s6, $0x1;
	s3 =	sadd.s32 s4, s19  }
0x9c: {  	s7 =	simm.s32 $0x0;
	s20 =	sshll.u32 s5, $0x1;
	s5 =	sadd.s32 s21, s3  }
0x9d: {  	[timem:s7], [sflag:s22] =	dma.local [hbm:s5], s20  }
0x9e: {  	_ =	swait.ge [sflag:s22], s20  }
0x9f: {  	s4 =	ssub.s32 $0x0, s20;
	[sflag:s22] =	ssyncset.done $0x0  }
0xa0: {  	[sflag:s22] =	ssyncadd.s32 s4;
	_ =	sdelay $0x1  }
0xa1: {  	s23 =	simm.s32 $0x1B8B  }
0xa2: {  	_ =	swait.ge [sflag:s23], $0x1  }
0xa3: {  	[sflag:s23] =	ssyncset.done $0x0  }
0xa4: {  	s25 =	simm.s32 $0x1B8E;
	s24 =	sld [smem:$0x3FFE];
	[sflag:s23] =	ssyncadd.s32 $0xFFFFFFFF  }
0xa5: {  	s26 =	simm.s32 $execute0_lowered;
	[smem:$0x3FD2] =	sst s25  }
0xa6: {  	s5 =	sshll.u32 s26, $0x1;
	_ =	strace $0x80000046;
	[dreg:$0x1] =	wrdreg $0xFFFFFFFF  }
0xa7: {  	s28 =	simm.s32 $_size_execute0_lowered;
	s3 =	sadd.s32 s3, s5;
	[dreg:$0x0] =	wrdreg $0x0  }
0xa8: {  	s5 =	sshll.u32 s28, $0x1;
	[dreg:$0x2] =	wrdreg s3  }
0xa9: {  	[dreg:$0x3] =	wrdreg s5  }
0xaa: {  	[dreg:$0x4] =	wrdreg $0xC0  }
0xab: {  	_ =	task [dreg:s7], $0x5FFFF  }
0xac: {  	[dreg:$0x1] =	wrdreg $0xFFFFFFFF  }
0xad: {  	[dreg:$0x0] =	wrdreg $0x60  }
0xae: {  	[dreg:$0x2] =	wrdreg s24  }
0xaf: {  	[dreg:$0x3] =	wrdreg s2  }
0xb0: {  	[dreg:$0x4] =	wrdreg $0xBB000  }
0xb1: {  	[dreg:$0x5] =	wrdreg $0x1FB000  }
0xb2: {  	[dreg:$0x6] =	wrdreg $0x1FD800  }
0xb3: {  	[dreg:$0x7] =	wrdreg $0x9  }
0xb4: {  	_ =	task.clear_ibuf [dreg:s7], $0x8FFFF;
	_ =	strace $0x90000046  }
0xb5: {  	s29 =	simm.s32 $0x9;
	_ =	strace $0x80000048  }
0xb6: {  	_ =	swait.ge [sflag:s29], $0x1  }
0xb7: {  	[sflag:s29] =	ssyncadd.s32 $0xFFFFFFFF  }
0xb8: {  	_ =	strace $0x90000048  }
0xb9: {  	_ =	sfence  }
0xba: {  	s30 =	sld [smem:$0x0];
	_ =	sdelay $0x2  }
0xbb: {  	s31 =	sshll.u32 s1, $0xD;
	s1 =	sshrl.u32 s1, $0x2  }
0xbc: {  	s3 =	sand.u32 $0x4000, s31;
	s1 =	sadd.s32 s1, s30  }
0xbd: {  	s0 =	sor.u32 s3, s0;
	s1 =	sshll.u32 s1, $0x11  }
0xbe: {  	s0 =	sor.u32 s1, s0  }
0xbf: {  	s0 =	sadd.s32 $0x8F2B, s0  }
0xc0: {  	[sflag:s0] =	ssyncadd.remote.s32 $0x1  }
0xc1: {  	_ =	sfence.sel $0xFFFF  }
0xc2: {  	[dreg:$0x0] =	wrdreg $0xFFFFFFFF;
	(pc) =	sbr.abs _section_cstart, $3  }
0xc3: {  	[dreg:$0x1] =	wrdreg $0xFFFFFFFF  }
0xc4: {  	_ =	task.clear_ibuf [dreg:s7], $0x2FFFF;
	_ =	strace $0x9FFFFFFF  }
0xc5: {  	(tm) =	ssettm $0x7FFFFFFF  }
tec
execute0_lowered:
.L_overlay_start_1:
0x0: {  	(tag) =	ssettag $0x1  }
0x1: {  	s0 =	rddreg [dreg:$0x0]  }
0x2: {  	s2 =	rddreg [dreg:$0x2]  }
0x3: {  	s3 =	rddreg [dreg:$0x3]  }
0x4: {  	s4 =	rddreg [dreg:$0x4]  }
0x5: {  	s5 =	simm.s32 $0x0;
	s1 =	srdreg.scid;
	s14 =	stileid.u32  }
0x6: {  	s28 =	simm.s32 $0x80;
	s29 =	simm.s32 $0x400;
	s31 =	simm.s32 $0x1  }
0x7: {  	[smem:$0x7FF] =	sst s5;
	s1 =	sand.u32 $0x1, s1;
	s7 =	sadd.s32 $0x16400, s0  }
0x8: {  	s8 =	sadd.s32 $0xC400, s0;
	s9 =	smul.u32 $0x14000, s14;
	s10 =	sadd.s32 $0x2400, s0  }
0x9: {  	s11 =	sadd.s32 $0x3E400, s0;
	s22 =	smul.u32 $0x500, s14;
	s12 =	sadd.s32 $0x3EA00, s0  }
0xa: {  	s24 =	sadd.s32 $0x3EC00, s0;
	s13 =	smul.u32 $0x50000, s14;
	s15 =	sshrl.u32 s14, $0x2  }
0xb: {  	s17 =	sshll.u32 s14, $0x8;
	_ =	strace $0x80000047;
	[dreg:$0x7] =	wrdreg s11  }
0xc: {  	s18 =	sshll.u32 s14, $0x7;
	s6 =	smul.u32 $0x140000, s1;
	[dreg:$0x8] =	wrdreg s12  }
0xd: {  	s23 =	sshll.u32 s1, $0x7;
	[dreg:$0x9] =	wrdreg s24;
	s11 =	smul.u32 $0x280, s14  }
0xe: {  	s25 =	ssub.s32 $0x2, s1;
	s1 =	sshll.u32 s1, $0x4;
	s16 =	smul.u32 $0x14000, s15  }
0xf: {  	s26 =	sshrl.u32 s25, $0x1;
	s1 =	sor.u32 s14, s1;
	s13 =	sshrl.u32 s13, $0x2  }
0x10: {  	s6 =	sadd.s32 s9, s6;
	s9 =	sor.u32 s23, s22;
	s30 =	ssub.s32 s25, s26  }
0x11: {  	s12 =	sadd.s32 s13, s2;
	s15 =	sadd.s32 s11, s3;
	s13 =	sand.u32 $0x300, s17  }
0x12: {  	s1 =	sshrl.u32 s1, $0x3;
	s19 =	sadd.s32 s11, s4;
	s25 =	simm.s32 $0x7B00  }
0x13: {  	s6 =	sshrl.u32 s6, $0x3;
	s9 =	sshrl.u32 s9, $0x3;
	[dreg:$0xa] =	wrdreg s12  }
0x14: {  	[dreg:$0xb] =	wrdreg s15;
	s12 =	sor.u32 s13, s16;
	s1 =	smul.u32 $0x14000, s1  }
0x15: {  	s13 =	sand.u32 $0x380, s18;
	s26 =	smax.u32 s30, $0x1;
	[dreg:$0x6] =	wrdreg s25  }
0x16: {  	s30 =	sshrl.u32 s19, $0x3;
	s19 =	simm.s32 $0x2900;
	s6 =	sadd.s32 s6, s0  }
0x17: {  	s0 =	sadd.s32 s9, s0;
	s12 =	sshrl.u32 s12, $0x3;
	[dreg:$0x14] =	wrdreg s26  }
0x18: {  	[dreg:$0x15] =	wrdreg s30;
	s26 =	simm.s32 $0x7A80;
	s20 =	sadd.s32 s8, s12  }
0x19: {  	s21 =	sor.u32 $0x10, s12;
	s12 =	sadd.s32 s10, s12;
	[dreg:$0xc] =	wrdreg s20  }
0x1a: {  	s1 =	sor.u32 s13, s1;
	s24 =	sadd.s32 $0x41400, s6;
	[dreg:$0xd] =	wrdreg s12  }
0x1b: {  	s0 =	sadd.s32 $0x91400, s0;
	s6 =	simm.s32 $0x7980;
	[dreg:$0x12] =	wrdreg s24  }
.Ltmp0:
0x1c: {  	s22 =	sadd.s32 s8, s21;
	[dreg:$0x13] =	wrdreg s0;
	(pc) =	sbr.rel .LBB2_1-.Ltmp0, $4  }
0x1d: {  	s1 =	sshrl.u32 s1, $0x3;
	s23 =	sadd.s32 s10, s21;
	[dreg:$0xe] =	wrdreg s22  }
0x1e: {  	s24 =	simm.s32 $0x3;
	[dreg:$0xf] =	wrdreg s23;
	s8 =	sadd.s32 s8, s1  }
0x1f: {  	s0 =	simm.s32 $0x40;
	s1 =	sadd.s32 s10, s1;
	[dreg:$0x10] =	wrdreg s8  }
0x20: {  	v0 =	vimm.s32 $0x0;
	v1 =	vlaneseq.u32;
	s23 =	simm.s32 $0x5180;
	[dreg:$0x11] =	wrdreg s1;
	s1 =	simm.s32 $0x0  }
.LBB2_20:
0x21: {  	[sflag:s21] =	ssyncset.done @!p1 $0x0  }
0x22: {  	[sflag:s21] =	ssyncadd.s32 @!p1 $0xFFFFFFC0  }
0x23: {  	[tilespmem:s20], [sflag:$0x2] =	stream.indirect.gather @!p2 [hbm4b:s7+s19], $0x80, s14, s19, $0xb8;
	v63 =	vld [tilespmem:$0x0]  }
0x24: {  	s19 =	simm.s32 $0x2900  }
.LBB2_21:
0x25: {  	[bflag:$0x0] =	sbarrier.arrive $0xFFFF  }
0x26: {  	s12 =	rddreg [dreg:$0x12]  }
0x27: {  	[hbm:s12], [sflag:s8] =	dma.local [spmem:s9], $0x2800  }
0x28: {  	_ =	swait.ge [sflag:s24], $0x2800  }
0x29: {  	s25 =	simm.s32 $0x20;
	[sflag:s24] =	ssyncset.done $0x0  }
0x2a: {  	s13 =	simm.s32 $0x10;
	s22 =	rddreg [dreg:$0x13];
	[sflag:s24] =	ssyncadd.s32 $0xFFFFD800  }
0x2b: {  	[hbm:s22@s25], [sflag:s8] =	dma.strided [spmem:s10@s13], $0x50, s31, $0x10   }
0x2c: {  	_ =	swait.ge [sflag:s24], $0x50  }
0x2d: {  	s1 =	sadd.s32 $0x1, s1;
	s30 =	rddreg [dreg:$0x14]  }
0x2e: {  	p0 =	sne.s32 s1, s30  }
.Ltmp1:
0x2f: {  	_ = 	snop;
	(pc) =	sbr.rel @!p0 .LBB2_22-.Ltmp1, $3  }
0x30: {  	_ =	sdelay $0x1  }
0x31: {  	[sflag:s24] =	ssyncset.done $0x0  }
0x32: {  	[sflag:s24] =	ssyncadd.s32 $0xFFFFFFB0  }
.LBB2_1:
0x33: {  	s8 =	rddreg [dreg:$0x7]  }
0x34: {  	[tilespmem:s23], [sflag:$0x3] =	stream.linear.gather [hbm4b:s8+s5], $0x2800, $0x38;
	v63 =	vld [tilespmem:$0x0]  }
0x35: {  	_ =	swait.ge [sflag:s24], $0x2800  }
0x36: {  	[sflag:s24] =	ssyncset.done $0x0  }
0x37: {  	s20 =	stileid.u32;
	s18 =	rddreg [dreg:$0x8];
	[sflag:s24] =	ssyncadd.s32 $0xFFFFD800  }
0x38: {  	[tilespmem:s26], [sflag:$0x3] =	stream.linear.gather [hbm4b:s18+s5], $0x40, $0x38;
	v63 =	vld [tilespmem:$0x0]  }
0x39: {  	s8 =	sshll.u32 s20, $0x6;
	_ =	swait.ge [sflag:s24], $0x40  }
0x3a: {  	s8 =	sor.u32 $0x1C03, s8;
	[sflag:s24] =	ssyncset.done $0x0;
	s9 =	rddreg [dreg:$0xa]  }
0x3b: {  	s10 =	rddreg [dreg:$0x9];
	[sflag:s24] =	ssyncadd.s32 $0xFFFFFFC0;
	s9 =	sshrl.u32 s9, $0x3  }
0x3c: {  	[spmem:s9], [sflag:s8] =	dma.local [hbm:s10], $0x2800  }
0x3d: {  	_ =	swait.ge [sflag:s24], $0x2800  }
0x3e: {  	[sflag:s24] =	ssyncset.done $0x0  }
0x3f: {  	s21 =	rddreg [dreg:$0xb];
	[sflag:s24] =	ssyncadd.s32 $0xFFFFD800  }
0x40: {  	s10 =	sshrl.u32 s21, $0x3;
	s12 =	rddreg [dreg:$0x1]  }
0x41: {  	[spmem:s10], [sflag:s8] =	dma.local [hbm:s12], $0x50  }
0x42: {  	_ =	swait.ge [sflag:s24], $0x50  }
0x43: {  	[sflag:s24] =	ssyncset.done $0x0  }
0x44: {  	s13 =	rddreg [dreg:$0x15];
	[sflag:s24] =	ssyncadd.s32 $0xFFFFFFB0  }
0x45: {  	[spmem:s13], [sflag:s8] =	dma.local [hbm:s12], $0x50  }
0x46: {  	_ =	swait.ge [sflag:s24], $0x50  }
0x47: {  	[sflag:s24] =	ssyncset.done $0x0  }
0x48: {  	[sflag:s24] =	ssyncadd.s32 $0xFFFFFFB0  }
0x49: {  	[bflag:$0x0] =	sbarrier.arrive $0xFFFF  }
0x4a: {  	s22 =	rddreg [dreg:$0xc]  }
0x4b: {  	[tilespmem:s5], [sflag:$0x3] =	stream.strided.gather [hbm4b:s22+s28], $0x2800, s29, s28, $0x38;
	v63 =	vld [tilespmem:$0x0]  }
0x4c: {  	_ =	swait.ge [sflag:s24], $0x2800  }
0x4d: {  	[sflag:s24] =	ssyncset.done $0x0  }
0x4e: {  	s25 =	rddreg [dreg:$0xd];
	[sflag:s24] =	ssyncadd.s32 $0xFFFFD800  }
0x4f: {  	[tilespmem:s19], [sflag:$0x3] =	stream.strided.gather [hbm4b:s25+s28], $0x2800, s29, s28, $0x38;
	v63 =	vld [tilespmem:$0x0]  }
0x50: {  	_ =	swait.ge [sflag:s24], $0x2800  }
0x51: {  	[sflag:s24] =	ssyncset.done $0x0  }
0x52: {  	s30 =	simm.s32 $0x0;
	[sflag:s24] =	ssyncadd.s32 $0xFFFFD800  }
0x53: {  	v2 =	vld [tilespmem:s30+$0x2900];
	_ =	sdelay $0x7  }
0x54: {  	v2 =	vld.idx.msk [tilespmem:v2+s23+$0x0], $0xffff;
	_ =	sdelay $0x4  }
0x55: {  	vm0 =	vge.f32 v2, $0.0e+00  }
0x56: {  	v3 =	vld [tilespmem:s30+$0x0];
	v2 =	vsel vm0, $0x1, v0  }
0x57: {  	(xrf0) =	vadd.scan.msk.s32 $0xffff, v2;
	_ =	sdelay $0x3  }
0x58: {  	s14 =	simm.s32 $0x80;
	s13 =	simm.s32 $0x10;
	s12 =	simm.s32 $0x0;
	[tilespmem:s5+$0x0] =	vst.msk vm0, v3  }
.LBB2_2:
0x59: {  	p0 =	sne.s32 s14, $0x9FC0;
	v2 =	vld [tilespmem:s13+$0x2900]  }
0x5a: {  	v3, _, _ =	vpop (xrf0)  }
0x5b: {  	(v2sf) =	vpush v3, $0xF;
	_ =	sdelay $0x5  }
0x5c: {  	v2 =	vld.idx.msk [tilespmem:v2+s23+$0x0], $0xffff;
	_ =	sdelay $0x5  }
0x5d: {  	vm0 =	vge.f32 v2, $0.0e+00;
	v2 =	vld [tilespmem:s13+$0x0]  }
0x5e: {  	v3 =	vsel vm0, $0x1, v0  }
.Ltmp2:
0x5f: {  	(xrf0) =	vadd.scan.msk.s32 $0xffff, v3;
	(pc) =	sbr.rel @p0 .LBB2_2-.Ltmp2, $4  }
0x60: {  	s13 =	spop (v2sf)  }
0x61: {  	s12 =	sadd.s32 s12, s13  }
0x62: {  	[tilespmem:s12+$0x0] =	vst.msk vm0, v2  }
0x63: {  	s13 =	sshra.s32 s14, $0x2;
	s14 =	sadd.s32 $0x40, s14  }
0x64: {  	v2 =	vld [tilespmem:s13+$0x2900];
	_ =	sdelay $0x7  }
0x65: {  	v2 =	vld.idx.msk [tilespmem:v2+s23+$0x0], $0xffff;
	_ =	sdelay $0x4  }
0x66: {  	vm0 =	vge.f32 v2, $0.0e+00  }
0x67: {  	v2 =	vsel vm0, $0x1, v0  }
0x68: {  	(xrf0) =	vadd.scan.msk.s32 $0xffff, v2;
	_ =	sdelay $0x4  }
0x69: {  	v2, _, _ =	vpop (xrf0)  }
0x6a: {  	(v2sf) =	vpush v2, $0xF;
	v2, _, _ =	vpop (xrf0)  }
0x6b: {  	(v2sf) =	vpush v2, $0xF;
	_ =	sdelay $0xd  }
0x6c: {  	s14 =	spop (v2sf)  }
0x6d: {  	s12 =	sadd.s32 s12, s14;
	s18 =	spop (v2sf)  }
0x6e: {  	s14 =	sadd.s32 s12, s18  }
0x6f: {  	s15 =	sand.u32 $0xF, s14  }
0x70: {  	v2 =	vld [tilespmem:s13+$0x0];
	s20 =	sshra.s32 s14, $0x1F;
	p0 =	slt.s32 s14, $0x1;
	p1 =	sne.s32 s15, $0x0  }
0x71: {  	s13 =	sshrl.u32 s20, $0x1C;
	p0 =	por !p0, !p1  }
0x72: {  	s15 =	simm.s32 $0x1;
	s13 =	sadd.s32 s13, s14;
	p0 =	por !p0, !p0  }
0x73: {  	s13 =	sshrl.u32 s13, $0x4;
	s15 =	simm.s32 @!p0 $0x0  }
0x74: {  	s22 =	sadd.s32 $0x3F, s14;
	s13 =	ssub.s32 s13, s15  }
0x75: {  	[tilespmem:s12+$0x0] =	vst.msk vm0, v2;
	s18 =	sand.u32 $0x3F, s22;
	s25 =	sshra.s32 s22, $0x1F;
	s21 =	sshll.u32 s13, $0x4  }
0x76: {  	p6 =	slt.s32 s22, $0x1;
	p5 =	sne.s32 s18, $0x0;
	v2 =	vld [tilespmem:s21+$0x0];
	s13 =	sadd.s32 $0x10, s21  }
0x77: {  	p0 =	por !p6, !p5;
	v3 =	vld [tilespmem:s21+$0x10];
	v7 =	vor.u32 s13, v1;
	s13 =	sshrl.u32 s25, $0x1A  }
0x78: {  	p0 =	por !p0, !p0;
	s15 =	simm.s32 $0x1;
	v4 =	vld [tilespmem:s21+$0x20];
	s13 =	sadd.s32 s13, s22  }
0x79: {  	s15 =	simm.s32 @!p0 $0x0;
	v5 =	vor.u32 s21, v1;
	v6 =	vld [tilespmem:s21+$0x30];
	s13 =	sshra.s32 s13, $0x6  }
0x7a: {  	s16 =	sadd.s32 $0x20, s21;
	v61 =	vld [tilespmem:s21+$0x40];
	vm12 =	vlt.s32 v5, s14;
	s13 =	ssub.s32 s13, s15  }
0x7b: {  	s17 =	sadd.s32 $0x30, s21;
	v62 =	vor.u32 s16, v1;
	vm13 =	vlt.s32 v7, s14;
	v2 =	vnsel vm12, $0x0, v2;
	p0 =	slt.s32 s13, $0x1  }
.Ltmp3:
0x7c: {  	s30 =	sadd.s32 $0x40, s21;
	v8 =	vor.u32 s17, v1;
	vm14 =	vlt.s32 v62, s14;
	[tilespmem:s21+$0x0] =	vst v2;
	v2 =	vnsel vm13, $0x0, v3;
	(pc) =	sbr.rel @p0 .LBB2_7-.Ltmp3, $4  }
0x7d: {  	vm1 =	vlt.s32 v8, s14;
	v3 =	vor.u32 s30, v1;
	[tilespmem:s21+$0x10] =	vst v2;
	v2 =	vnsel vm14, $0x0, v4  }
0x7e: {  	vm15 =	vlt.s32 v3, s14;
	v3 =	vnsel vm1, $0x0, v6;
	[tilespmem:s21+$0x20] =	vst v2  }
0x7f: {  	[tilespmem:s21+$0x30] =	vst v3;
	v2 =	vnsel vm15, $0x0, v61  }
0x80: {  	s12 =	simm.s32 $0x20;
	[tilespmem:s21+$0x40] =	vst v2  }
0x81: {  	v2 =	vld [tilespmem:s12+$0xFFFFFFE0];
	_ =	sdelay $0x4  }
0x82: {  	[tilespmem:$0x7980] =	vst v2  }
0x83: {  	v2 =	vld [tilespmem:s12+$0xFFFFFFF0];
	_ =	sdelay $0x4  }
0x84: {  	[tilespmem:$0x7990] =	vst v2  }
0x85: {  	v2 =	vld [tilespmem:s12+$0x0];
	_ =	sdelay $0x4  }
0x86: {  	[tilespmem:$0x79A0] =	vst v2  }
0x87: {  	v2 =	vld [tilespmem:s12+$0x10];
	_ =	sdelay $0x2  }
0x88: {  	p0 =	sne.s32 s13, $0x1  }
.Ltmp4:
0x89: {  	_ = 	snop;
	(pc) =	sbr.rel @!p0 .LBB2_6-.Ltmp4, $4  }
0x8a: {  	[tilespmem:$0x79B0] =	vst v2  }
0x8b: {  	[spmem:s4] =	stream.indirect.scatter.add.f32 [tilespmem:s26], [sflag:$0x3], $0x1, s6, s0, $0xb8;
	v63 =	vld [tilespmem:$0x0]  }
0x8c: {  	_ =	swait.ge [sflag:s24], $0x40  }
0x8d: {  	s13 =	sadd.s32 $0xFFFFFFFF, s13;
	[sflag:s24] =	ssyncset.done $0x0  }
.LBB2_5:
0x8e: {  	p0 =	sne.s32 s13, $0x1;
	[sflag:s24] =	ssyncadd.s32 $0xFFFFFFC0;
	s12 =	sadd.s32 $0x40, s12  }
0x8f: {  	s13 =	sadd.s32 $0xFFFFFFFF, s13;
	v2 =	vld [tilespmem:s12+$0xFFFFFFE0];
	_ =	sdelay $0x4  }
0x90: {  	[tilespmem:$0x7980] =	vst v2  }
0x91: {  	v2 =	vld [tilespmem:s12+$0xFFFFFFF0];
	_ =	sdelay $0x4  }
0x92: {  	[tilespmem:$0x7990] =	vst v2  }
0x93: {  	v2 =	vld [tilespmem:s12+$0x0];
	_ =	sdelay $0x4  }
0x94: {  	[tilespmem:$0x79A0] =	vst v2  }
0x95: {  	v2 =	vld [tilespmem:s12+$0x10];
	_ =	sdelay $0x3  }
.Ltmp5:
0x96: {  	(pc) =	sbr.rel @p0 .LBB2_5-.Ltmp5, $4  }
0x97: {  	[tilespmem:$0x79B0] =	vst v2  }
0x98: {  	[spmem:s4] =	stream.indirect.scatter.add.f32 [tilespmem:s26], [sflag:$0x3], $0x1, s6, s0, $0xb8;
	v63 =	vld [tilespmem:$0x0]  }
0x99: {  	_ =	swait.ge [sflag:s24], $0x40  }
0x9a: {  	[sflag:s24] =	ssyncset.done $0x0  }
.LBB2_6:
0x9b: {  	[sflag:s24] =	ssyncadd.s32 $0xFFFFFFC0  }
.LBB2_7:
0x9c: {  	s12 =	simm.s32 $0x0;
	s13 =	rddreg [dreg:$0xe]  }
0x9d: {  	[tilespmem:s12], [sflag:$0x3] =	stream.strided.gather [hbm4b:s13+s28], $0x2800, s29, s28, $0x38;
	v63 =	vld [tilespmem:$0x0]  }
0x9e: {  	_ =	swait.ge [sflag:s24], $0x2800  }
0x9f: {  	[sflag:s24] =	ssyncset.done $0x0  }
0xa0: {  	s25 =	rddreg [dreg:$0xf];
	[sflag:s24] =	ssyncadd.s32 $0xFFFFD800  }
0xa1: {  	[tilespmem:s19], [sflag:$0x3] =	stream.strided.gather [hbm4b:s25+s28], $0x2800, s29, s28, $0x38;
	v63 =	vld [tilespmem:$0x0]  }
0xa2: {  	_ =	swait.ge [sflag:s24], $0x2800  }
0xa3: {  	[sflag:s24] =	ssyncset.done $0x0  }
0xa4: {  	s30 =	simm.s32 $0x0;
	[sflag:s24] =	ssyncadd.s32 $0xFFFFD800  }
0xa5: {  	v2 =	vld [tilespmem:s30+$0x2900];
	_ =	sdelay $0x7  }
0xa6: {  	v2 =	vld.idx.msk [tilespmem:v2+s23+$0x0], $0xffff;
	_ =	sdelay $0x4  }
0xa7: {  	vm0 =	vge.f32 v2, $0.0e+00  }
0xa8: {  	v3 =	vld [tilespmem:s30+$0x0];
	v2 =	vsel vm0, $0x1, v0  }
0xa9: {  	(xrf0) =	vadd.scan.msk.s32 $0xffff, v2;
	_ =	sdelay $0x3  }
0xaa: {  	s15 =	simm.s32 $0x10;
	s14 =	simm.s32 $0x80;
	s13 =	simm.s32 $0x0;
	[tilespmem:s12+$0x0] =	vst.msk vm0, v3  }
.LBB2_8:
0xab: {  	p0 =	sne.s32 s14, $0x9FC0;
	v2 =	vld [tilespmem:s15+$0x2900]  }
0xac: {  	v3, _, _ =	vpop (xrf0)  }
0xad: {  	(v2sf) =	vpush v3, $0xF;
	_ =	sdelay $0x5  }
0xae: {  	v2 =	vld.idx.msk [tilespmem:v2+s23+$0x0], $0xffff;
	_ =	sdelay $0x5  }
0xaf: {  	vm0 =	vge.f32 v2, $0.0e+00;
	v2 =	vld [tilespmem:s15+$0x0]  }
0xb0: {  	v3 =	vsel vm0, $0x1, v0  }
.Ltmp6:
0xb1: {  	(xrf0) =	vadd.scan.msk.s32 $0xffff, v3;
	(pc) =	sbr.rel @p0 .LBB2_8-.Ltmp6, $4  }
0xb2: {  	s15 =	spop (v2sf)  }
0xb3: {  	s13 =	sadd.s32 s13, s15  }
0xb4: {  	[tilespmem:s13+$0x0] =	vst.msk vm0, v2  }
0xb5: {  	s15 =	sshra.s32 s14, $0x2;
	s14 =	sadd.s32 $0x40, s14  }
0xb6: {  	v2 =	vld [tilespmem:s15+$0x2900];
	_ =	sdelay $0x4  }
0xb7: {  	v3, _, _ =	vpop (xrf0)  }
0xb8: {  	(v2sf) =	vpush v3, $0xF;
	_ =	sdelay $0x1  }
0xb9: {  	v2 =	vld.idx.msk [tilespmem:v2+s23+$0x0], $0xffff;
	_ =	sdelay $0x4  }
0xba: {  	vm0 =	vge.f32 v2, $0.0e+00  }
0xbb: {  	v2 =	vsel vm0, $0x1, v0  }
0xbc: {  	(xrf0) =	vadd.scan.msk.s32 $0xffff, v2;
	_ =	sdelay $0x2  }
0xbd: {  	v2 =	vld [tilespmem:s15+$0x0];
	_ =	sdelay $0x2  }
0xbe: {  	s18 =	sadd.s32 $0x0, s11;
	s14 =	spop (v2sf);
	v3, _, _ =	vpop (xrf0)  }
0xbf: {  	s12 =	sand.u32 $0x70, s12;
	s20 =	sand.u32 $0x7F80, s18;
	s14 =	sadd.s32 s13, s14;
	(v2sf) =	vpush v3, $0xF  }
0xc0: {  	s12 =	sor.u32 s12, s20;
	[tilespmem:s14+$0x0] =	vst.msk vm0, v2  }
0xc1: {  	v2 =	vld [tilespmem:s12+$0x5180];
	_ =	sdelay $0x4  }
0xc2: {  	vm0 =	vge.f32 v2, $0.0e+00  }
0xc3: {  	v2 =	vsel vm0, $0x1, v0  }
0xc4: {  	(xrf0) =	vadd.scan.msk.s32 $0xffff, v2;
	_ =	sdelay $0x5  }
0xc5: {  	s16 =	simm.s32 $0x10;
	s13 =	sadd.s32 $0x10, s11;
	v2, _, _ =	vpop (xrf0);
	s21 =	spop (v2sf)  }
0xc6: {  	s22 =	sand.u32 $0x70, s16;
	s25 =	sand.u32 $0x7F80, s13;
	v3 =	vor.u32 s18, v1;
	(v2sf) =	vpush v2, $0xF;
	s12 =	sadd.s32 s14, s21  }
0xc7: {  	s14 =	sor.u32 s22, s25;
	[tilespmem:s12+$0x0] =	vst.msk vm0, v3  }
0xc8: {  	v2 =	vld [tilespmem:s14+$0x5180];
	_ =	sdelay $0x4  }
0xc9: {  	vm0 =	vge.f32 v2, $0.0e+00  }
0xca: {  	v2 =	vsel vm0, $0x1, v0  }
0xcb: {  	(xrf0) =	vadd.scan.msk.s32 $0xffff, v2;
	_ =	sdelay $0x3  }
0xcc: {  	s30 =	simm.s32 $0x20  }
0xcd: {  	s16 =	sand.u32 $0x70, s30  }
0xce: {  	s15 =	simm.s32 $0x30;
	s14 =	sadd.s32 $0x20, s11;
	s17 =	spop (v2sf);
	v2, _, _ =	vpop (xrf0)  }
.LBB2_10:
0xcf: {  	p0 =	sne.s32 s15, $0x270;
	s18 =	sand.u32 $0x7F80, s14;
	v3 =	vor.u32 s13, v1;
	(v2sf) =	vpush v2, $0xF;
	s12 =	sadd.s32 s12, s17  }
0xd0: {  	s13 =	smov.u32 s14;
	s16 =	sor.u32 s16, s18;
	[tilespmem:s12+$0x0] =	vst.msk vm0, v3  }
0xd1: {  	v2 =	vld [tilespmem:s16+$0x5180];
	_ =	sdelay $0x4  }
0xd2: {  	vm0 =	vge.f32 v2, $0.0e+00  }
0xd3: {  	v2 =	vsel vm0, $0x1, v0  }
0xd4: {  	(xrf0) =	vadd.scan.msk.s32 $0xffff, v2;
	_ =	sdelay $0x1  }
.Ltmp7:
0xd5: {  	(pc) =	sbr.rel @p0 .LBB2_10-.Ltmp7, $3  }
0xd6: {  	_ =	sdelay $0x1  }
0xd7: {  	s16 =	sand.u32 $0x70, s15  }
0xd8: {  	s14 =	sadd.s32 s15, s11;
	s15 =	sadd.s32 $0x10, s15;
	v2, _, _ =	vpop (xrf0);
	s17 =	spop (v2sf)  }
0xd9: {  	s15 =	sand.u32 $0x7F80, s14;
	v3 =	vor.u32 s13, v1;
	s12 =	sadd.s32 s12, s17  }
0xda: {  	s20 =	sor.u32 s16, s15;
	[tilespmem:s12+$0x0] =	vst.msk vm0, v3  }
0xdb: {  	v3 =	vld [tilespmem:s20+$0x5180];
	_ =	sdelay $0x4  }
0xdc: {  	vm10 =	vge.f32 v3, $0.0e+00  }
0xdd: {  	v3 =	vsel vm10, $0x1, v0  }
0xde: {  	(xrf0) =	vadd.scan.msk.s32 $0xffff, v3;
	_ =	sdelay $0x5  }
0xdf: {  	(v2sf) =	vpush v2, $0xF;
	v2, _, _ =	vpop (xrf0)  }
0xe0: {  	(v2sf) =	vpush v2, $0xF;
	_ =	sdelay $0xd  }
0xe1: {  	s21 =	spop (v2sf)  }
0xe2: {  	s12 =	sadd.s32 s12, s21;
	s22 =	spop (v2sf)  }
0xe3: {  	s13 =	sadd.s32 s12, s22  }
0xe4: {  	s25 =	sand.u32 $0xF, s13  }
0xe5: {  	s30 =	sshra.s32 s13, $0x1F;
	p0 =	slt.s32 s13, $0x1;
	p1 =	sne.s32 s25, $0x0  }
0xe6: {  	s17 =	sshrl.u32 s30, $0x1C;
	p0 =	por !p0, !p1  }
0xe7: {  	s16 =	simm.s32 $0x1;
	s15 =	sadd.s32 s17, s13;
	p0 =	por !p0, !p0  }
0xe8: {  	s15 =	sshrl.u32 s15, $0x4;
	s16 =	simm.s32 @!p0 $0x0  }
0xe9: {  	v2 =	vor.u32 s14, v1;
	s18 =	ssub.s32 s15, s16  }
0xea: {  	[tilespmem:s12+$0x0] =	vst.msk vm10, v2;
	s12 =	sshll.u32 s18, $0x4  }
0xeb: {  	v2 =	vld [tilespmem:s12+$0x0]  }
0xec: {  	s20 =	sadd.s32 $0x3F, s13;
	v3 =	vld [tilespmem:s12+$0x10]  }
0xed: {  	s25 =	sshra.s32 s20, $0x1F  }
0xee: {  	p6 =	slt.s32 s20, $0x1;
	s18 =	sand.u32 $0x3F, s20;
	s14 =	sadd.s32 $0x10, s12;
	v5 =	vor.u32 s12, v1  }
0xef: {  	s15 =	simm.s32 $0x1;
	s21 =	sadd.s32 $0x20, s12;
	p5 =	sne.s32 s18, $0x0;
	v7 =	vor.u32 s14, v1;
	vm11 =	vlt.s32 v5, s13  }
0xf0: {  	s22 =	sadd.s32 $0x30, s12;
	s14 =	sshrl.u32 s25, $0x1A;
	p0 =	por !p6, !p5;
	vm12 =	vlt.s32 v7, s13;
	v2 =	vnsel vm11, $0x0, v2  }
0xf1: {  	v4 =	vld [tilespmem:s12+$0x20];
	s30 =	sadd.s32 $0x40, s12;
	s14 =	sadd.s32 s14, s20;
	p0 =	por !p0, !p0;
	[tilespmem:s12+$0x0] =	vst v2;
	v2 =	vnsel vm12, $0x0, v3;
	v3 =	vor.u32 s22, v1  }
0xf2: {  	v6 =	vld [tilespmem:s12+$0x30];
	v62 =	vor.u32 s21, v1;
	s14 =	sshra.s32 s14, $0x6;
	s15 =	simm.s32 @!p0 $0x0;
	vm14 =	vlt.s32 v3, s13;
	v3 =	vor.u32 s30, v1  }
0xf3: {  	v61 =	vld [tilespmem:s12+$0x40];
	vm13 =	vlt.s32 v62, s13;
	vm15 =	vlt.s32 v3, s13;
	s13 =	ssub.s32 s14, s15  }
0xf4: {  	p0 =	slt.s32 s13, $0x1  }
.Ltmp8:
0xf5: {  	_ = 	snop;
	(pc) =	sbr.rel @p0 .LBB2_15-.Ltmp8, $4  }
0xf6: {  	[tilespmem:s12+$0x10] =	vst v2;
	v2 =	vnsel vm13, $0x0, v4  }
0xf7: {  	[tilespmem:s12+$0x20] =	vst v2;
	v2 =	vnsel vm14, $0x0, v6  }
0xf8: {  	[tilespmem:s12+$0x30] =	vst v2;
	v2 =	vnsel vm15, $0x0, v61  }
0xf9: {  	[tilespmem:s12+$0x40] =	vst v2;
	s12 =	simm.s32 $0x20  }
0xfa: {  	v2 =	vld [tilespmem:s12+$0xFFFFFFE0];
	_ =	sdelay $0x4  }
0xfb: {  	[tilespmem:$0x7980] =	vst v2  }
0xfc: {  	v2 =	vld [tilespmem:s12+$0xFFFFFFF0];
	_ =	sdelay $0x4  }
0xfd: {  	[tilespmem:$0x7990] =	vst v2  }
0xfe: {  	v2 =	vld [tilespmem:s12+$0x0];
	_ =	sdelay $0x4  }
0xff: {  	[tilespmem:$0x79A0] =	vst v2  }
0x100: {  	v2 =	vld [tilespmem:s12+$0x10];
	_ =	sdelay $0x2  }
0x101: {  	p0 =	sne.s32 s13, $0x1  }
.Ltmp9:
0x102: {  	_ = 	snop;
	(pc) =	sbr.rel @!p0 .LBB2_14-.Ltmp9, $4  }
0x103: {  	[tilespmem:$0x79B0] =	vst v2  }
0x104: {  	[spmem:s4] =	stream.indirect.scatter.add.f32 [tilespmem:s26], [sflag:$0x3], $0x1, s6, s0, $0xb8;
	v63 =	vld [tilespmem:$0x0]  }
0x105: {  	_ =	swait.ge [sflag:s24], $0x40  }
0x106: {  	s13 =	sadd.s32 $0xFFFFFFFF, s13;
	[sflag:s24] =	ssyncset.done $0x0  }
.LBB2_13:
0x107: {  	p0 =	sne.s32 s13, $0x1;
	[sflag:s24] =	ssyncadd.s32 $0xFFFFFFC0;
	s12 =	sadd.s32 $0x40, s12  }
0x108: {  	s13 =	sadd.s32 $0xFFFFFFFF, s13;
	v2 =	vld [tilespmem:s12+$0xFFFFFFE0];
	_ =	sdelay $0x4  }
0x109: {  	[tilespmem:$0x7980] =	vst v2  }
0x10a: {  	v2 =	vld [tilespmem:s12+$0xFFFFFFF0];
	_ =	sdelay $0x4  }
0x10b: {  	[tilespmem:$0x7990] =	vst v2  }
0x10c: {  	v2 =	vld [tilespmem:s12+$0x0];
	_ =	sdelay $0x4  }
0x10d: {  	[tilespmem:$0x79A0] =	vst v2  }
0x10e: {  	v2 =	vld [tilespmem:s12+$0x10];
	_ =	sdelay $0x3  }
.Ltmp10:
0x10f: {  	(pc) =	sbr.rel @p0 .LBB2_13-.Ltmp10, $4  }
0x110: {  	[tilespmem:$0x79B0] =	vst v2  }
0x111: {  	[spmem:s4] =	stream.indirect.scatter.add.f32 [tilespmem:s26], [sflag:$0x3], $0x1, s6, s0, $0xb8;
	v63 =	vld [tilespmem:$0x0]  }
0x112: {  	_ =	swait.ge [sflag:s24], $0x40  }
0x113: {  	[sflag:s24] =	ssyncset.done $0x0  }
.LBB2_14:
0x114: {  	[sflag:s24] =	ssyncadd.s32 $0xFFFFFFC0  }
.LBB2_15:
0x115: {  	[bflag:$0x0] =	sbarrier.arrive $0xFFFF  }
0x116: {  	[tilespmem:s23], [sflag:$0x3] =	stream.linear.gather [spmem:s4], $0x2800, $0x38;
	v63 =	vld [tilespmem:$0x0]  }
0x117: {  	_ =	swait.ge [sflag:s24], $0x2800  }
0x118: {  	[sflag:s24] =	ssyncset.done $0x0  }
0x119: {  	s12 =	simm.s32 $0x0;
	s13 =	rddreg [dreg:$0x10];
	[sflag:s24] =	ssyncadd.s32 $0xFFFFD800  }
0x11a: {  	[tilespmem:s12], [sflag:$0x3] =	stream.strided.gather [hbm4b:s13+s28], $0x2800, s29, s28, $0x38;
	v63 =	vld [tilespmem:$0x0]  }
0x11b: {  	_ =	swait.ge [sflag:s24], $0x2800  }
0x11c: {  	[sflag:s24] =	ssyncset.done $0x0  }
0x11d: {  	s25 =	rddreg [dreg:$0x11];
	[sflag:s24] =	ssyncadd.s32 $0xFFFFD800  }
0x11e: {  	[tilespmem:s19], [sflag:$0x3] =	stream.strided.gather [hbm4b:s25+s28], $0x2800, s29, s28, $0x38;
	v63 =	vld [tilespmem:$0x0]  }
0x11f: {  	_ =	swait.ge [sflag:s24], $0x2800  }
0x120: {  	[sflag:s24] =	ssyncset.done $0x0  }
0x121: {  	s30 =	simm.s32 $0x0;
	[sflag:s24] =	ssyncadd.s32 $0xFFFFD800  }
0x122: {  	v2 =	vld [tilespmem:s30+$0x2900];
	_ =	sdelay $0x7  }
0x123: {  	v3 =	vld.idx.msk [tilespmem:v2+s23+$0x0], $0xffff;
	_ =	sdelay $0x4  }
0x124: {  	v4 =	vld [tilespmem:s30+$0x0];
	vm0 =	vgt.f32 v3, $0.0e+00  }
0x125: {  	v3 =	vsel vm0, $0x1, v0  }
0x126: {  	(xrf0) =	vadd.scan.msk.s32 $0xffff, v3;
	_ =	sdelay $0x2  }
0x127: {  	[tilespmem:s12+$0x0] =	vst.msk vm0, v4  }
0x128: {  	s14 =	simm.s32 $0x80;
	s13 =	simm.s32 $0x10;
	[tilespmem:s12+$0x2900] =	vst.msk vm0, v2  }
.LBB2_16:
0x129: {  	p0 =	sne.s32 s14, $0x9FC0;
	v2 =	vld [tilespmem:s13+$0x2900]  }
0x12a: {  	v3, _, _ =	vpop (xrf0)  }
0x12b: {  	(v2sf) =	vpush v3, $0xF;
	_ =	sdelay $0x5  }
0x12c: {  	v3 =	vld.idx.msk [tilespmem:v2+s23+$0x0], $0xffff;
	_ =	sdelay $0x5  }
0x12d: {  	vm0 =	vgt.f32 v3, $0.0e+00;
	v3 =	vld [tilespmem:s13+$0x0]  }
0x12e: {  	v4 =	vsel vm0, $0x1, v0  }
.Ltmp11:
0x12f: {  	(xrf0) =	vadd.scan.msk.s32 $0xffff, v4;
	(pc) =	sbr.rel @p0 .LBB2_16-.Ltmp11, $4  }
0x130: {  	s13 =	spop (v2sf)  }
0x131: {  	s12 =	sadd.s32 s12, s13  }
0x132: {  	[tilespmem:s12+$0x0] =	vst.msk vm0, v3  }
0x133: {  	s13 =	sshra.s32 s14, $0x2;
	s14 =	sadd.s32 $0x40, s14;
	[tilespmem:s12+$0x2900] =	vst.msk vm0, v2  }
0x134: {  	v2 =	vld [tilespmem:s13+$0x2900];
	_ =	sdelay $0x7  }
0x135: {  	v3 =	vld.idx.msk [tilespmem:v2+s23+$0x0], $0xffff;
	_ =	sdelay $0x4  }
0x136: {  	vm0 =	vgt.f32 v3, $0.0e+00  }
0x137: {  	v3 =	vsel vm0, $0x1, v0  }
0x138: {  	(xrf0) =	vadd.scan.msk.s32 $0xffff, v3;
	_ =	sdelay $0x4  }
0x139: {  	v3, _, _ =	vpop (xrf0)  }
0x13a: {  	(v2sf) =	vpush v3, $0xF;
	v3, _, _ =	vpop (xrf0)  }
0x13b: {  	(v2sf) =	vpush v3, $0xF;
	_ =	sdelay $0xd  }
0x13c: {  	s14 =	spop (v2sf)  }
0x13d: {  	s14 =	sadd.s32 s12, s14;
	s18 =	spop (v2sf)  }
0x13e: {  	s12 =	sadd.s32 s14, s18  }
0x13f: {  	v3 =	vld [tilespmem:s13+$0x0];
	s20 =	sand.u32 $0xF, s12  }
0x140: {  	s15 =	sshra.s32 s12, $0x1F;
	p0 =	slt.s32 s12, $0x1;
	p1 =	sne.s32 s20, $0x0  }
0x141: {  	s21 =	sshrl.u32 s15, $0x1C;
	p0 =	por !p0, !p1  }
0x142: {  	s15 =	simm.s32 $0x1;
	s13 =	sadd.s32 s21, s12;
	p0 =	por !p0, !p0  }
0x143: {  	s13 =	sshrl.u32 s13, $0x4;
	s15 =	simm.s32 @!p0 $0x0  }
0x144: {  	[tilespmem:s14+$0x0] =	vst.msk vm0, v3;
	s13 =	ssub.s32 s13, s15  }
0x145: {  	[tilespmem:s14+$0x2900] =	vst.msk vm0, v2;
	s13 =	sshll.u32 s13, $0x4  }
0x146: {  	v2 =	vld [tilespmem:s13+$0x0]  }
0x147: {  	v3 =	vld [tilespmem:s13+$0x2900]  }
0x148: {  	v4 =	vld [tilespmem:s13+$0x10]  }
0x149: {  	v5 =	vor.u32 s13, v1;
	v6 =	vld [tilespmem:s13+$0x2910]  }
0x14a: {  	s22 =	sadd.s32 $0x10, s13;
	v56 =	vld [tilespmem:s13+$0x20];
	vm11 =	vlt.s32 v5, s12  }
0x14b: {  	s30 =	sadd.s32 $0x3F, s12;
	v8 =	vld [tilespmem:s13+$0x2920];
	v7 =	vor.u32 s22, v1;
	v2 =	vnsel vm11, $0x0, v2  }
0x14c: {  	s16 =	sand.u32 $0x3F, s30;
	s25 =	sadd.s32 $0x20, s13;
	vm12 =	vlt.s32 v7, s12;
	[tilespmem:s13+$0x0] =	vst v2;
	v2 =	vnsel vm11, $0x2710, v3;
	v3 =	vld [tilespmem:s13+$0x30]  }
0x14d: {  	p3 =	slt.s32 s30, $0x1;
	p4 =	sne.s32 s16, $0x0;
	v58 =	vld [tilespmem:s13+$0x2930];
	v57 =	vor.u32 s25, v1;
	[tilespmem:s13+$0x2900] =	vst v2;
	v2 =	vnsel vm12, $0x0, v4  }
0x14e: {  	s18 =	sshra.s32 s30, $0x1F;
	p0 =	por !p3, !p4;
	s17 =	sadd.s32 $0x30, s13;
	v59 =	vld [tilespmem:s13+$0x40];
	vm13 =	vlt.s32 v57, s12;
	[tilespmem:s13+$0x10] =	vst v2;
	v2 =	vnsel vm12, $0x2710, v6  }
0x14f: {  	s15 =	sshrl.u32 s18, $0x1A;
	p0 =	por !p0, !p0;
	v61 =	vld [tilespmem:s13+$0x2940];
	v60 =	vor.u32 s17, v1;
	[tilespmem:s13+$0x2910] =	vst v2;
	v2 =	vnsel vm13, $0x0, v56  }
0x150: {  	s14 =	sadd.s32 s15, s30;
	s15 =	simm.s32 $0x1;
	s20 =	sadd.s32 $0x40, s13;
	vm14 =	vlt.s32 v60, s12;
	[tilespmem:s13+$0x20] =	vst v2;
	v2 =	vnsel vm13, $0x2710, v8  }
0x151: {  	s21 =	sshra.s32 s14, $0x6;
	s15 =	simm.s32 @!p0 $0x0;
	v62 =	vor.u32 s20, v1;
	[tilespmem:s13+$0x2920] =	vst v2;
	v2 =	vnsel vm14, $0x0, v3  }
0x152: {  	vm15 =	vlt.s32 v62, s12;
	s12 =	ssub.s32 s21, s15;
	[tilespmem:s13+$0x30] =	vst v2;
	v2 =	vnsel vm14, $0x2710, v58  }
0x153: {  	p0 =	slt.s32 s12, $0x1;
	[tilespmem:s13+$0x2930] =	vst v2;
	v2 =	vnsel vm15, $0x0, v59  }
0x154: {  	s22 =	sadd.s32 $0x1, s12;
	s14 =	simm.s32 @!p0 $0x0;
	[tilespmem:s13+$0x40] =	vst v2;
	v2 =	vnsel vm15, $0x2710, v61  }
0x155: {  	s15 =	simm.s32 @!p0 $0x7B00;
	p1 =	seq.s32 @!p0 s12, $0x1;
	[tilespmem:s13+$0x2940] =	vst v2;
	s13 =	simm.s32 @!p0 $0x40  }
0x156: {  	[tilespmem:s15], [sflag:$0x1] =	stream.indirect.gather @!p0 [hbm4b:s7+s13], $0x80, s14, s13, $0xb8;
	v63 =	vld [tilespmem:$0x0]  }
0x157: {  	p5 =	slt.s32 s12, $0x0;
	s25 =	sand.u32 $0x1, s22;
	p0 =	por p1, p0  }
0x158: {  	p6 =	seq.s32 s25, $0x1;
	s13 =	simm.s32 @!p0 $0x40;
	s14 =	simm.s32 @!p0 $0x9B00  }
0x159: {  	[tilespmem:s14], [sflag:$0x2] =	stream.indirect.gather @!p0 [hbm4b:s7+s13], $0x80, s13, s13, $0xb8;
	v63 =	vld [tilespmem:$0x0]  }
0x15a: {  	s30 =	sshrl.u32 s22, $0x1F;
	p0 =	por !p5, !p6  }
0x15b: {  	s13 =	sadd.s32 s30, s22;
	s14 =	simm.s32 $0x1;
	p0 =	por !p0, !p0  }
0x15c: {  	s13 =	sshra.s32 s13, $0x1;
	s14 =	simm.s32 @!p0 $0x0  }
0x15d: {  	s15 =	ssub.s32 s13, s14  }
0x15e: {  	p0 =	slt.s32 s15, $0x1  }
.Ltmp12:
0x15f: {  	_ = 	snop;
	(pc) =	sbr.rel @p0 .LBB2_21-.Ltmp12, $1  }
0x160: {  	_ =	sdelay $0x3  }
0x161: {  	_ =	swait.ge [sflag:s31], $0x2000  }
0x162: {  	[sflag:s31] =	ssyncset.done $0x0  }
0x163: {  	s13 =	simm.s32 $0x2920;
	[sflag:s31] =	ssyncadd.s32 $0xFFFFE000  }
0x164: {  	v2 =	vld [tilespmem:s13+$0xFFFFFFE0];
	_ =	sdelay $0x4  }
0x165: {  	[tilespmem:$0x7980] =	vst v2  }
0x166: {  	v2 =	vld [tilespmem:s13+$0xFFFFFFF0];
	_ =	sdelay $0x4  }
0x167: {  	[tilespmem:$0x7990] =	vst v2  }
0x168: {  	v2 =	vld [tilespmem:s13+$0x0];
	_ =	sdelay $0x4  }
0x169: {  	[tilespmem:$0x79A0] =	vst v2  }
0x16a: {  	v2 =	vld [tilespmem:s13+$0x10];
	_ =	sdelay $0x4  }
0x16b: {  	s14 =	rddreg [dreg:$0x6];
	[tilespmem:$0x79B0] =	vst v2  }
0x16c: {  	[spmem:s2] =	stream.indirect.scatter.add.f32 [tilespmem:s14], [sflag:$0x3], $0x80, s6, s0, $0xb8;
	v63 =	vld [tilespmem:$0x0]  }
0x16d: {  	_ =	swait.ge [sflag:s24], $0x2000  }
0x16e: {  	[sflag:s24] =	ssyncset.done $0x0  }
0x16f: {  	[sflag:s24] =	ssyncadd.s32 $0xFFFFE000  }
0x170: {  	[spmem:s3] =	stream.indirect.scatter.add.f32 [tilespmem:s26], [sflag:$0x3], $0x1, s6, s0, $0xb8;
	v63 =	vld [tilespmem:$0x0]  }
0x171: {  	p0 =	sle.s32 s12, $0x2;
	p1 =	sle.s32 s12, $0x1;
	_ =	swait.ge [sflag:s24], $0x40  }
0x172: {  	s16 =	simm.s32 @!p0 $0x40;
	s17 =	simm.s32 @!p0 $0x7B00;
	[sflag:s24] =	ssyncset.done $0x0  }
0x173: {  	s18 =	simm.s32 @!p1 $0x2;
	s14 =	simm.s32 @!p0 $0x80;
	[sflag:s24] =	ssyncadd.s32 $0xFFFFFFC0  }
0x174: {  	[tilespmem:s17], [sflag:$0x1] =	stream.indirect.gather @!p0 [hbm4b:s7+s16], $0x80, s14, s16, $0xb8;
	v63 =	vld [tilespmem:$0x0]  }
0x175: {  	_ =	swait.ge @!p1 [sflag:s18], $0x2000  }
0x176: {  	[sflag:s18] =	ssyncset.done @!p1 $0x0  }
0x177: {  	[sflag:s18] =	ssyncadd.s32 @!p1 $0xFFFFE000  }
0x178: {  	v2 =	vld @!p1 [tilespmem:s13+$0x20];
	_ =	sdelay $0x3  }
0x179: {  	s13 =	simm.s32 $0x40  }
0x17a: {  	s14 =	sor.u32 @!p1 $0x50, s13;
	[tilespmem:$0x7A00] =	vst @!p1 v2  }
0x17b: {  	v2 =	vld @!p1 [tilespmem:s14+$0x2900];
	_ =	sdelay $0x4  }
0x17c: {  	s14 =	sor.u32 @!p1 $0x60, s13;
	[tilespmem:$0x7A10] =	vst @!p1 v2  }
0x17d: {  	v2 =	vld @!p1 [tilespmem:s14+$0x2900];
	_ =	sdelay $0x4  }
0x17e: {  	s13 =	sor.u32 @!p1 $0x70, s13;
	[tilespmem:$0x7A20] =	vst @!p1 v2  }
0x17f: {  	v2 =	vld @!p1 [tilespmem:s13+$0x2900];
	_ =	sdelay $0x3  }
0x180: {  	s15 =	sadd.s32 $0xFFFFFFFF, s15;
	s21 =	simm.s32 @!p1 $0x3;
	p2 =	sle.s32 @!p1 s12, $0x3  }
0x181: {  	s16 =	simm.s32 @!p1 $0x40;
	s17 =	simm.s32 @!p1 $0x7A00;
	s14 =	simm.s32 @!p1 $0x9B00;
	[tilespmem:$0x7A30] =	vst @!p1 v2  }
0x182: {  	[spmem:s2] =	stream.indirect.scatter.add.f32 @!p1 [tilespmem:s14], [sflag:$0x3], $0x80, s17, s16, $0xb8;
	v63 =	vld [tilespmem:$0x0]  }
0x183: {  	p2 =	por p2, p1;
	p0 =	sne.s32 s15, $0x0;
	_ =	swait.ge @!p1 [sflag:s21], $0x2000  }
.Ltmp13:
0x184: {  	s19 =	simm.s32 @!p2 $0x40;
	[sflag:s21] =	ssyncset.done @!p1 $0x0;
	(pc) =	sbr.rel @!p0 .LBB2_20-.Ltmp13, $4  }
0x185: {  	s20 =	simm.s32 @!p2 $0x9B00;
	s18 =	simm.s32 @!p1 $0x7A80;
	[sflag:s21] =	ssyncadd.s32 @!p1 $0xFFFFE000  }
0x186: {  	[spmem:s3] =	stream.indirect.scatter.add.f32 @!p1 [tilespmem:s18], [sflag:$0x3], $0x1, s17, s16, $0xb8;
	v63 =	vld [tilespmem:$0x0]  }
0x187: {  	s13 =	simm.s32 $0x3;
	s14 =	simm.s32 $0xC0;
	s16 =	simm.s32 $0x29A0  }
0x188: {  	s17 =	simm.s32 $0x140;
	s18 =	simm.s32 $0xC0;
	_ =	swait.ge @!p1 [sflag:s21], $0x40  }
.LBB2_19:
0x189: {  	[sflag:s21] =	ssyncset.done @!p1 $0x0  }
0x18a: {  	[sflag:s21] =	ssyncadd.s32 @!p1 $0xFFFFFFC0  }
0x18b: {  	[tilespmem:s20], [sflag:$0x2] =	stream.indirect.gather @!p2 [hbm4b:s7+s19], $0x80, s14, s19, $0xb8;
	v63 =	vld [tilespmem:$0x0]  }
0x18c: {  	_ =	swait.ge [sflag:s31], $0x2000  }
0x18d: {  	[sflag:s31] =	ssyncset.done $0x0  }
0x18e: {  	[sflag:s31] =	ssyncadd.s32 $0xFFFFE000  }
0x18f: {  	v2 =	vld [tilespmem:s16+$0xFFFFFFE0];
	_ =	sdelay $0x4  }
0x190: {  	[tilespmem:$0x7980] =	vst v2  }
0x191: {  	v2 =	vld [tilespmem:s16+$0xFFFFFFF0];
	_ =	sdelay $0x4  }
0x192: {  	[tilespmem:$0x7990] =	vst v2  }
0x193: {  	v2 =	vld [tilespmem:s16+$0x0];
	_ =	sdelay $0x4  }
0x194: {  	[tilespmem:$0x79A0] =	vst v2  }
0x195: {  	v2 =	vld [tilespmem:s16+$0x10];
	_ =	sdelay $0x4  }
0x196: {  	s22 =	rddreg [dreg:$0x6];
	[tilespmem:$0x79B0] =	vst v2  }
0x197: {  	[spmem:s2] =	stream.indirect.scatter.add.f32 [tilespmem:s22], [sflag:$0x3], $0x80, s6, s0, $0xb8;
	v63 =	vld [tilespmem:$0x0]  }
0x198: {  	_ =	swait.ge [sflag:s24], $0x2000  }
0x199: {  	s13 =	sadd.s32 $0x2, s13;
	[sflag:s24] =	ssyncset.done $0x0  }
0x19a: {  	s25 =	sadd.s32 $0xFFFFFFFF, s13;
	s30 =	sadd.s32 $0xFFFFFFFE, s13;
	[sflag:s24] =	ssyncadd.s32 $0xFFFFE000  }
0x19b: {  	[spmem:s3] =	stream.indirect.scatter.add.f32 [tilespmem:s26], [sflag:$0x3], $0x1, s6, s0, $0xb8;
	v63 =	vld [tilespmem:$0x0]  }
0x19c: {  	p2 =	sge.s32 s25, s12;
	p1 =	sge.s32 s30, s12;
	_ =	swait.ge [sflag:s24], $0x40  }
0x19d: {  	s19 =	sadd.s32 @!p2 $0xFFFFFFC0, s17;
	s21 =	simm.s32 @!p2 $0x40;
	[sflag:s24] =	ssyncset.done $0x0  }
0x19e: {  	s25 =	simm.s32 @!p1 $0x2;
	s22 =	simm.s32 @!p2 $0x7B00;
	[sflag:s24] =	ssyncadd.s32 $0xFFFFFFC0  }
0x19f: {  	[tilespmem:s22], [sflag:$0x1] =	stream.indirect.gather @!p2 [hbm4b:s7+s21], $0x80, s19, s21, $0xb8;
	v63 =	vld [tilespmem:$0x0]  }
0x1a0: {  	_ =	swait.ge @!p1 [sflag:s25], $0x2000  }
0x1a1: {  	[sflag:s25] =	ssyncset.done @!p1 $0x0  }
0x1a2: {  	[sflag:s25] =	ssyncadd.s32 @!p1 $0xFFFFE000  }
0x1a3: {  	v2 =	vld @!p1 [tilespmem:s16+$0x20];
	_ =	sdelay $0x4  }
0x1a4: {  	s21 =	sor.u32 @!p1 $0x50, s18;
	[tilespmem:$0x7A00] =	vst @!p1 v2  }
0x1a5: {  	v2 =	vld @!p1 [tilespmem:s21+$0x2900];
	_ =	sdelay $0x4  }
0x1a6: {  	s21 =	sor.u32 @!p1 $0x60, s18;
	[tilespmem:$0x7A10] =	vst @!p1 v2  }
0x1a7: {  	v2 =	vld @!p1 [tilespmem:s21+$0x2900];
	_ =	sdelay $0x4  }
0x1a8: {  	s21 =	sor.u32 @!p1 $0x70, s18;
	[tilespmem:$0x7A20] =	vst @!p1 v2  }
0x1a9: {  	v2 =	vld @!p1 [tilespmem:s21+$0x2900];
	_ =	sdelay $0x1  }
0x1aa: {  	s15 =	sadd.s32 $0xFFFFFFFF, s15  }
0x1ab: {  	p0 =	sne.s32 s15, $0x0  }
0x1ac: {  	s14 =	smov.u32 s17;
	p3 =	sge.s32 @!p1 s13, s12;
	s30 =	simm.s32 @!p1 $0x9B00  }
0x1ad: {  	s22 =	simm.s32 @!p1 $0x40;
	s25 =	simm.s32 @!p1 $0x7A00;
	s21 =	simm.s32 @!p1 $0x3;
	[tilespmem:$0x7A30] =	vst @!p1 v2  }
0x1ae: {  	[spmem:s2] =	stream.indirect.scatter.add.f32 @!p1 [tilespmem:s30], [sflag:$0x3], $0x80, s25, s22, $0xb8;
	v63 =	vld [tilespmem:$0x0]  }
.Ltmp14:
0x1af: {  	p2 =	por p3, p1;
	_ =	swait.ge @!p1 [sflag:s21], $0x2000;
	(pc) =	sbr.rel @p0 .LBB2_19-.Ltmp14, $4  }
0x1b0: {  	s17 =	sadd.s32 $0x80, s17;
	s19 =	simm.s32 @!p2 $0x40;
	[sflag:s21] =	ssyncset.done @!p1 $0x0  }
0x1b1: {  	s20 =	simm.s32 @!p2 $0x9B00;
	s30 =	simm.s32 @!p1 $0x7A80;
	[sflag:s21] =	ssyncadd.s32 @!p1 $0xFFFFE000  }
0x1b2: {  	[spmem:s3] =	stream.indirect.scatter.add.f32 @!p1 [tilespmem:s30], [sflag:$0x3], $0x1, s25, s22, $0xb8;
	v63 =	vld [tilespmem:$0x0]  }
0x1b3: {  	s16 =	sadd.s32 $0x80, s16;
	s18 =	sadd.s32 $0x80, s18;
	_ =	swait.ge @!p1 [sflag:s21], $0x40  }
.Ltmp15:
0x1b4: {  	_ = 	snop;
	(pc) =	sbr.rel .LBB2_20-.Ltmp15, $1  }
0x1b5: {  	_ =	sdelay $0x3  }
.LBB2_22:
0x1b6: {  	_ =	sfence.sel $0x180000  }
0x1b7: {  	[bflag:$0x0] =	sbarrier.arrive $0xFFFF  }
0x1b8: {  	_ =	strace $0x90000047  }
0x1b9: {  	s0 =	stileid.u32;
	[bflag:$0x2] =	sbarrier.arrive $0xFFFF  }
0x1ba: {  	p0 =	sne.s32 s0, $0x0;
	s0 =	rddreg [dreg:$0x5]  }
0x1bb: {  	s0 =	sadd.s32 @!p0 $0x100000, s0  }
0x1bc: {  	[sflag:s0] =	ssyncadd.tile.s32 @!p0 $0x1;
	_ =	shalt  }
.Lfunc_end2:
_tile_overlayer_lowered:
.L_overlay_start_2:
0x1bd: {  	(tag) =	ssettag $0x2  }
0x1be: {  	s0 =	rddreg [dreg:$0x0];
	s2 =	stileid.u32  }
0x1bf: {  	s1 =	rddreg [dreg:$0x1];
	p0 =	sne.s32 s2, $0x0  }
0x1c0: {  	s3 =	rddreg [dreg:$0x2];
	[bflag:$0x3] =	sbarrier.arrive $0xFFFF;
	s2 =	simm.s32 @!p0 $0x1C03  }
0x1c1: {  	[timem:s3], [sflag:s2] =	dma.local @!p0 [hbm:s0], s1  }
0x1c2: {  	s0 =	simm.s32 @!p0 $0x3  }
0x1c3: {  	_ =	swait.ge @!p0 [sflag:s0], s1  }
0x1c4: {  	s1 =	ssub.s32 @!p0 $0x0, s1;
	[sflag:s0] =	ssyncset.done @!p0 $0x0  }
0x1c5: {  	[sflag:s0] =	ssyncadd.s32 @!p0 s1  }
0x1c6: {  	[bflag:$0x3] =	sbarrier.arrive $0xFFFF  }
0x1c7: {  	_ =	shalt  }

</sc_bundles>
